<compile_context>
chip_gen: v7x
topology: tpu7x:2x2x1
jax: 0.10.2.dev20260603
libtpu: 0.0.44.dev20260713+nightly
codegen_flags: <defaults>
</compile_context>

<pallas_src>
import functools
import jax
import jax.numpy as jnp
from jax import lax
from jax.experimental import pallas as pl
from jax.experimental.pallas import tpu as pltpu
from jax.experimental.pallas import tpu_sc as plsc

N = 10000
D = 128
E = 320000
ND8 = 1280
NC = 2
NS = 16
NW = NC * NS
EW = E // NW
BE = 16
NBLK = EW // BE


def _sc_gat_body(rows_hbm, s1_hbm, s2_hbm, src_hbm, dst_hbm, zeros_hbm,
                 num_hbm, den_hbm, shnum, shden, s1_v, s2_v, srcb, dstb,
                 dst8b, expb, g128, sden, sem):
    c = lax.axis_index("c")
    s = lax.axis_index("s")
    w = s * NC + c

    @pl.when(s < NS - 1)
    def _():
        pltpu.sync_copy(zeros_hbm.at[pl.ds(s * 640, 640)],
                        shnum.at[pl.ds(s * 640, 640)])

    @pl.when(s == NS - 1)
    def _():
        pltpu.sync_copy(zeros_hbm.at[pl.ds(9600, 400)],
                        shnum.at[pl.ds(9600, 400)])

    pltpu.sync_copy(zeros_hbm.at[pl.ds(s * 80, 80)],
                    shden.at[pl.ds(s * 80, 80)])
    pltpu.sync_copy(zeros_hbm.at[pl.ds(0, BE)], sden)
    pltpu.sync_copy(s1_hbm, s1_v)
    pltpu.sync_copy(s2_hbm, s2_v)
    plsc.subcore_barrier()

    lane = lax.broadcasted_iota(jnp.int32, (16,), 0)

    def block_body(b, carry):
        base = w * EW + b * BE
        pltpu.sync_copy(src_hbm.at[pl.ds(base, BE)], srcb)
        pltpu.sync_copy(dst_hbm.at[pl.ds(base, BE)], dstb)
        pltpu.async_copy(rows_hbm.at[srcb], g128, sem).wait()
        for k in range(BE // 16):
            dsts = dstb[pl.ds(16 * k, 16)]
            srcs = srcb[pl.ds(16 * k, 16)]
            e = plsc.load_gather(s1_v, [dsts]) + plsc.load_gather(s2_v, [srcs])
            e = jnp.where(e > 0.0, e, 0.2 * e)
            ev = jnp.exp(e)
            expb[pl.ds(16 * k, 16)] = ev
            dst8b[pl.ds(16 * k, 16)] = dsts // 8
            plsc.store_scatter(sden, [lane + 16 * k, (dsts % 8) * 16 + lane],
                               ev)

        pltpu.sync_copy(sden, shden.at[dst8b], add=True)
        for k in range(BE // 16):
            dsts = dstb[pl.ds(16 * k, 16)]
            plsc.store_scatter(sden, [lane + 16 * k, (dsts % 8) * 16 + lane],
                               jnp.zeros((16,), jnp.float32))

        def row_body(r, carry2):
            rfull = jnp.full((16,), r, jnp.int32)
            ev = plsc.load_gather(expb, [rfull])
            for j in range(D // 16):
                col = lane + 16 * j
                v = plsc.load_gather(g128, [rfull, col])
                plsc.store_scatter(g128, [rfull, col], v * ev)
            return carry2

        lax.fori_loop(0, BE, row_body, 0)
        pltpu.sync_copy(g128, shnum.at[dstb], add=True)
        return carry

    lax.fori_loop(0, NBLK, block_body, 0)
    plsc.subcore_barrier()
    @pl.when(s < NS - 1)
    def _():
        pltpu.sync_copy(shnum.at[pl.ds(s * 640, 640)],
                        num_hbm.at[c, pl.ds(s * 640, 640)])

    @pl.when(s == NS - 1)
    def _():
        pltpu.sync_copy(shnum.at[pl.ds(9600, 400)],
                        num_hbm.at[c, pl.ds(9600, 400)])

    pltpu.sync_copy(shden.at[pl.ds(s * 80, 80)],
                    den_hbm.at[c, pl.ds(s * 80, 80)])


def _sc_gat(rows, s1, s2, src, dst, zeros):
    mesh = plsc.VectorSubcoreMesh(core_axis_name="c", subcore_axis_name="s")
    f = pl.kernel(
        _sc_gat_body, mesh=mesh,
        compiler_params=pltpu.CompilerParams(needs_layout_passes=False),
        out_type=[
            jax.ShapeDtypeStruct((NC, N, D), jnp.float32),
            jax.ShapeDtypeStruct((NC, ND8, D), jnp.float32),
        ],
        scratch_types=[
            pltpu.VMEM_SHARED((N, D), jnp.float32),
            pltpu.VMEM_SHARED((ND8, D), jnp.float32),
            pltpu.VMEM((N,), jnp.float32),
            pltpu.VMEM((N,), jnp.float32),
            pltpu.VMEM((BE,), jnp.int32),
            pltpu.VMEM((BE,), jnp.int32),
            pltpu.VMEM((BE,), jnp.int32),
            pltpu.VMEM((BE,), jnp.float32),
            pltpu.VMEM((BE, D), jnp.float32),
            pltpu.VMEM((BE, D), jnp.float32),
            pltpu.SemaphoreType.DMA,
        ],
    )
    return f(rows, s1, s2, src, dst, zeros)


def _proj_body(x_ref, w_ref, a_ref, h_ref, s_ref):
    h = jnp.dot(x_ref[...], w_ref[...], preferred_element_type=jnp.float32)
    h_ref[...] = h
    s_ref[...] = jnp.dot(h, a_ref[...], preferred_element_type=jnp.float32)


def _tc_proj(x, W, A2):
    blk = 2000
    return pl.pallas_call(
        _proj_body,
        grid=(N // blk,),
        in_specs=[
            pl.BlockSpec((blk, D), lambda i: (i, 0)),
            pl.BlockSpec((D, D), lambda i: (0, 0)),
            pl.BlockSpec((D, 2), lambda i: (0, 0)),
        ],
        out_specs=[
            pl.BlockSpec((blk, D), lambda i: (i, 0)),
            pl.BlockSpec((blk, 2), lambda i: (i, 0)),
        ],
        out_shape=[
            jax.ShapeDtypeStruct((N, D), jnp.float32),
            jax.ShapeDtypeStruct((N, 2), jnp.float32),
        ],
    )(x, W, A2)


def _den_col(dref):
    dsum = dref[0] + dref[1]
    dsum = dsum.reshape(ND8, 8, 16).sum(axis=2).reshape(ND8 * 8, 1)
    return dsum[:N]


def _fuse_body(fn_ref, fd_ref, bn_ref, bd_ref, gw_ref, gb_ref, o_ref):
    fden = _den_col(fd_ref)
    bden = _den_col(bd_ref)
    fnum = fn_ref[0] + fn_ref[1]
    bnum = bn_ref[0] + bn_ref[1]
    feat = jnp.maximum(fnum / (fden + 1e-16), 0.0)
    bi = jnp.maximum(bnum / (bden + 1e-16), 0.0)
    gw = gw_ref[...]
    g = jax.nn.sigmoid(
        jnp.dot(feat, gw[:, :D].T, preferred_element_type=jnp.float32)
        + jnp.dot(bi, gw[:, D:].T, preferred_element_type=jnp.float32)
        + gb_ref[0, 0])
    o_ref[...] = g * feat + (1.0 - g) * bi


def _tc_fuse(fnum, fden, bnum, bden, gate_W, gate_b):
    blk = N
    return pl.pallas_call(
        _fuse_body,
        grid=(N // blk,),
        in_specs=[
            pl.BlockSpec((NC, blk, D), lambda i: (0, i, 0)),
            pl.BlockSpec((NC, ND8, D), lambda i: (0, 0, 0)),
            pl.BlockSpec((NC, blk, D), lambda i: (0, i, 0)),
            pl.BlockSpec((NC, ND8, D), lambda i: (0, 0, 0)),
            pl.BlockSpec((1, 2 * D), lambda i: (0, 0)),
            pl.BlockSpec((1, 1), lambda i: (0, 0)),
        ],
        out_specs=pl.BlockSpec((blk, D), lambda i: (i, 0)),
        out_shape=jax.ShapeDtypeStruct((N, D), jnp.float32),
    )(fnum, fden, bnum, bden, gate_W, gate_b.reshape(1, 1))


def kernel(drug_x, dis_x, drug_feat_src, drug_feat_dst, dis_feat_src,
           dis_feat_dst, d2d_src, d2d_dst, dr2ds_src, dr2ds_dst,
           W_drug_feat, a_drug_feat, W_dis_feat, a_dis_feat,
           W_bi_drug, W_bi_dis, a_bi_drug, a_bi_dis,
           gate_drug_W, gate_drug_b, gate_dis_W, gate_dis_b):
    i32 = jnp.int32
    idx = [x.astype(i32) for x in
           (drug_feat_src, drug_feat_dst, dis_feat_src, dis_feat_dst,
            d2d_src, d2d_dst, dr2ds_src, dr2ds_dst)]
    (df_src, df_dst, pf_src, pf_dst, bd_src, bd_dst, bs_src, bs_dst) = idx

    A2_df = jnp.concatenate([a_drug_feat[:D], a_drug_feat[D:]], axis=1)
    A2_pf = jnp.concatenate([a_dis_feat[:D], a_dis_feat[D:]], axis=1)
    A2_bd = jnp.concatenate([a_bi_drug[:D], a_bi_dis[D:]], axis=1)
    A2_bs = jnp.concatenate([a_bi_dis[:D], a_bi_drug[D:]], axis=1)

    h_df, s_df = _tc_proj(drug_x, W_drug_feat, A2_df)
    h_pf, s_pf = _tc_proj(dis_x, W_dis_feat, A2_pf)
    h_bd, s_bd = _tc_proj(drug_x, W_bi_drug, A2_bd)
    h_bs, s_bs = _tc_proj(dis_x, W_bi_dis, A2_bs)

    z = jnp.zeros((N, D), jnp.float32)
    n_fd, d_fd = _sc_gat(h_df, s_df[:, 0], s_df[:, 1], df_src, df_dst, z)
    n_fp, d_fp = _sc_gat(h_pf, s_pf[:, 0], s_pf[:, 1], pf_src, pf_dst, z)
    n_bd, d_bd = _sc_gat(h_bs, s_bd[:, 0], s_bs[:, 1], bd_src, bd_dst, z)
    n_bp, d_bp = _sc_gat(h_bd, s_bs[:, 0], s_bd[:, 1], bs_src, bs_dst, z)

    hd = _tc_fuse(n_fd, d_fd, n_bd, d_bd, gate_drug_W, gate_drug_b)
    hp = _tc_fuse(n_fp, d_fp, n_bp, d_bp, gate_dis_W, gate_dis_b)
    return jnp.stack([hd, hp], axis=0)

# --- scband reference (transcript-rebuilt; emitter-appended) ---
"""Pipeline reference for scband-bi-gatfusion-model-42434276885024 (READ-ONLY COPY).

The authoritative reference and input builder live on the scoring server;
editing this copy changes nothing except your own understanding.
"""

import jax, jax.numpy as jnp
import numpy as np

N_DRUG = 10000
N_DIS = 10000
D = 128
E = 320000


def _gat(x, W, a, src, dst, N):
    h = x @ W
    h_src = jnp.take(h, src, axis=0)
    h_dst = jnp.take(h, dst, axis=0)
    e = jax.nn.leaky_relu(jnp.concatenate([h_dst, h_src], axis=1) @ a, negative_slope=0.2)[:, 0]
    e = e - jnp.max(e)
    exp_e = jnp.exp(e)
    denom = jax.ops.segment_sum(exp_e, dst, num_segments=N)
    alpha = exp_e / (denom[dst] + 1e-16)
    out = jnp.zeros_like(h).at[dst].add(alpha[:, None] * h_src)
    return jax.nn.relu(out)


def _edge_softmax(src_h, dst_h, dst_idx, N, a):
    e = jax.nn.leaky_relu(jnp.concatenate([dst_h, src_h], axis=1) @ a, negative_slope=0.2)[:, 0]
    e = e - jnp.max(e)
    exp_e = jnp.exp(e)
    denom = jax.ops.segment_sum(exp_e, dst_idx, num_segments=N)
    return exp_e / (denom[dst_idx] + 1e-16)


def setup_inputs(seed: int = 0) -> dict:
    key = jax.random.key(seed)
    ks = jax.random.split(key, 24)
    s = 0.05
    inp = {}
    inp['drug_x'] = jax.random.normal(ks[0], (N_DRUG, D), jnp.float32)
    inp['dis_x'] = jax.random.normal(ks[1], (N_DIS, D), jnp.float32)
    inp['drug_feat_src'] = jax.random.randint(ks[2], (E,), 0, N_DRUG)
    inp['drug_feat_dst'] = jnp.sort(jax.random.randint(ks[3], (E,), 0, N_DRUG))
    inp['dis_feat_src'] = jax.random.randint(ks[4], (E,), 0, N_DIS)
    inp['dis_feat_dst'] = jnp.sort(jax.random.randint(ks[5], (E,), 0, N_DIS))
    inp['d2d_src'] = jax.random.randint(ks[6], (E,), 0, N_DIS)
    inp['d2d_dst'] = jnp.sort(jax.random.randint(ks[7], (E,), 0, N_DRUG))
    inp['dr2ds_src'] = jax.random.randint(ks[8], (E,), 0, N_DRUG)
    inp['dr2ds_dst'] = jnp.sort(jax.random.randint(ks[9], (E,), 0, N_DIS))
    inp['W_drug_feat'] = jax.random.normal(ks[10], (D, D), jnp.float32) * s
    inp['a_drug_feat'] = jax.random.normal(ks[11], (2 * D, 1), jnp.float32) * s
    inp['W_dis_feat'] = jax.random.normal(ks[12], (D, D), jnp.float32) * s
    inp['a_dis_feat'] = jax.random.normal(ks[13], (2 * D, 1), jnp.float32) * s
    inp['W_bi_drug'] = jax.random.normal(ks[14], (D, D), jnp.float32) * s
    inp['W_bi_dis'] = jax.random.normal(ks[15], (D, D), jnp.float32) * s
    inp['a_bi_drug'] = jax.random.normal(ks[16], (2 * D, 1), jnp.float32) * s
    inp['a_bi_dis'] = jax.random.normal(ks[17], (2 * D, 1), jnp.float32) * s
    inp['gate_drug_W'] = jax.random.normal(ks[18], (1, 2 * D), jnp.float32) * s
    inp['gate_drug_b'] = jnp.zeros((1,), jnp.float32)
    inp['gate_dis_W'] = jax.random.normal(ks[19], (1, 2 * D), jnp.float32) * s
    inp['gate_dis_b'] = jnp.zeros((1,), jnp.float32)
    return inp


def reference(drug_x, dis_x, drug_feat_src, drug_feat_dst, dis_feat_src, dis_feat_dst,
              d2d_src, d2d_dst, dr2ds_src, dr2ds_dst,
              W_drug_feat, a_drug_feat, W_dis_feat, a_dis_feat,
              W_bi_drug, W_bi_dis, a_bi_drug, a_bi_dis,
              gate_drug_W, gate_drug_b, gate_dis_W, gate_dis_b):
    n_drug = drug_x.shape[0]
    n_dis = dis_x.shape[0]
    # homogeneous feature-similarity GAT on each side
    drug_feat = _gat(drug_x, W_drug_feat, a_drug_feat, drug_feat_src, drug_feat_dst, n_drug)
    dis_feat = _gat(dis_x, W_dis_feat, a_dis_feat, dis_feat_src, dis_feat_dst, n_dis)
    # bipartite GAT
    h_drug = drug_x @ W_bi_drug
    h_dis = dis_x @ W_bi_dis
    src_hd = jnp.take(h_dis, d2d_src, axis=0)
    dst_hd = jnp.take(h_drug, d2d_dst, axis=0)
    alpha_d = _edge_softmax(src_hd, dst_hd, d2d_dst, n_drug, a_bi_drug)
    drug_bi = jax.nn.relu(jnp.zeros_like(h_drug).at[d2d_dst].add(alpha_d[:, None] * src_hd))
    src_hp = jnp.take(h_drug, dr2ds_src, axis=0)
    dst_hp = jnp.take(h_dis, dr2ds_dst, axis=0)
    alpha_p = _edge_softmax(src_hp, dst_hp, dr2ds_dst, n_dis, a_bi_dis)
    dis_bi = jax.nn.relu(jnp.zeros_like(h_dis).at[dr2ds_dst].add(alpha_p[:, None] * src_hp))
    # gated fusion of feature-GAT and bipartite-GAT branches
    g_d = jax.nn.sigmoid(jnp.concatenate([drug_feat, drug_bi], axis=1) @ gate_drug_W.T + gate_drug_b)
    hd = g_d * drug_feat + (1.0 - g_d) * drug_bi
    g_p = jax.nn.sigmoid(jnp.concatenate([dis_feat, dis_bi], axis=1) @ gate_dis_W.T + gate_dis_b)
    hp = g_p * dis_feat + (1.0 - g_p) * dis_bi
    return jnp.stack([hd, hp], axis=0)

if __name__ == "__main__":
    import jax
    _d = setup_inputs()
    print(jax.jit(kernel)(*tuple(_d.values())))

</pallas_src>

<mosaic_0001>
#map = affine_map<(d0, d1) -> (0, 0)>
#map1 = affine_map<(d0, d1) -> (0)>
#map2 = affine_map<(d0, d1) -> (0, 0, 0)>
module attributes {stable_mosaic.version = 14 : i64} {
  func.func @_sc_gat_body(%arg0: i32, %arg1: i32, %arg2: memref<10000x128xf32, #tpu.memory_space<hbm>>, %arg3: memref<10000xf32, #tpu.memory_space<hbm>>, %arg4: memref<10000xf32, #tpu.memory_space<hbm>>, %arg5: memref<320000xi32, #tpu.memory_space<hbm>>, %arg6: memref<320000xi32, #tpu.memory_space<hbm>>, %arg7: memref<10000x128xf32, #tpu.memory_space<hbm>>, %arg8: memref<2x10000x128xf32, #tpu.memory_space<hbm>>, %arg9: memref<2x1280x128xf32, #tpu.memory_space<hbm>>, %arg10: memref<10000x128xf32, #tpu.memory_space<vmem_shared>>, %arg11: memref<1280x128xf32, #tpu.memory_space<vmem_shared>>, %arg12: memref<10000xf32, #tpu.memory_space<vmem>>, %arg13: memref<10000xf32, #tpu.memory_space<vmem>>, %arg14: memref<16xi32, #tpu.memory_space<vmem>>, %arg15: memref<16xi32, #tpu.memory_space<vmem>>, %arg16: memref<16xi32, #tpu.memory_space<vmem>>, %arg17: memref<16xf32, #tpu.memory_space<vmem>>, %arg18: memref<16x128xf32, #tpu.memory_space<vmem>>, %arg19: memref<16x128xf32, #tpu.memory_space<vmem>>, %arg20: memref<!tpu.dma_semaphore, #tpu.memory_space<semaphore_mem>>) attributes {dimension_semantics = [#tpu.dimension_semantics<core_parallel>, #tpu.dimension_semantics<subcore_parallel>], iteration_bounds = array<i64: 2, 16>, scalar_prefetch = 0 : i64, scratch_operands = 11 : i64, tpu.core_type = #tpu.core_type<sc_vector_subcore>, window_params = [{transform_indices = #map}, {transform_indices = #map1}, {transform_indices = #map1}, {transform_indices = #map1}, {transform_indices = #map1}, {transform_indices = #map}, {transform_indices = #map2}, {transform_indices = #map2}]} {
    %mul3A = arith.constant 2 : i32
    %mul3A_0 = arith.muli %arg1, %mul3A : i32
    %add3A = arith.addi %mul3A_0, %arg0 : i32
    %lt3A = arith.constant 15 : i32
    %lt3A_1 = arith.cmpi slt, %arg1, %lt3A : i32
    %convert_element_type3A = arith.extui %lt3A_1 : i1 to i32
    %cond3A = arith.constant 0 : i32
    %cond3A_2 = arith.cmpi ne, %convert_element_type3A, %cond3A : i32
    scf.if %cond3A_2 {
      %mul3A_31 = arith.constant 640 : i32
      %mul3A_32 = arith.muli %arg1, %mul3A_31 : i32
      %mul3A_33 = arith.constant 640 : i32
      %mul3A_34 = arith.muli %arg1, %mul3A_33 : i32
      "tpu.region"() ({
        %run_scoped3A = tpu.sem_alloc : memref<!tpu.dma_semaphore, #tpu.memory_space<semaphore_mem>>
        %dma_start3A = arith.constant 0 : i32
        %dma_start3A_35 = tpu.memref_slice %arg10[%mul3A_34, %dma_start3A] : memref<10000x128xf32, #tpu.memory_space<vmem_shared>> -> memref<640x128xf32, #tpu.memory_space<vmem_shared>>
        %dma_start3A_36 = arith.constant 0 : i32
        %dma_start3A_37 = tpu.memref_slice %arg7[%mul3A_32, %dma_start3A_36] : memref<10000x128xf32, #tpu.memory_space<hbm>> -> memref<640x128xf32, #tpu.memory_space<hbm>>
        tpu.enqueue_dma source(%dma_start3A_37 : memref<640x128xf32, #tpu.memory_space<hbm>>) target(%dma_start3A_35 : memref<640x128xf32, #tpu.memory_space<vmem_shared>>) target_semaphore(%run_scoped3A : memref<!tpu.dma_semaphore, #tpu.memory_space<semaphore_mem>>)
        %dma_wait3A = arith.constant 0 : i32
        %dma_wait3A_38 = tpu.memref_slice %arg10[%mul3A_34, %dma_wait3A] : memref<10000x128xf32, #tpu.memory_space<vmem_shared>> -> memref<640x128xf32, #tpu.memory_space<vmem_shared>>
        %dma_wait3A_39 = arith.constant 0 : i32
        %dma_wait3A_40 = tpu.memref_slice %arg7[%mul3A_32, %dma_wait3A_39] : memref<10000x128xf32, #tpu.memory_space<hbm>> -> memref<640x128xf32, #tpu.memory_space<hbm>>
        tpu.wait_dma2 semaphore(%run_scoped3A : memref<!tpu.dma_semaphore, #tpu.memory_space<semaphore_mem>>) src(%dma_wait3A_40 : memref<640x128xf32, #tpu.memory_space<hbm>>) dst(%dma_wait3A_38 : memref<640x128xf32, #tpu.memory_space<vmem_shared>>)
        tpu.yield
      }) : () -> ()
    } else {
    }
    %eq3A = arith.constant 15 : i32
    %eq3A_3 = arith.cmpi eq, %arg1, %eq3A : i32
    %convert_element_type3A_4 = arith.extui %eq3A_3 : i1 to i32
    %cond3A_5 = arith.constant 0 : i32
    %cond3A_6 = arith.cmpi ne, %convert_element_type3A_4, %cond3A_5 : i32
    scf.if %cond3A_6 {
      "tpu.region"() ({
        %run_scoped3A = tpu.sem_alloc : memref<!tpu.dma_semaphore, #tpu.memory_space<semaphore_mem>>
        %dma_start3A = arith.constant 9600 : i32
        %dma_start3A_31 = arith.constant 0 : i32
        %dma_start3A_32 = tpu.memref_slice %arg10[%dma_start3A, %dma_start3A_31] : memref<10000x128xf32, #tpu.memory_space<vmem_shared>> -> memref<400x128xf32, #tpu.memory_space<vmem_shared>>
        %dma_start3A_33 = arith.constant 9600 : i32
        %dma_start3A_34 = arith.constant 0 : i32
        %dma_start3A_35 = tpu.memref_slice %arg7[%dma_start3A_33, %dma_start3A_34] : memref<10000x128xf32, #tpu.memory_space<hbm>> -> memref<400x128xf32, #tpu.memory_space<hbm>>
        tpu.enqueue_dma source(%dma_start3A_35 : memref<400x128xf32, #tpu.memory_space<hbm>>) target(%dma_start3A_32 : memref<400x128xf32, #tpu.memory_space<vmem_shared>>) target_semaphore(%run_scoped3A : memref<!tpu.dma_semaphore, #tpu.memory_space<semaphore_mem>>)
        %dma_wait3A = arith.constant 9600 : i32
        %dma_wait3A_36 = arith.constant 0 : i32
        %dma_wait3A_37 = tpu.memref_slice %arg10[%dma_wait3A, %dma_wait3A_36] : memref<10000x128xf32, #tpu.memory_space<vmem_shared>> -> memref<400x128xf32, #tpu.memory_space<vmem_shared>>
        %dma_wait3A_38 = arith.constant 9600 : i32
        %dma_wait3A_39 = arith.constant 0 : i32
        %dma_wait3A_40 = tpu.memref_slice %arg7[%dma_wait3A_38, %dma_wait3A_39] : memref<10000x128xf32, #tpu.memory_space<hbm>> -> memref<400x128xf32, #tpu.memory_space<hbm>>
        tpu.wait_dma2 semaphore(%run_scoped3A : memref<!tpu.dma_semaphore, #tpu.memory_space<semaphore_mem>>) src(%dma_wait3A_40 : memref<400x128xf32, #tpu.memory_space<hbm>>) dst(%dma_wait3A_37 : memref<400x128xf32, #tpu.memory_space<vmem_shared>>)
        tpu.yield
      }) : () -> ()
    } else {
    }
    %mul3A_7 = arith.constant 80 : i32
    %mul3A_8 = arith.muli %arg1, %mul3A_7 : i32
    %mul3A_9 = arith.constant 80 : i32
    %mul3A_10 = arith.muli %arg1, %mul3A_9 : i32
    "tpu.region"() ({
      %run_scoped3A = tpu.sem_alloc : memref<!tpu.dma_semaphore, #tpu.memory_space<semaphore_mem>>
      %dma_start3A = arith.constant 0 : i32
      %dma_start3A_31 = tpu.memref_slice %arg11[%mul3A_10, %dma_start3A] : memref<1280x128xf32, #tpu.memory_space<vmem_shared>> -> memref<80x128xf32, #tpu.memory_space<vmem_shared>>
      %dma_start3A_32 = arith.constant 0 : i32
      %dma_start3A_33 = tpu.memref_slice %arg7[%mul3A_8, %dma_start3A_32] : memref<10000x128xf32, #tpu.memory_space<hbm>> -> memref<80x128xf32, #tpu.memory_space<hbm>>
      tpu.enqueue_dma source(%dma_start3A_33 : memref<80x128xf32, #tpu.memory_space<hbm>>) target(%dma_start3A_31 : memref<80x128xf32, #tpu.memory_space<vmem_shared>>) target_semaphore(%run_scoped3A : memref<!tpu.dma_semaphore, #tpu.memory_space<semaphore_mem>>)
      %dma_wait3A = arith.constant 0 : i32
      %dma_wait3A_34 = tpu.memref_slice %arg11[%mul3A_10, %dma_wait3A] : memref<1280x128xf32, #tpu.memory_space<vmem_shared>> -> memref<80x128xf32, #tpu.memory_space<vmem_shared>>
      %dma_wait3A_35 = arith.constant 0 : i32
      %dma_wait3A_36 = tpu.memref_slice %arg7[%mul3A_8, %dma_wait3A_35] : memref<10000x128xf32, #tpu.memory_space<hbm>> -> memref<80x128xf32, #tpu.memory_space<hbm>>
      tpu.wait_dma2 semaphore(%run_scoped3A : memref<!tpu.dma_semaphore, #tpu.memory_space<semaphore_mem>>) src(%dma_wait3A_36 : memref<80x128xf32, #tpu.memory_space<hbm>>) dst(%dma_wait3A_34 : memref<80x128xf32, #tpu.memory_space<vmem_shared>>)
      tpu.yield
    }) : () -> ()
    "tpu.region"() ({
      %run_scoped3A = tpu.sem_alloc : memref<!tpu.dma_semaphore, #tpu.memory_space<semaphore_mem>>
      %dma_start3A = arith.constant 0 : i32
      %dma_start3A_31 = arith.constant 0 : i32
      %dma_start3A_32 = tpu.memref_slice %arg7[%dma_start3A, %dma_start3A_31] : memref<10000x128xf32, #tpu.memory_space<hbm>> -> memref<16x128xf32, #tpu.memory_space<hbm>>
      %dma_start3A_33 = arith.constant 0 : i32
      %dma_start3A_34 = arith.constant 0 : i32
      %dma_start3A_35 = tpu.memref_slice %arg7[%dma_start3A_33, %dma_start3A_34] : memref<10000x128xf32, #tpu.memory_space<hbm>> -> memref<16x128xf32, #tpu.memory_space<hbm>>
      tpu.enqueue_dma source(%dma_start3A_35 : memref<16x128xf32, #tpu.memory_space<hbm>>) target(%arg19 : memref<16x128xf32, #tpu.memory_space<vmem>>) target_semaphore(%run_scoped3A : memref<!tpu.dma_semaphore, #tpu.memory_space<semaphore_mem>>)
      %dma_wait3A = arith.constant 0 : i32
      %dma_wait3A_36 = arith.constant 0 : i32
      %dma_wait3A_37 = tpu.memref_slice %arg7[%dma_wait3A, %dma_wait3A_36] : memref<10000x128xf32, #tpu.memory_space<hbm>> -> memref<16x128xf32, #tpu.memory_space<hbm>>
      %dma_wait3A_38 = arith.constant 0 : i32
      %dma_wait3A_39 = arith.constant 0 : i32
      %dma_wait3A_40 = tpu.memref_slice %arg7[%dma_wait3A_38, %dma_wait3A_39] : memref<10000x128xf32, #tpu.memory_space<hbm>> -> memref<16x128xf32, #tpu.memory_space<hbm>>
      tpu.wait_dma2 semaphore(%run_scoped3A : memref<!tpu.dma_semaphore, #tpu.memory_space<semaphore_mem>>) src(%dma_wait3A_40 : memref<16x128xf32, #tpu.memory_space<hbm>>) dst(%arg19 : memref<16x128xf32, #tpu.memory_space<vmem>>)
      tpu.yield
    }) : () -> ()
    "tpu.region"() ({
      %run_scoped3A = tpu.sem_alloc : memref<!tpu.dma_semaphore, #tpu.memory_space<semaphore_mem>>
      tpu.enqueue_dma source(%arg3 : memref<10000xf32, #tpu.memory_space<hbm>>) target(%arg12 : memref<10000xf32, #tpu.memory_space<vmem>>) target_semaphore(%run_scoped3A : memref<!tpu.dma_semaphore, #tpu.memory_space<semaphore_mem>>)
      tpu.wait_dma2 semaphore(%run_scoped3A : memref<!tpu.dma_semaphore, #tpu.memory_space<semaphore_mem>>) src(%arg3 : memref<10000xf32, #tpu.memory_space<hbm>>) dst(%arg12 : memref<10000xf32, #tpu.memory_space<vmem>>)
      tpu.yield
    }) : () -> ()
    "tpu.region"() ({
      %run_scoped3A = tpu.sem_alloc : memref<!tpu.dma_semaphore, #tpu.memory_space<semaphore_mem>>
      tpu.enqueue_dma source(%arg4 : memref<10000xf32, #tpu.memory_space<hbm>>) target(%arg13 : memref<10000xf32, #tpu.memory_space<vmem>>) target_semaphore(%run_scoped3A : memref<!tpu.dma_semaphore, #tpu.memory_space<semaphore_mem>>)
      tpu.wait_dma2 semaphore(%run_scoped3A : memref<!tpu.dma_semaphore, #tpu.memory_space<semaphore_mem>>) src(%arg4 : memref<10000xf32, #tpu.memory_space<hbm>>) dst(%arg13 : memref<10000xf32, #tpu.memory_space<vmem>>)
      tpu.yield
    }) : () -> ()
    %barrier3A = arith.constant 0 : index
    tpu.barrier barrier_id(%barrier3A)
    %iota3A = tpu.iota {dimensions = array<i32: 0>} : vector<16xi32>
    %scan3A = arith.constant 0 : i32
    %scan3A_11 = arith.constant 0 : i32
    %scan3A_12 = arith.constant 625 : i32
    %scan3A_13 = arith.addi %scan3A_11, %scan3A_12 : i32
    %scan3A_14 = arith.constant 1 : i32
    scf.for %scan3A_31 = %scan3A_11 to %scan3A_13 step %scan3A_14  : i32 {
      %mul3A_32 = arith.constant 10000 : i32
      %mul3A_33 = arith.muli %add3A, %mul3A_32 : i32
      %mul3A_34 = arith.constant 16 : i32
      %mul3A_35 = arith.muli %scan3A_31, %mul3A_34 : i32
      %add3A_36 = arith.addi %mul3A_33, %mul3A_35 : i32
      "tpu.region"() ({
        %run_scoped3A = tpu.sem_alloc : memref<!tpu.dma_semaphore, #tpu.memory_space<semaphore_mem>>
        %dma_start3A_145 = tpu.memref_slice %arg5[%add3A_36] : memref<320000xi32, #tpu.memory_space<hbm>> -> memref<16xi32, #tpu.memory_space<hbm>>
        %dma_start3A_146 = tpu.memref_slice %arg5[%add3A_36] : memref<320000xi32, #tpu.memory_space<hbm>> -> memref<16xi32, #tpu.memory_space<hbm>>
        tpu.enqueue_dma source(%dma_start3A_146 : memref<16xi32, #tpu.memory_space<hbm>>) target(%arg14 : memref<16xi32, #tpu.memory_space<vmem>>) target_semaphore(%run_scoped3A : memref<!tpu.dma_semaphore, #tpu.memory_space<semaphore_mem>>)
        %dma_wait3A_147 = tpu.memref_slice %arg5[%add3A_36] : memref<320000xi32, #tpu.memory_space<hbm>> -> memref<16xi32, #tpu.memory_space<hbm>>
        %dma_wait3A_148 = tpu.memref_slice %arg5[%add3A_36] : memref<320000xi32, #tpu.memory_space<hbm>> -> memref<16xi32, #tpu.memory_space<hbm>>
        tpu.wait_dma2 semaphore(%run_scoped3A : memref<!tpu.dma_semaphore, #tpu.memory_space<semaphore_mem>>) src(%dma_wait3A_148 : memref<16xi32, #tpu.memory_space<hbm>>) dst(%arg14 : memref<16xi32, #tpu.memory_space<vmem>>)
        tpu.yield
      }) : () -> ()
      "tpu.region"() ({
        %run_scoped3A = tpu.sem_alloc : memref<!tpu.dma_semaphore, #tpu.memory_space<semaphore_mem>>
        %dma_start3A_145 = tpu.memref_slice %arg6[%add3A_36] : memref<320000xi32, #tpu.memory_space<hbm>> -> memref<16xi32, #tpu.memory_space<hbm>>
        %dma_start3A_146 = tpu.memref_slice %arg6[%add3A_36] : memref<320000xi32, #tpu.memory_space<hbm>> -> memref<16xi32, #tpu.memory_space<hbm>>
        tpu.enqueue_dma source(%dma_start3A_146 : memref<16xi32, #tpu.memory_space<hbm>>) target(%arg15 : memref<16xi32, #tpu.memory_space<vmem>>) target_semaphore(%run_scoped3A : memref<!tpu.dma_semaphore, #tpu.memory_space<semaphore_mem>>)
        %dma_wait3A_147 = tpu.memref_slice %arg6[%add3A_36] : memref<320000xi32, #tpu.memory_space<hbm>> -> memref<16xi32, #tpu.memory_space<hbm>>
        %dma_wait3A_148 = tpu.memref_slice %arg6[%add3A_36] : memref<320000xi32, #tpu.memory_space<hbm>> -> memref<16xi32, #tpu.memory_space<hbm>>
        tpu.wait_dma2 semaphore(%run_scoped3A : memref<!tpu.dma_semaphore, #tpu.memory_space<semaphore_mem>>) src(%dma_wait3A_148 : memref<16xi32, #tpu.memory_space<hbm>>) dst(%arg15 : memref<16xi32, #tpu.memory_space<vmem>>)
        tpu.yield
      }) : () -> ()
      %dma_start3A = arith.constant 0 : i32
      %dma_start3A_37 = arith.constant 0 : i32
      %dma_start3A_38 = tpu.memref_slice %arg2[%dma_start3A, %dma_start3A_37] : memref<10000x128xf32, #tpu.memory_space<hbm>> -> memref<10000x128xf32, #tpu.memory_space<hbm>>
      tpu.enqueue_indirect_dma source(%dma_start3A_38 : memref<10000x128xf32, #tpu.memory_space<hbm>>) target(%arg18 : memref<16x128xf32, #tpu.memory_space<vmem>>) offsets(%arg14 : memref<16xi32, #tpu.memory_space<vmem>>) semaphore(%arg20 : memref<!tpu.dma_semaphore, #tpu.memory_space<semaphore_mem>>)
      %dma_wait3A = arith.constant 0 : i32
      %dma_wait3A_39 = arith.constant 0 : i32
      %dma_wait3A_40 = tpu.memref_slice %arg2[%dma_wait3A, %dma_wait3A_39] : memref<10000x128xf32, #tpu.memory_space<hbm>> -> memref<10000x128xf32, #tpu.memory_space<hbm>>
      tpu.wait_indirect_dma semaphore(%arg20 : memref<!tpu.dma_semaphore, #tpu.memory_space<semaphore_mem>>) src(%dma_wait3A_40 : memref<10000x128xf32, #tpu.memory_space<hbm>>) dst(%arg18 : memref<16x128xf32, #tpu.memory_space<vmem>>)
      %get3A = arith.constant 0 : index
      %get3A_41 = tpu.vector_load %arg15[%get3A] {strides = array<i32>} : memref<16xi32, #tpu.memory_space<vmem>>, vector<16xi32>,
      %get3A_42 = arith.constant 0 : index
      %get3A_43 = tpu.vector_load %arg14[%get3A_42] {strides = array<i32>} : memref<16xi32, #tpu.memory_space<vmem>>, vector<16xi32>,
      %gather3A = tpu.vector_load_idx %arg12[%get3A_41] : memref<10000xf32, #tpu.memory_space<vmem>>[vector<16xi32>], vector<16xf32>,
      %gather3A_44 = tpu.vector_load_idx %arg13[%get3A_43] : memref<10000xf32, #tpu.memory_space<vmem>>[vector<16xi32>], vector<16xf32>,
      %add3A_45 = arith.addf %gather3A, %gather3A_44 : vector<16xf32>
      %gt3A = arith.constant 0.000000e+00 : f32
      %gt3A_46 = vector.broadcast %gt3A : f32 to vector<16xf32>
      %gt3A_47 = arith.cmpf ogt, %add3A_45, %gt3A_46 : vector<16xf32>
      %mul3A_48 = arith.constant 2.000000e-01 : f32
      %mul3A_49 = vector.broadcast %mul3A_48 : f32 to vector<16xf32>
      %mul3A_50 = arith.mulf %mul3A_49, %add3A_45 : vector<16xf32>
      %select_n3A = arith.select %gt3A_47, %add3A_45, %mul3A_50 : vector<16xi1>, vector<16xf32>
      %exp3A = math.exp %select_n3A : vector<16xf32>
      %swap3A = arith.constant 0 : index
      %swap3A_51 = tpu.vector_load %arg17[%swap3A] {strides = array<i32>} : memref<16xf32, #tpu.memory_space<vmem>>, vector<16xf32>,
      tpu.vector_store %arg17[%swap3A], %exp3A {strides = array<i32>} : memref<16xf32, #tpu.memory_space<vmem>>, vector<16xf32>,
      %jit3A = arith.constant 8 : i32
      %div3A = vector.broadcast %jit3A : i32 to vector<16xi32>
      %div3A_52 = arith.divsi %get3A_41, %div3A : vector<16xi32>
      %sign3A = arith.constant 0 : i32
      %sign3A_53 = vector.broadcast %sign3A : i32 to vector<16xi32>
      %sign3A_54 = arith.cmpi sgt, %get3A_41, %sign3A_53 : vector<16xi32>
      %sign3A_55 = arith.extui %sign3A_54 : vector<16xi1> to vector<16xi32>
      %sign3A_56 = arith.constant 0 : i32
      %sign3A_57 = vector.broadcast %sign3A_56 : i32 to vector<16xi32>
      %sign3A_58 = arith.cmpi slt, %get3A_41, %sign3A_57 : vector<16xi32>
      %sign3A_59 = arith.extui %sign3A_58 : vector<16xi1> to vector<16xi32>
      %sign3A_60 = arith.subi %sign3A_55, %sign3A_59 : vector<16xi32>
      %sign3A_61 = arith.constant 0 : i32
      %sign3A_62 = arith.cmpi sgt, %jit3A, %sign3A_61 : i32
      %sign3A_63 = arith.extui %sign3A_62 : i1 to i32
      %sign3A_64 = arith.constant 0 : i32
      %sign3A_65 = arith.cmpi slt, %jit3A, %sign3A_64 : i32
      %sign3A_66 = arith.extui %sign3A_65 : i1 to i32
      %sign3A_67 = arith.subi %sign3A_63, %sign3A_66 : i32
      %ne3A = vector.broadcast %sign3A_67 : i32 to vector<16xi32>
      %ne3A_68 = arith.cmpi ne, %sign3A_60, %ne3A : vector<16xi32>
      %rem3A = vector.broadcast %jit3A : i32 to vector<16xi32>
      %rem3A_69 = arith.remsi %get3A_41, %rem3A : vector<16xi32>
      %ne3A_70 = arith.constant 0 : i32
      %ne3A_71 = vector.broadcast %ne3A_70 : i32 to vector<16xi32>
      %ne3A_72 = arith.cmpi ne, %rem3A_69, %ne3A_71 : vector<16xi32>
      %and3A = arith.andi %ne3A_68, %ne3A_72 : vector<16xi1>
      %sub3A = arith.constant 1 : i32
      %sub3A_73 = vector.broadcast %sub3A : i32 to vector<16xi32>
      %sub3A_74 = arith.subi %div3A_52, %sub3A_73 : vector<16xi32>
      %select_n3A_75 = arith.select %and3A, %sub3A_74, %div3A_52 : vector<16xi1>, vector<16xi32>
      %swap3A_76 = arith.constant 0 : index
      %swap3A_77 = tpu.vector_load %arg16[%swap3A_76] {strides = array<i32>} : memref<16xi32, #tpu.memory_space<vmem>>, vector<16xi32>,
      tpu.vector_store %arg16[%swap3A_76], %select_n3A_75 {strides = array<i32>} : memref<16xi32, #tpu.memory_space<vmem>>, vector<16xi32>,
      %add3A_78 = arith.constant 0 : i32
      %add3A_79 = vector.broadcast %add3A_78 : i32 to vector<16xi32>
      %add3A_80 = arith.addi %iota3A, %add3A_79 : vector<16xi32>
      %jit3A_81 = arith.constant 8 : i32
      %eq3A_82 = arith.constant 0 : i32
      %eq3A_83 = arith.cmpi eq, %jit3A_81, %eq3A_82 : i32
      %jit3A_84 = arith.constant 1 : i32
      %select_n3A_85 = arith.select %eq3A_83, %jit3A_84, %jit3A_81 : i32
      %rem3A_86 = vector.broadcast %select_n3A_85 : i32 to vector<16xi32>
      %rem3A_87 = arith.remsi %get3A_41, %rem3A_86 : vector<16xi32>
      %ne3A_88 = arith.constant 0 : i32
      %ne3A_89 = vector.broadcast %ne3A_88 : i32 to vector<16xi32>
      %ne3A_90 = arith.cmpi ne, %rem3A_87, %ne3A_89 : vector<16xi32>
      %lt3A_91 = arith.constant 0 : i32
      %lt3A_92 = vector.broadcast %lt3A_91 : i32 to vector<16xi32>
      %lt3A_93 = arith.cmpi slt, %rem3A_87, %lt3A_92 : vector<16xi32>
      %lt3A_94 = arith.constant 0 : i32
      %lt3A_95 = arith.cmpi slt, %select_n3A_85, %lt3A_94 : i32
      %ne3A_96 = vector.broadcast %lt3A_95 : i1 to vector<16xi1>
      %ne3A_97 = vector.broadcast %ne3A_96 : vector<16xi1> to vector<16xi1>
      %ne3A_98 = arith.xori %lt3A_93, %ne3A_97 : vector<16xi1>
      %and3A_99 = arith.andi %ne3A_98, %ne3A_90 : vector<16xi1>
      %add3A_100 = vector.broadcast %select_n3A_85 : i32 to vector<16xi32>
      %add3A_101 = arith.addi %rem3A_87, %add3A_100 : vector<16xi32>
      %select_n3A_102 = arith.select %and3A_99, %add3A_101, %rem3A_87 : vector<16xi1>, vector<16xi32>
      %mul3A_103 = arith.constant 16 : i32
      %mul3A_104 = vector.broadcast %mul3A_103 : i32 to vector<16xi32>
      %mul3A_105 = arith.muli %select_n3A_102, %mul3A_104 : vector<16xi32>
      %add3A_106 = arith.addi %mul3A_105, %iota3A : vector<16xi32>
      tpu.vector_store_idx %arg19[%add3A_80, %add3A_106], %exp3A : memref<16x128xf32, #tpu.memory_space<vmem>>[vector<16xi32>, vector<16xi32>], vector<16xf32>,
      "tpu.region"() ({
        %run_scoped3A = tpu.sem_alloc : memref<!tpu.dma_semaphore, #tpu.memory_space<semaphore_mem>>
        %dma_start3A_145 = arith.constant 0 : i32
        %dma_start3A_146 = arith.constant 0 : i32
        %dma_start3A_147 = tpu.memref_slice %arg11[%dma_start3A_145, %dma_start3A_146] : memref<1280x128xf32, #tpu.memory_space<vmem_shared>> -> memref<1280x128xf32, #tpu.memory_space<vmem_shared>>
        tpu.enqueue_indirect_dma source(%arg19 : memref<16x128xf32, #tpu.memory_space<vmem>>) target(%dma_start3A_147 : memref<1280x128xf32, #tpu.memory_space<vmem_shared>>) offsets(%arg16 : memref<16xi32, #tpu.memory_space<vmem>>) semaphore(%run_scoped3A : memref<!tpu.dma_semaphore, #tpu.memory_space<semaphore_mem>>) {add = true}
        %dma_wait3A_148 = arith.constant 0 : i32
        %dma_wait3A_149 = arith.constant 0 : i32
        %dma_wait3A_150 = tpu.memref_slice %arg11[%dma_wait3A_148, %dma_wait3A_149] : memref<1280x128xf32, #tpu.memory_space<vmem_shared>> -> memref<1280x128xf32, #tpu.memory_space<vmem_shared>>
        tpu.wait_indirect_dma semaphore(%run_scoped3A : memref<!tpu.dma_semaphore, #tpu.memory_space<semaphore_mem>>) src(%arg19 : memref<16x128xf32, #tpu.memory_space<vmem>>) dst(%dma_wait3A_150 : memref<1280x128xf32, #tpu.memory_space<vmem_shared>>)
        tpu.yield
      }) : () -> ()
      %get3A_107 = arith.constant 0 : index
      %get3A_108 = tpu.vector_load %arg15[%get3A_107] {strides = array<i32>} : memref<16xi32, #tpu.memory_space<vmem>>, vector<16xi32>,
      %add3A_109 = arith.constant 0 : i32
      %add3A_110 = vector.broadcast %add3A_109 : i32 to vector<16xi32>
      %add3A_111 = arith.addi %iota3A, %add3A_110 : vector<16xi32>
      %jit3A_112 = arith.constant 8 : i32
      %eq3A_113 = arith.constant 0 : i32
      %eq3A_114 = arith.cmpi eq, %jit3A_112, %eq3A_113 : i32
      %jit3A_115 = arith.constant 1 : i32
      %select_n3A_116 = arith.select %eq3A_114, %jit3A_115, %jit3A_112 : i32
      %rem3A_117 = vector.broadcast %select_n3A_116 : i32 to vector<16xi32>
      %rem3A_118 = arith.remsi %get3A_108, %rem3A_117 : vector<16xi32>
      %ne3A_119 = arith.constant 0 : i32
      %ne3A_120 = vector.broadcast %ne3A_119 : i32 to vector<16xi32>
      %ne3A_121 = arith.cmpi ne, %rem3A_118, %ne3A_120 : vector<16xi32>
      %lt3A_122 = arith.constant 0 : i32
      %lt3A_123 = vector.broadcast %lt3A_122 : i32 to vector<16xi32>
      %lt3A_124 = arith.cmpi slt, %rem3A_118, %lt3A_123 : vector<16xi32>
      %lt3A_125 = arith.constant 0 : i32
      %lt3A_126 = arith.cmpi slt, %select_n3A_116, %lt3A_125 : i32
      %ne3A_127 = vector.broadcast %lt3A_126 : i1 to vector<16xi1>
      %ne3A_128 = vector.broadcast %ne3A_127 : vector<16xi1> to vector<16xi1>
      %ne3A_129 = arith.xori %lt3A_124, %ne3A_128 : vector<16xi1>
      %and3A_130 = arith.andi %ne3A_129, %ne3A_121 : vector<16xi1>
      %add3A_131 = vector.broadcast %select_n3A_116 : i32 to vector<16xi32>
      %add3A_132 = arith.addi %rem3A_118, %add3A_131 : vector<16xi32>
      %select_n3A_133 = arith.select %and3A_130, %add3A_132, %rem3A_118 : vector<16xi1>, vector<16xi32>
      %mul3A_134 = arith.constant 16 : i32
      %mul3A_135 = vector.broadcast %mul3A_134 : i32 to vector<16xi32>
      %mul3A_136 = arith.muli %select_n3A_133, %mul3A_135 : vector<16xi32>
      %add3A_137 = arith.addi %mul3A_136, %iota3A : vector<16xi32>
      %broadcast_in_dim3A = arith.constant 0.000000e+00 : f32
      %broadcast_in_dim3A_138 = vector.broadcast %broadcast_in_dim3A : f32 to vector<16xf32>
      tpu.vector_store_idx %arg19[%add3A_111, %add3A_137], %broadcast_in_dim3A_138 : memref<16x128xf32, #tpu.memory_space<vmem>>[vector<16xi32>, vector<16xi32>], vector<16xf32>,
      %scan3A_139 = arith.constant 0 : i32
      %scan3A_140 = arith.constant 0 : i32
      %scan3A_141 = arith.constant 16 : i32
      %scan3A_142 = arith.addi %scan3A_140, %scan3A_141 : i32
      %scan3A_143 = arith.constant 1 : i32
      scf.for %scan3A_145 = %scan3A_140 to %scan3A_142 step %scan3A_143  : i32 {
        %broadcast_in_dim3A_146 = vector.broadcast %scan3A_145 : i32 to vector<16xi32>
        %gather3A_147 = tpu.vector_load_idx %arg17[%broadcast_in_dim3A_146] : memref<16xf32, #tpu.memory_space<vmem>>[vector<16xi32>], vector<16xf32>,
        %add3A_148 = arith.constant 0 : i32
        %add3A_149 = vector.broadcast %add3A_148 : i32 to vector<16xi32>
        %add3A_150 = arith.addi %iota3A, %add3A_149 : vector<16xi32>
        %gather3A_151 = tpu.vector_load_idx %arg18[%broadcast_in_dim3A_146, %add3A_150] : memref<16x128xf32, #tpu.memory_space<vmem>>[vector<16xi32>, vector<16xi32>], vector<16xf32>,
        %mul3A_152 = arith.mulf %gather3A_151, %gather3A_147 : vector<16xf32>
        tpu.vector_store_idx %arg18[%broadcast_in_dim3A_146, %add3A_150], %mul3A_152 : memref<16x128xf32, #tpu.memory_space<vmem>>[vector<16xi32>, vector<16xi32>], vector<16xf32>,
        %add3A_153 = arith.constant 16 : i32
        %add3A_154 = vector.broadcast %add3A_153 : i32 to vector<16xi32>
        %add3A_155 = arith.addi %iota3A, %add3A_154 : vector<16xi32>
        %gather3A_156 = tpu.vector_load_idx %arg18[%broadcast_in_dim3A_146, %add3A_155] : memref<16x128xf32, #tpu.memory_space<vmem>>[vector<16xi32>, vector<16xi32>], vector<16xf32>,
        %mul3A_157 = arith.mulf %gather3A_156, %gather3A_147 : vector<16xf32>
        tpu.vector_store_idx %arg18[%broadcast_in_dim3A_146, %add3A_155], %mul3A_157 : memref<16x128xf32, #tpu.memory_space<vmem>>[vector<16xi32>, vector<16xi32>], vector<16xf32>,
        %add3A_158 = arith.constant 32 : i32
        %add3A_159 = vector.broadcast %add3A_158 : i32 to vector<16xi32>
        %add3A_160 = arith.addi %iota3A, %add3A_159 : vector<16xi32>
        %gather3A_161 = tpu.vector_load_idx %arg18[%broadcast_in_dim3A_146, %add3A_160] : memref<16x128xf32, #tpu.memory_space<vmem>>[vector<16xi32>, vector<16xi32>], vector<16xf32>,
        %mul3A_162 = arith.mulf %gather3A_161, %gather3A_147 : vector<16xf32>
        tpu.vector_store_idx %arg18[%broadcast_in_dim3A_146, %add3A_160], %mul3A_162 : memref<16x128xf32, #tpu.memory_space<vmem>>[vector<16xi32>, vector<16xi32>], vector<16xf32>,
        %add3A_163 = arith.constant 48 : i32
        %add3A_164 = vector.broadcast %add3A_163 : i32 to vector<16xi32>
        %add3A_165 = arith.addi %iota3A, %add3A_164 : vector<16xi32>
        %gather3A_166 = tpu.vector_load_idx %arg18[%broadcast_in_dim3A_146, %add3A_165] : memref<16x128xf32, #tpu.memory_space<vmem>>[vector<16xi32>, vector<16xi32>], vector<16xf32>,
        %mul3A_167 = arith.mulf %gather3A_166, %gather3A_147 : vector<16xf32>
        tpu.vector_store_idx %arg18[%broadcast_in_dim3A_146, %add3A_165], %mul3A_167 : memref<16x128xf32, #tpu.memory_space<vmem>>[vector<16xi32>, vector<16xi32>], vector<16xf32>,
        %add3A_168 = arith.constant 64 : i32
        %add3A_169 = vector.broadcast %add3A_168 : i32 to vector<16xi32>
        %add3A_170 = arith.addi %iota3A, %add3A_169 : vector<16xi32>
        %gather3A_171 = tpu.vector_load_idx %arg18[%broadcast_in_dim3A_146, %add3A_170] : memref<16x128xf32, #tpu.memory_space<vmem>>[vector<16xi32>, vector<16xi32>], vector<16xf32>,
        %mul3A_172 = arith.mulf %gather3A_171, %gather3A_147 : vector<16xf32>
        tpu.vector_store_idx %arg18[%broadcast_in_dim3A_146, %add3A_170], %mul3A_172 : memref<16x128xf32, #tpu.memory_space<vmem>>[vector<16xi32>, vector<16xi32>], vector<16xf32>,
        %add3A_173 = arith.constant 80 : i32
        %add3A_174 = vector.broadcast %add3A_173 : i32 to vector<16xi32>
        %add3A_175 = arith.addi %iota3A, %add3A_174 : vector<16xi32>
        %gather3A_176 = tpu.vector_load_idx %arg18[%broadcast_in_dim3A_146, %add3A_175] : memref<16x128xf32, #tpu.memory_space<vmem>>[vector<16xi32>, vector<16xi32>], vector<16xf32>,
        %mul3A_177 = arith.mulf %gather3A_176, %gather3A_147 : vector<16xf32>
        tpu.vector_store_idx %arg18[%broadcast_in_dim3A_146, %add3A_175], %mul3A_177 : memref<16x128xf32, #tpu.memory_space<vmem>>[vector<16xi32>, vector<16xi32>], vector<16xf32>,
        %add3A_178 = arith.constant 96 : i32
        %add3A_179 = vector.broadcast %add3A_178 : i32 to vector<16xi32>
        %add3A_180 = arith.addi %iota3A, %add3A_179 : vector<16xi32>
        %gather3A_181 = tpu.vector_load_idx %arg18[%broadcast_in_dim3A_146, %add3A_180] : memref<16x128xf32, #tpu.memory_space<vmem>>[vector<16xi32>, vector<16xi32>], vector<16xf32>,
        %mul3A_182 = arith.mulf %gather3A_181, %gather3A_147 : vector<16xf32>
        tpu.vector_store_idx %arg18[%broadcast_in_dim3A_146, %add3A_180], %mul3A_182 : memref<16x128xf32, #tpu.memory_space<vmem>>[vector<16xi32>, vector<16xi32>], vector<16xf32>,
        %add3A_183 = arith.constant 112 : i32
        %add3A_184 = vector.broadcast %add3A_183 : i32 to vector<16xi32>
        %add3A_185 = arith.addi %iota3A, %add3A_184 : vector<16xi32>
        %gather3A_186 = tpu.vector_load_idx %arg18[%broadcast_in_dim3A_146, %add3A_185] : memref<16x128xf32, #tpu.memory_space<vmem>>[vector<16xi32>, vector<16xi32>], vector<16xf32>,
        %mul3A_187 = arith.mulf %gather3A_186, %gather3A_147 : vector<16xf32>
        tpu.vector_store_idx %arg18[%broadcast_in_dim3A_146, %add3A_185], %mul3A_187 : memref<16x128xf32, #tpu.memory_space<vmem>>[vector<16xi32>, vector<16xi32>], vector<16xf32>,
      }
      %scan3A_144 = arith.constant 16 : i32
      "tpu.region"() ({
        %run_scoped3A = tpu.sem_alloc : memref<!tpu.dma_semaphore, #tpu.memory_space<semaphore_mem>>
        %dma_start3A_145 = arith.constant 0 : i32
        %dma_start3A_146 = arith.constant 0 : i32
        %dma_start3A_147 = tpu.memref_slice %arg10[%dma_start3A_145, %dma_start3A_146] : memref<10000x128xf32, #tpu.memory_space<vmem_shared>> -> memref<10000x128xf32, #tpu.memory_space<vmem_shared>>
        tpu.enqueue_indirect_dma source(%arg18 : memref<16x128xf32, #tpu.memory_space<vmem>>) target(%dma_start3A_147 : memref<10000x128xf32, #tpu.memory_space<vmem_shared>>) offsets(%arg15 : memref<16xi32, #tpu.memory_space<vmem>>) semaphore(%run_scoped3A : memref<!tpu.dma_semaphore, #tpu.memory_space<semaphore_mem>>) {add = true}
        %dma_wait3A_148 = arith.constant 0 : i32
        %dma_wait3A_149 = arith.constant 0 : i32
        %dma_wait3A_150 = tpu.memref_slice %arg10[%dma_wait3A_148, %dma_wait3A_149] : memref<10000x128xf32, #tpu.memory_space<vmem_shared>> -> memref<10000x128xf32, #tpu.memory_space<vmem_shared>>
        tpu.wait_indirect_dma semaphore(%run_scoped3A : memref<!tpu.dma_semaphore, #tpu.memory_space<semaphore_mem>>) src(%arg18 : memref<16x128xf32, #tpu.memory_space<vmem>>) dst(%dma_wait3A_150 : memref<10000x128xf32, #tpu.memory_space<vmem_shared>>)
        tpu.yield
      }) : () -> ()
    }
    %scan3A_15 = arith.constant 625 : i32
    %barrier3A_16 = arith.constant 0 : index
    tpu.barrier barrier_id(%barrier3A_16)
    %lt3A_17 = arith.constant 15 : i32
    %lt3A_18 = arith.cmpi slt, %arg1, %lt3A_17 : i32
    %convert_element_type3A_19 = arith.extui %lt3A_18 : i1 to i32
    %cond3A_20 = arith.constant 0 : i32
    %cond3A_21 = arith.cmpi ne, %convert_element_type3A_19, %cond3A_20 : i32
    scf.if %cond3A_21 {
      %mul3A_31 = arith.constant 640 : i32
      %mul3A_32 = arith.muli %arg1, %mul3A_31 : i32
      %mul3A_33 = arith.constant 640 : i32
      %mul3A_34 = arith.muli %arg1, %mul3A_33 : i32
      "tpu.region"() ({
        %run_scoped3A = tpu.sem_alloc : memref<!tpu.dma_semaphore, #tpu.memory_space<semaphore_mem>>
        %dma_start3A = arith.constant 0 : i32
        %dma_start3A_35 = tpu.memref_slice %arg8[%arg0, %mul3A_34, %dma_start3A] : memref<2x10000x128xf32, #tpu.memory_space<hbm>> -> memref<1x640x128xf32, #tpu.memory_space<hbm>>
        %dma_start3A_36 = tpu.memref_squeeze %dma_start3A_35 : memref<1x640x128xf32, #tpu.memory_space<hbm>> -> memref<640x128xf32, #tpu.memory_space<hbm>>
        %dma_start3A_37 = arith.constant 0 : i32
        %dma_start3A_38 = tpu.memref_slice %arg10[%mul3A_32, %dma_start3A_37] : memref<10000x128xf32, #tpu.memory_space<vmem_shared>> -> memref<640x128xf32, #tpu.memory_space<vmem_shared>>
        tpu.enqueue_dma source(%dma_start3A_38 : memref<640x128xf32, #tpu.memory_space<vmem_shared>>) target(%dma_start3A_36 : memref<640x128xf32, #tpu.memory_space<hbm>>) target_semaphore(%run_scoped3A : memref<!tpu.dma_semaphore, #tpu.memory_space<semaphore_mem>>)
        %dma_wait3A = arith.constant 0 : i32
        %dma_wait3A_39 = tpu.memref_slice %arg8[%arg0, %mul3A_34, %dma_wait3A] : memref<2x10000x128xf32, #tpu.memory_space<hbm>> -> memref<1x640x128xf32, #tpu.memory_space<hbm>>
        %dma_wait3A_40 = tpu.memref_squeeze %dma_wait3A_39 : memref<1x640x128xf32, #tpu.memory_space<hbm>> -> memref<640x128xf32, #tpu.memory_space<hbm>>
        %dma_wait3A_41 = arith.constant 0 : i32
        %dma_wait3A_42 = tpu.memref_slice %arg10[%mul3A_32, %dma_wait3A_41] : memref<10000x128xf32, #tpu.memory_space<vmem_shared>> -> memref<640x128xf32, #tpu.memory_space<vmem_shared>>
        tpu.wait_dma2 semaphore(%run_scoped3A : memref<!tpu.dma_semaphore, #tpu.memory_space<semaphore_mem>>) src(%dma_wait3A_42 : memref<640x128xf32, #tpu.memory_space<vmem_shared>>) dst(%dma_wait3A_40 : memref<640x128xf32, #tpu.memory_space<hbm>>)
        tpu.yield
      }) : () -> ()
    } else {
    }
    %eq3A_22 = arith.constant 15 : i32
    %eq3A_23 = arith.cmpi eq, %arg1, %eq3A_22 : i32
    %convert_element_type3A_24 = arith.extui %eq3A_23 : i1 to i32
    %cond3A_25 = arith.constant 0 : i32
    %cond3A_26 = arith.cmpi ne, %convert_element_type3A_24, %cond3A_25 : i32
    scf.if %cond3A_26 {
      "tpu.region"() ({
        %run_scoped3A = tpu.sem_alloc : memref<!tpu.dma_semaphore, #tpu.memory_space<semaphore_mem>>
        %dma_start3A = arith.constant 9600 : i32
        %dma_start3A_31 = arith.constant 0 : i32
        %dma_start3A_32 = tpu.memref_slice %arg8[%arg0, %dma_start3A, %dma_start3A_31] : memref<2x10000x128xf32, #tpu.memory_space<hbm>> -> memref<1x400x128xf32, #tpu.memory_space<hbm>>
        %dma_start3A_33 = tpu.memref_squeeze %dma_start3A_32 : memref<1x400x128xf32, #tpu.memory_space<hbm>> -> memref<400x128xf32, #tpu.memory_space<hbm>>
        %dma_start3A_34 = arith.constant 9600 : i32
        %dma_start3A_35 = arith.constant 0 : i32
        %dma_start3A_36 = tpu.memref_slice %arg10[%dma_start3A_34, %dma_start3A_35] : memref<10000x128xf32, #tpu.memory_space<vmem_shared>> -> memref<400x128xf32, #tpu.memory_space<vmem_shared>>
        tpu.enqueue_dma source(%dma_start3A_36 : memref<400x128xf32, #tpu.memory_space<vmem_shared>>) target(%dma_start3A_33 : memref<400x128xf32, #tpu.memory_space<hbm>>) target_semaphore(%run_scoped3A : memref<!tpu.dma_semaphore, #tpu.memory_space<semaphore_mem>>)
        %dma_wait3A = arith.constant 9600 : i32
        %dma_wait3A_37 = arith.constant 0 : i32
        %dma_wait3A_38 = tpu.memref_slice %arg8[%arg0, %dma_wait3A, %dma_wait3A_37] : memref<2x10000x128xf32, #tpu.memory_space<hbm>> -> memref<1x400x128xf32, #tpu.memory_space<hbm>>
        %dma_wait3A_39 = tpu.memref_squeeze %dma_wait3A_38 : memref<1x400x128xf32, #tpu.memory_space<hbm>> -> memref<400x128xf32, #tpu.memory_space<hbm>>
        %dma_wait3A_40 = arith.constant 9600 : i32
        %dma_wait3A_41 = arith.constant 0 : i32
        %dma_wait3A_42 = tpu.memref_slice %arg10[%dma_wait3A_40, %dma_wait3A_41] : memref<10000x128xf32, #tpu.memory_space<vmem_shared>> -> memref<400x128xf32, #tpu.memory_space<vmem_shared>>
        tpu.wait_dma2 semaphore(%run_scoped3A : memref<!tpu.dma_semaphore, #tpu.memory_space<semaphore_mem>>) src(%dma_wait3A_42 : memref<400x128xf32, #tpu.memory_space<vmem_shared>>) dst(%dma_wait3A_39 : memref<400x128xf32, #tpu.memory_space<hbm>>)
        tpu.yield
      }) : () -> ()
    } else {
    }
    %mul3A_27 = arith.constant 80 : i32
    %mul3A_28 = arith.muli %arg1, %mul3A_27 : i32
    %mul3A_29 = arith.constant 80 : i32
    %mul3A_30 = arith.muli %arg1, %mul3A_29 : i32
    "tpu.region"() ({
      %run_scoped3A = tpu.sem_alloc : memref<!tpu.dma_semaphore, #tpu.memory_space<semaphore_mem>>
      %dma_start3A = arith.constant 0 : i32
      %dma_start3A_31 = tpu.memref_slice %arg9[%arg0, %mul3A_30, %dma_start3A] : memref<2x1280x128xf32, #tpu.memory_space<hbm>> -> memref<1x80x128xf32, #tpu.memory_space<hbm>>
      %dma_start3A_32 = tpu.memref_squeeze %dma_start3A_31 : memref<1x80x128xf32, #tpu.memory_space<hbm>> -> memref<80x128xf32, #tpu.memory_space<hbm>>
      %dma_start3A_33 = arith.constant 0 : i32
      %dma_start3A_34 = tpu.memref_slice %arg11[%mul3A_28, %dma_start3A_33] : memref<1280x128xf32, #tpu.memory_space<vmem_shared>> -> memref<80x128xf32, #tpu.memory_space<vmem_shared>>
      tpu.enqueue_dma source(%dma_start3A_34 : memref<80x128xf32, #tpu.memory_space<vmem_shared>>) target(%dma_start3A_32 : memref<80x128xf32, #tpu.memory_space<hbm>>) target_semaphore(%run_scoped3A : memref<!tpu.dma_semaphore, #tpu.memory_space<semaphore_mem>>)
      %dma_wait3A = arith.constant 0 : i32
      %dma_wait3A_35 = tpu.memref_slice %arg9[%arg0, %mul3A_30, %dma_wait3A] : memref<2x1280x128xf32, #tpu.memory_space<hbm>> -> memref<1x80x128xf32, #tpu.memory_space<hbm>>
      %dma_wait3A_36 = tpu.memref_squeeze %dma_wait3A_35 : memref<1x80x128xf32, #tpu.memory_space<hbm>> -> memref<80x128xf32, #tpu.memory_space<hbm>>
      %dma_wait3A_37 = arith.constant 0 : i32
      %dma_wait3A_38 = tpu.memref_slice %arg11[%mul3A_28, %dma_wait3A_37] : memref<1280x128xf32, #tpu.memory_space<vmem_shared>> -> memref<80x128xf32, #tpu.memory_space<vmem_shared>>
      tpu.wait_dma2 semaphore(%run_scoped3A : memref<!tpu.dma_semaphore, #tpu.memory_space<semaphore_mem>>) src(%dma_wait3A_38 : memref<80x128xf32, #tpu.memory_space<vmem_shared>>) dst(%dma_wait3A_36 : memref<80x128xf32, #tpu.memory_space<hbm>>)
      tpu.yield
    }) : () -> ()
    return
  }
}

#map = affine_map<(d0, d1) -> (0, 0)>
#map1 = affine_map<(d0, d1) -> (0)>
#map2 = affine_map<(d0, d1) -> (0, 0, 0)>
module attributes {stable_mosaic.version = 14 : i64} {
  func.func @_sc_gat_body(%arg0: i32, %arg1: i32, %arg2: memref<10000x128xf32, #tpu.memory_space<hbm>>, %arg3: memref<10000xf32, #tpu.memory_space<hbm>>, %arg4: memref<10000xf32, #tpu.memory_space<hbm>>, %arg5: memref<320000xi32, #tpu.memory_space<hbm>>, %arg6: memref<320000xi32, #tpu.memory_space<hbm>>, %arg7: memref<10000x128xf32, #tpu.memory_space<hbm>>, %arg8: memref<2x10000x128xf32, #tpu.memory_space<hbm>>, %arg9: memref<2x1280x128xf32, #tpu.memory_space<hbm>>, %arg10: memref<10000x128xf32, #tpu.memory_space<vmem_shared>>, %arg11: memref<1280x128xf32, #tpu.memory_space<vmem_shared>>, %arg12: memref<10000xf32, #tpu.memory_space<vmem>>, %arg13: memref<10000xf32, #tpu.memory_space<vmem>>, %arg14: memref<16xi32, #tpu.memory_space<vmem>>, %arg15: memref<16xi32, #tpu.memory_space<vmem>>, %arg16: memref<16xi32, #tpu.memory_space<vmem>>, %arg17: memref<16xf32, #tpu.memory_space<vmem>>, %arg18: memref<16x128xf32, #tpu.memory_space<vmem>>, %arg19: memref<16x128xf32, #tpu.memory_space<vmem>>, %arg20: memref<!tpu.dma_semaphore, #tpu.memory_space<semaphore_mem>>) attributes {dimension_semantics = [#tpu.dimension_semantics<core_parallel>, #tpu.dimension_semantics<subcore_parallel>], iteration_bounds = array<i64: 2, 16>, scalar_prefetch = 0 : i64, scratch_operands = 11 : i64, tpu.core_type = #tpu.core_type<sc_vector_subcore>, window_params = [{transform_indices = #map}, {transform_indices = #map1}, {transform_indices = #map1}, {transform_indices = #map1}, {transform_indices = #map1}, {transform_indices = #map}, {transform_indices = #map2}, {transform_indices = #map2}]} {
    %mul3A = arith.constant 2 : i32
    %mul3A_0 = arith.muli %arg1, %mul3A : i32
    %add3A = arith.addi %mul3A_0, %arg0 : i32
    %lt3A = arith.constant 15 : i32
    %lt3A_1 = arith.cmpi slt, %arg1, %lt3A : i32
    %convert_element_type3A = arith.extui %lt3A_1 : i1 to i32
    %cond3A = arith.constant 0 : i32
    %cond3A_2 = arith.cmpi ne, %convert_element_type3A, %cond3A : i32
    scf.if %cond3A_2 {
      %mul3A_31 = arith.constant 640 : i32
      %mul3A_32 = arith.muli %arg1, %mul3A_31 : i32
      %mul3A_33 = arith.constant 640 : i32
      %mul3A_34 = arith.muli %arg1, %mul3A_33 : i32
      "tpu.region"() ({
        %run_scoped3A = tpu.sem_alloc : memref<!tpu.dma_semaphore, #tpu.memory_space<semaphore_mem>>
        %dma_start3A = arith.constant 0 : i32
        %dma_start3A_35 = tpu.memref_slice %arg10[%mul3A_34, %dma_start3A] : memref<10000x128xf32, #tpu.memory_space<vmem_shared>> -> memref<640x128xf32, #tpu.memory_space<vmem_shared>>
        %dma_start3A_36 = arith.constant 0 : i32
        %dma_start3A_37 = tpu.memref_slice %arg7[%mul3A_32, %dma_start3A_36] : memref<10000x128xf32, #tpu.memory_space<hbm>> -> memref<640x128xf32, #tpu.memory_space<hbm>>
        tpu.enqueue_dma source(%dma_start3A_37 : memref<640x128xf32, #tpu.memory_space<hbm>>) target(%dma_start3A_35 : memref<640x128xf32, #tpu.memory_space<vmem_shared>>) target_semaphore(%run_scoped3A : memref<!tpu.dma_semaphore, #tpu.memory_space<semaphore_mem>>)
        %dma_wait3A = arith.constant 0 : i32
        %dma_wait3A_38 = tpu.memref_slice %arg10[%mul3A_34, %dma_wait3A] : memref<10000x128xf32, #tpu.memory_space<vmem_shared>> -> memref<640x128xf32, #tpu.memory_space<vmem_shared>>
        %dma_wait3A_39 = arith.constant 0 : i32
        %dma_wait3A_40 = tpu.memref_slice %arg7[%mul3A_32, %dma_wait3A_39] : memref<10000x128xf32, #tpu.memory_space<hbm>> -> memref<640x128xf32, #tpu.memory_space<hbm>>
        tpu.wait_dma2 semaphore(%run_scoped3A : memref<!tpu.dma_semaphore, #tpu.memory_space<semaphore_mem>>) src(%dma_wait3A_40 : memref<640x128xf32, #tpu.memory_space<hbm>>) dst(%dma_wait3A_38 : memref<640x128xf32, #tpu.memory_space<vmem_shared>>)
        tpu.yield
      }) : () -> ()
    } else {
    }
    %eq3A = arith.constant 15 : i32
    %eq3A_3 = arith.cmpi eq, %arg1, %eq3A : i32
    %convert_element_type3A_4 = arith.extui %eq3A_3 : i1 to i32
    %cond3A_5 = arith.constant 0 : i32
    %cond3A_6 = arith.cmpi ne, %convert_element_type3A_4, %cond3A_5 : i32
    scf.if %cond3A_6 {
      "tpu.region"() ({
        %run_scoped3A = tpu.sem_alloc : memref<!tpu.dma_semaphore, #tpu.memory_space<semaphore_mem>>
        %dma_start3A = arith.constant 9600 : i32
        %dma_start3A_31 = arith.constant 0 : i32
        %dma_start3A_32 = tpu.memref_slice %arg10[%dma_start3A, %dma_start3A_31] : memref<10000x128xf32, #tpu.memory_space<vmem_shared>> -> memref<400x128xf32, #tpu.memory_space<vmem_shared>>
        %dma_start3A_33 = arith.constant 9600 : i32
        %dma_start3A_34 = arith.constant 0 : i32
        %dma_start3A_35 = tpu.memref_slice %arg7[%dma_start3A_33, %dma_start3A_34] : memref<10000x128xf32, #tpu.memory_space<hbm>> -> memref<400x128xf32, #tpu.memory_space<hbm>>
        tpu.enqueue_dma source(%dma_start3A_35 : memref<400x128xf32, #tpu.memory_space<hbm>>) target(%dma_start3A_32 : memref<400x128xf32, #tpu.memory_space<vmem_shared>>) target_semaphore(%run_scoped3A : memref<!tpu.dma_semaphore, #tpu.memory_space<semaphore_mem>>)
        %dma_wait3A = arith.constant 9600 : i32
        %dma_wait3A_36 = arith.constant 0 : i32
        %dma_wait3A_37 = tpu.memref_slice %arg10[%dma_wait3A, %dma_wait3A_36] : memref<10000x128xf32, #tpu.memory_space<vmem_shared>> -> memref<400x128xf32, #tpu.memory_space<vmem_shared>>
        %dma_wait3A_38 = arith.constant 9600 : i32
        %dma_wait3A_39 = arith.constant 0 : i32
        %dma_wait3A_40 = tpu.memref_slice %arg7[%dma_wait3A_38, %dma_wait3A_39] : memref<10000x128xf32, #tpu.memory_space<hbm>> -> memref<400x128xf32, #tpu.memory_space<hbm>>
        tpu.wait_dma2 semaphore(%run_scoped3A : memref<!tpu.dma_semaphore, #tpu.memory_space<semaphore_mem>>) src(%dma_wait3A_40 : memref<400x128xf32, #tpu.memory_space<hbm>>) dst(%dma_wait3A_37 : memref<400x128xf32, #tpu.memory_space<vmem_shared>>)
        tpu.yield
      }) : () -> ()
    } else {
    }
    %mul3A_7 = arith.constant 80 : i32
    %mul3A_8 = arith.muli %arg1, %mul3A_7 : i32
    %mul3A_9 = arith.constant 80 : i32
    %mul3A_10 = arith.muli %arg1, %mul3A_9 : i32
    "tpu.region"() ({
      %run_scoped3A = tpu.sem_alloc : memref<!tpu.dma_semaphore, #tpu.memory_space<semaphore_mem>>
      %dma_start3A = arith.constant 0 : i32
      %dma_start3A_31 = tpu.memref_slice %arg11[%mul3A_10, %dma_start3A] : memref<1280x128xf32, #tpu.memory_space<vmem_shared>> -> memref<80x128xf32, #tpu.memory_space<vmem_shared>>
      %dma_start3A_32 = arith.constant 0 : i32
      %dma_start3A_33 = tpu.memref_slice %arg7[%mul3A_8, %dma_start3A_32] : memref<10000x128xf32, #tpu.memory_space<hbm>> -> memref<80x128xf32, #tpu.memory_space<hbm>>
      tpu.enqueue_dma source(%dma_start3A_33 : memref<80x128xf32, #tpu.memory_space<hbm>>) target(%dma_start3A_31 : memref<80x128xf32, #tpu.memory_space<vmem_shared>>) target_semaphore(%run_scoped3A : memref<!tpu.dma_semaphore, #tpu.memory_space<semaphore_mem>>)
      %dma_wait3A = arith.constant 0 : i32
      %dma_wait3A_34 = tpu.memref_slice %arg11[%mul3A_10, %dma_wait3A] : memref<1280x128xf32, #tpu.memory_space<vmem_shared>> -> memref<80x128xf32, #tpu.memory_space<vmem_shared>>
      %dma_wait3A_35 = arith.constant 0 : i32
      %dma_wait3A_36 = tpu.memref_slice %arg7[%mul3A_8, %dma_wait3A_35] : memref<10000x128xf32, #tpu.memory_space<hbm>> -> memref<80x128xf32, #tpu.memory_space<hbm>>
      tpu.wait_dma2 semaphore(%run_scoped3A : memref<!tpu.dma_semaphore, #tpu.memory_space<semaphore_mem>>) src(%dma_wait3A_36 : memref<80x128xf32, #tpu.memory_space<hbm>>) dst(%dma_wait3A_34 : memref<80x128xf32, #tpu.memory_space<vmem_shared>>)
      tpu.yield
    }) : () -> ()
    "tpu.region"() ({
      %run_scoped3A = tpu.sem_alloc : memref<!tpu.dma_semaphore, #tpu.memory_space<semaphore_mem>>
      %dma_start3A = arith.constant 0 : i32
      %dma_start3A_31 = arith.constant 0 : i32
      %dma_start3A_32 = tpu.memref_slice %arg7[%dma_start3A, %dma_start3A_31] : memref<10000x128xf32, #tpu.memory_space<hbm>> -> memref<16x128xf32, #tpu.memory_space<hbm>>
      %dma_start3A_33 = arith.constant 0 : i32
      %dma_start3A_34 = arith.constant 0 : i32
      %dma_start3A_35 = tpu.memref_slice %arg7[%dma_start3A_33, %dma_start3A_34] : memref<10000x128xf32, #tpu.memory_space<hbm>> -> memref<16x128xf32, #tpu.memory_space<hbm>>
      tpu.enqueue_dma source(%dma_start3A_35 : memref<16x128xf32, #tpu.memory_space<hbm>>) target(%arg19 : memref<16x128xf32, #tpu.memory_space<vmem>>) target_semaphore(%run_scoped3A : memref<!tpu.dma_semaphore, #tpu.memory_space<semaphore_mem>>)
      %dma_wait3A = arith.constant 0 : i32
      %dma_wait3A_36 = arith.constant 0 : i32
      %dma_wait3A_37 = tpu.memref_slice %arg7[%dma_wait3A, %dma_wait3A_36] : memref<10000x128xf32, #tpu.memory_space<hbm>> -> memref<16x128xf32, #tpu.memory_space<hbm>>
      %dma_wait3A_38 = arith.constant 0 : i32
      %dma_wait3A_39 = arith.constant 0 : i32
      %dma_wait3A_40 = tpu.memref_slice %arg7[%dma_wait3A_38, %dma_wait3A_39] : memref<10000x128xf32, #tpu.memory_space<hbm>> -> memref<16x128xf32, #tpu.memory_space<hbm>>
      tpu.wait_dma2 semaphore(%run_scoped3A : memref<!tpu.dma_semaphore, #tpu.memory_space<semaphore_mem>>) src(%dma_wait3A_40 : memref<16x128xf32, #tpu.memory_space<hbm>>) dst(%arg19 : memref<16x128xf32, #tpu.memory_space<vmem>>)
      tpu.yield
    }) : () -> ()
    "tpu.region"() ({
      %run_scoped3A = tpu.sem_alloc : memref<!tpu.dma_semaphore, #tpu.memory_space<semaphore_mem>>
      tpu.enqueue_dma source(%arg3 : memref<10000xf32, #tpu.memory_space<hbm>>) target(%arg12 : memref<10000xf32, #tpu.memory_space<vmem>>) target_semaphore(%run_scoped3A : memref<!tpu.dma_semaphore, #tpu.memory_space<semaphore_mem>>)
      tpu.wait_dma2 semaphore(%run_scoped3A : memref<!tpu.dma_semaphore, #tpu.memory_space<semaphore_mem>>) src(%arg3 : memref<10000xf32, #tpu.memory_space<hbm>>) dst(%arg12 : memref<10000xf32, #tpu.memory_space<vmem>>)
      tpu.yield
    }) : () -> ()
    "tpu.region"() ({
      %run_scoped3A = tpu.sem_alloc : memref<!tpu.dma_semaphore, #tpu.memory_space<semaphore_mem>>
      tpu.enqueue_dma source(%arg4 : memref<10000xf32, #tpu.memory_space<hbm>>) target(%arg13 : memref<10000xf32, #tpu.memory_space<vmem>>) target_semaphore(%run_scoped3A : memref<!tpu.dma_semaphore, #tpu.memory_space<semaphore_mem>>)
      tpu.wait_dma2 semaphore(%run_scoped3A : memref<!tpu.dma_semaphore, #tpu.memory_space<semaphore_mem>>) src(%arg4 : memref<10000xf32, #tpu.memory_space<hbm>>) dst(%arg13 : memref<10000xf32, #tpu.memory_space<vmem>>)
      tpu.yield
    }) : () -> ()
    %barrier3A = arith.constant 0 : index
    tpu.barrier barrier_id(%barrier3A)
    %iota3A = tpu.iota {dimensions = array<i32: 0>} : vector<16xi32>
    %scan3A = arith.constant 0 : i32
    %scan3A_11 = arith.constant 0 : i32
    %scan3A_12 = arith.constant 625 : i32
    %scan3A_13 = arith.addi %scan3A_11, %scan3A_12 : i32
    %scan3A_14 = arith.constant 1 : i32
    scf.for %scan3A_31 = %scan3A_11 to %scan3A_13 step %scan3A_14  : i32 {
      %mul3A_32 = arith.constant 10000 : i32
      %mul3A_33 = arith.muli %add3A, %mul3A_32 : i32
      %mul3A_34 = arith.constant 16 : i32
      %mul3A_35 = arith.muli %scan3A_31, %mul3A_34 : i32
      %add3A_36 = arith.addi %mul3A_33, %mul3A_35 : i32
      "tpu.region"() ({
        %run_scoped3A = tpu.sem_alloc : memref<!tpu.dma_semaphore, #tpu.memory_space<semaphore_mem>>
        %dma_start3A_145 = tpu.memref_slice %arg5[%add3A_36] : memref<320000xi32, #tpu.memory_space<hbm>> -> memref<16xi32, #tpu.memory_space<hbm>>
        %dma_start3A_146 = tpu.memref_slice %arg5[%add3A_36] : memref<320000xi32, #tpu.memory_space<hbm>> -> memref<16xi32, #tpu.memory_space<hbm>>
        tpu.enqueue_dma source(%dma_start3A_146 : memref<16xi32, #tpu.memory_space<hbm>>) target(%arg14 : memref<16xi32, #tpu.memory_space<vmem>>) target_semaphore(%run_scoped3A : memref<!tpu.dma_semaphore, #tpu.memory_space<semaphore_mem>>)
        %dma_wait3A_147 = tpu.memref_slice %arg5[%add3A_36] : memref<320000xi32, #tpu.memory_space<hbm>> -> memref<16xi32, #tpu.memory_space<hbm>>
        %dma_wait3A_148 = tpu.memref_slice %arg5[%add3A_36] : memref<320000xi32, #tpu.memory_space<hbm>> -> memref<16xi32, #tpu.memory_space<hbm>>
        tpu.wait_dma2 semaphore(%run_scoped3A : memref<!tpu.dma_semaphore, #tpu.memory_space<semaphore_mem>>) src(%dma_wait3A_148 : memref<16xi32, #tpu.memory_space<hbm>>) dst(%arg14 : memref<16xi32, #tpu.memory_space<vmem>>)
        tpu.yield
      }) : () -> ()
      "tpu.region"() ({
        %run_scoped3A = tpu.sem_alloc : memref<!tpu.dma_semaphore, #tpu.memory_space<semaphore_mem>>
        %dma_start3A_145 = tpu.memref_slice %arg6[%add3A_36] : memref<320000xi32, #tpu.memory_space<hbm>> -> memref<16xi32, #tpu.memory_space<hbm>>
        %dma_start3A_146 = tpu.memref_slice %arg6[%add3A_36] : memref<320000xi32, #tpu.memory_space<hbm>> -> memref<16xi32, #tpu.memory_space<hbm>>
        tpu.enqueue_dma source(%dma_start3A_146 : memref<16xi32, #tpu.memory_space<hbm>>) target(%arg15 : memref<16xi32, #tpu.memory_space<vmem>>) target_semaphore(%run_scoped3A : memref<!tpu.dma_semaphore, #tpu.memory_space<semaphore_mem>>)
        %dma_wait3A_147 = tpu.memref_slice %arg6[%add3A_36] : memref<320000xi32, #tpu.memory_space<hbm>> -> memref<16xi32, #tpu.memory_space<hbm>>
        %dma_wait3A_148 = tpu.memref_slice %arg6[%add3A_36] : memref<320000xi32, #tpu.memory_space<hbm>> -> memref<16xi32, #tpu.memory_space<hbm>>
        tpu.wait_dma2 semaphore(%run_scoped3A : memref<!tpu.dma_semaphore, #tpu.memory_space<semaphore_mem>>) src(%dma_wait3A_148 : memref<16xi32, #tpu.memory_space<hbm>>) dst(%arg15 : memref<16xi32, #tpu.memory_space<vmem>>)
        tpu.yield
      }) : () -> ()
      %dma_start3A = arith.constant 0 : i32
      %dma_start3A_37 = arith.constant 0 : i32
      %dma_start3A_38 = tpu.memref_slice %arg2[%dma_start3A, %dma_start3A_37] : memref<10000x128xf32, #tpu.memory_space<hbm>> -> memref<10000x128xf32, #tpu.memory_space<hbm>>
      tpu.enqueue_indirect_dma source(%dma_start3A_38 : memref<10000x128xf32, #tpu.memory_space<hbm>>) target(%arg18 : memref<16x128xf32, #tpu.memory_space<vmem>>) offsets(%arg14 : memref<16xi32, #tpu.memory_space<vmem>>) semaphore(%arg20 : memref<!tpu.dma_semaphore, #tpu.memory_space<semaphore_mem>>)
      %dma_wait3A = arith.constant 0 : i32
      %dma_wait3A_39 = arith.constant 0 : i32
      %dma_wait3A_40 = tpu.memref_slice %arg2[%dma_wait3A, %dma_wait3A_39] : memref<10000x128xf32, #tpu.memory_space<hbm>> -> memref<10000x128xf32, #tpu.memory_space<hbm>>
      tpu.wait_indirect_dma semaphore(%arg20 : memref<!tpu.dma_semaphore, #tpu.memory_space<semaphore_mem>>) src(%dma_wait3A_40 : memref<10000x128xf32, #tpu.memory_space<hbm>>) dst(%arg18 : memref<16x128xf32, #tpu.memory_space<vmem>>)
      %get3A = arith.constant 0 : index
      %get3A_41 = tpu.vector_load %arg15[%get3A] {strides = array<i32>} : memref<16xi32, #tpu.memory_space<vmem>>, vector<16xi32>,
      %get3A_42 = arith.constant 0 : index
      %get3A_43 = tpu.vector_load %arg14[%get3A_42] {strides = array<i32>} : memref<16xi32, #tpu.memory_space<vmem>>, vector<16xi32>,
      %gather3A = tpu.vector_load_idx %arg12[%get3A_41] : memref<10000xf32, #tpu.memory_space<vmem>>[vector<16xi32>], vector<16xf32>,
      %gather3A_44 = tpu.vector_load_idx %arg13[%get3A_43] : memref<10000xf32, #tpu.memory_space<vmem>>[vector<16xi32>], vector<16xf32>,
      %add3A_45 = arith.addf %gather3A, %gather3A_44 : vector<16xf32>
      %gt3A = arith.constant 0.000000e+00 : f32
      %gt3A_46 = vector.broadcast %gt3A : f32 to vector<16xf32>
      %gt3A_47 = arith.cmpf ogt, %add3A_45, %gt3A_46 : vector<16xf32>
      %mul3A_48 = arith.constant 2.000000e-01 : f32
      %mul3A_49 = vector.broadcast %mul3A_48 : f32 to vector<16xf32>
      %mul3A_50 = arith.mulf %mul3A_49, %add3A_45 : vector<16xf32>
      %select_n3A = arith.select %gt3A_47, %add3A_45, %mul3A_50 : vector<16xi1>, vector<16xf32>
      %exp3A = math.exp %select_n3A : vector<16xf32>
      %swap3A = arith.constant 0 : index
      %swap3A_51 = tpu.vector_load %arg17[%swap3A] {strides = array<i32>} : memref<16xf32, #tpu.memory_space<vmem>>, vector<16xf32>,
      tpu.vector_store %arg17[%swap3A], %exp3A {strides = array<i32>} : memref<16xf32, #tpu.memory_space<vmem>>, vector<16xf32>,
      %jit3A = arith.constant 8 : i32
      %div3A = vector.broadcast %jit3A : i32 to vector<16xi32>
      %div3A_52 = arith.divsi %get3A_41, %div3A : vector<16xi32>
      %sign3A = arith.constant 0 : i32
      %sign3A_53 = vector.broadcast %sign3A : i32 to vector<16xi32>
      %sign3A_54 = arith.cmpi sgt, %get3A_41, %sign3A_53 : vector<16xi32>
      %sign3A_55 = arith.extui %sign3A_54 : vector<16xi1> to vector<16xi32>
      %sign3A_56 = arith.constant 0 : i32
      %sign3A_57 = vector.broadcast %sign3A_56 : i32 to vector<16xi32>
      %sign3A_58 = arith.cmpi slt, %get3A_41, %sign3A_57 : vector<16xi32>
      %sign3A_59 = arith.extui %sign3A_58 : vector<16xi1> to vector<16xi32>
      %sign3A_60 = arith.subi %sign3A_55, %sign3A_59 : vector<16xi32>
      %sign3A_61 = arith.constant 0 : i32
      %sign3A_62 = arith.cmpi sgt, %jit3A, %sign3A_61 : i32
      %sign3A_63 = arith.extui %sign3A_62 : i1 to i32
      %sign3A_64 = arith.constant 0 : i32
      %sign3A_65 = arith.cmpi slt, %jit3A, %sign3A_64 : i32
      %sign3A_66 = arith.extui %sign3A_65 : i1 to i32
      %sign3A_67 = arith.subi %sign3A_63, %sign3A_66 : i32
      %ne3A = vector.broadcast %sign3A_67 : i32 to vector<16xi32>
      %ne3A_68 = arith.cmpi ne, %sign3A_60, %ne3A : vector<16xi32>
      %rem3A = vector.broadcast %jit3A : i32 to vector<16xi32>
      %rem3A_69 = arith.remsi %get3A_41, %rem3A : vector<16xi32>
      %ne3A_70 = arith.constant 0 : i32
      %ne3A_71 = vector.broadcast %ne3A_70 : i32 to vector<16xi32>
      %ne3A_72 = arith.cmpi ne, %rem3A_69, %ne3A_71 : vector<16xi32>
      %and3A = arith.andi %ne3A_68, %ne3A_72 : vector<16xi1>
      %sub3A = arith.constant 1 : i32
      %sub3A_73 = vector.broadcast %sub3A : i32 to vector<16xi32>
      %sub3A_74 = arith.subi %div3A_52, %sub3A_73 : vector<16xi32>
      %select_n3A_75 = arith.select %and3A, %sub3A_74, %div3A_52 : vector<16xi1>, vector<16xi32>
      %swap3A_76 = arith.constant 0 : index
      %swap3A_77 = tpu.vector_load %arg16[%swap3A_76] {strides = array<i32>} : memref<16xi32, #tpu.memory_space<vmem>>, vector<16xi32>,
      tpu.vector_store %arg16[%swap3A_76], %select_n3A_75 {strides = array<i32>} : memref<16xi32, #tpu.memory_space<vmem>>, vector<16xi32>,
      %add3A_78 = arith.constant 0 : i32
      %add3A_79 = vector.broadcast %add3A_78 : i32 to vector<16xi32>
      %add3A_80 = arith.addi %iota3A, %add3A_79 : vector<16xi32>
      %jit3A_81 = arith.constant 8 : i32
      %eq3A_82 = arith.constant 0 : i32
      %eq3A_83 = arith.cmpi eq, %jit3A_81, %eq3A_82 : i32
      %jit3A_84 = arith.constant 1 : i32
      %select_n3A_85 = arith.select %eq3A_83, %jit3A_84, %jit3A_81 : i32
      %rem3A_86 = vector.broadcast %select_n3A_85 : i32 to vector<16xi32>
      %rem3A_87 = arith.remsi %get3A_41, %rem3A_86 : vector<16xi32>
      %ne3A_88 = arith.constant 0 : i32
      %ne3A_89 = vector.broadcast %ne3A_88 : i32 to vector<16xi32>
      %ne3A_90 = arith.cmpi ne, %rem3A_87, %ne3A_89 : vector<16xi32>
      %lt3A_91 = arith.constant 0 : i32
      %lt3A_92 = vector.broadcast %lt3A_91 : i32 to vector<16xi32>
      %lt3A_93 = arith.cmpi slt, %rem3A_87, %lt3A_92 : vector<16xi32>
      %lt3A_94 = arith.constant 0 : i32
      %lt3A_95 = arith.cmpi slt, %select_n3A_85, %lt3A_94 : i32
      %ne3A_96 = vector.broadcast %lt3A_95 : i1 to vector<16xi1>
      %ne3A_97 = vector.broadcast %ne3A_96 : vector<16xi1> to vector<16xi1>
      %ne3A_98 = arith.xori %lt3A_93, %ne3A_97 : vector<16xi1>
      %and3A_99 = arith.andi %ne3A_98, %ne3A_90 : vector<16xi1>
      %add3A_100 = vector.broadcast %select_n3A_85 : i32 to vector<16xi32>
      %add3A_101 = arith.addi %rem3A_87, %add3A_100 : vector<16xi32>
      %select_n3A_102 = arith.select %and3A_99, %add3A_101, %rem3A_87 : vector<16xi1>, vector<16xi32>
      %mul3A_103 = arith.constant 16 : i32
      %mul3A_104 = vector.broadcast %mul3A_103 : i32 to vector<16xi32>
      %mul3A_105 = arith.muli %select_n3A_102, %mul3A_104 : vector<16xi32>
      %add3A_106 = arith.addi %mul3A_105, %iota3A : vector<16xi32>
      tpu.vector_store_idx %arg19[%add3A_80, %add3A_106], %exp3A : memref<16x128xf32, #tpu.memory_space<vmem>>[vector<16xi32>, vector<16xi32>], vector<16xf32>,
      "tpu.region"() ({
        %run_scoped3A = tpu.sem_alloc : memref<!tpu.dma_semaphore, #tpu.memory_space<semaphore_mem>>
        %dma_start3A_145 = arith.constant 0 : i32
        %dma_start3A_146 = arith.constant 0 : i32
        %dma_start3A_147 = tpu.memref_slice %arg11[%dma_start3A_145, %dma_start3A_146] : memref<1280x128xf32, #tpu.memory_space<vmem_shared>> -> memref<1280x128xf32, #tpu.memory_space<vmem_shared>>
        tpu.enqueue_indirect_dma source(%arg19 : memref<16x128xf32, #tpu.memory_space<vmem>>) target(%dma_start3A_147 : memref<1280x128xf32, #tpu.memory_space<vmem_shared>>) offsets(%arg16 : memref<16xi32, #tpu.memory_space<vmem>>) semaphore(%run_scoped3A : memref<!tpu.dma_semaphore, #tpu.memory_space<semaphore_mem>>) {add = true}
        %dma_wait3A_148 = arith.constant 0 : i32
        %dma_wait3A_149 = arith.constant 0 : i32
        %dma_wait3A_150 = tpu.memref_slice %arg11[%dma_wait3A_148, %dma_wait3A_149] : memref<1280x128xf32, #tpu.memory_space<vmem_shared>> -> memref<1280x128xf32, #tpu.memory_space<vmem_shared>>
        tpu.wait_indirect_dma semaphore(%run_scoped3A : memref<!tpu.dma_semaphore, #tpu.memory_space<semaphore_mem>>) src(%arg19 : memref<16x128xf32, #tpu.memory_space<vmem>>) dst(%dma_wait3A_150 : memref<1280x128xf32, #tpu.memory_space<vmem_shared>>)
        tpu.yield
      }) : () -> ()
      %get3A_107 = arith.constant 0 : index
      %get3A_108 = tpu.vector_load %arg15[%get3A_107] {strides = array<i32>} : memref<16xi32, #tpu.memory_space<vmem>>, vector<16xi32>,
      %add3A_109 = arith.constant 0 : i32
      %add3A_110 = vector.broadcast %add3A_109 : i32 to vector<16xi32>
      %add3A_111 = arith.addi %iota3A, %add3A_110 : vector<16xi32>
      %jit3A_112 = arith.constant 8 : i32
      %eq3A_113 = arith.constant 0 : i32
      %eq3A_114 = arith.cmpi eq, %jit3A_112, %eq3A_113 : i32
      %jit3A_115 = arith.constant 1 : i32
      %select_n3A_116 = arith.select %eq3A_114, %jit3A_115, %jit3A_112 : i32
      %rem3A_117 = vector.broadcast %select_n3A_116 : i32 to vector<16xi32>
      %rem3A_118 = arith.remsi %get3A_108, %rem3A_117 : vector<16xi32>
      %ne3A_119 = arith.constant 0 : i32
      %ne3A_120 = vector.broadcast %ne3A_119 : i32 to vector<16xi32>
      %ne3A_121 = arith.cmpi ne, %rem3A_118, %ne3A_120 : vector<16xi32>
      %lt3A_122 = arith.constant 0 : i32
      %lt3A_123 = vector.broadcast %lt3A_122 : i32 to vector<16xi32>
      %lt3A_124 = arith.cmpi slt, %rem3A_118, %lt3A_123 : vector<16xi32>
      %lt3A_125 = arith.constant 0 : i32
      %lt3A_126 = arith.cmpi slt, %select_n3A_116, %lt3A_125 : i32
      %ne3A_127 = vector.broadcast %lt3A_126 : i1 to vector<16xi1>
      %ne3A_128 = vector.broadcast %ne3A_127 : vector<16xi1> to vector<16xi1>
      %ne3A_129 = arith.xori %lt3A_124, %ne3A_128 : vector<16xi1>
      %and3A_130 = arith.andi %ne3A_129, %ne3A_121 : vector<16xi1>
      %add3A_131 = vector.broadcast %select_n3A_116 : i32 to vector<16xi32>
      %add3A_132 = arith.addi %rem3A_118, %add3A_131 : vector<16xi32>
      %select_n3A_133 = arith.select %and3A_130, %add3A_132, %rem3A_118 : vector<16xi1>, vector<16xi32>
      %mul3A_134 = arith.constant 16 : i32
      %mul3A_135 = vector.broadcast %mul3A_134 : i32 to vector<16xi32>
      %mul3A_136 = arith.muli %select_n3A_133, %mul3A_135 : vector<16xi32>
      %add3A_137 = arith.addi %mul3A_136, %iota3A : vector<16xi32>
      %broadcast_in_dim3A = arith.constant 0.000000e+00 : f32
      %broadcast_in_dim3A_138 = vector.broadcast %broadcast_in_dim3A : f32 to vector<16xf32>
      tpu.vector_store_idx %arg19[%add3A_111, %add3A_137], %broadcast_in_dim3A_138 : memref<16x128xf32, #tpu.memory_space<vmem>>[vector<16xi32>, vector<16xi32>], vector<16xf32>,
      %scan3A_139 = arith.constant 0 : i32
      %scan3A_140 = arith.constant 0 : i32
      %scan3A_141 = arith.constant 16 : i32
      %scan3A_142 = arith.addi %scan3A_140, %scan3A_141 : i32
      %scan3A_143 = arith.constant 1 : i32
      scf.for %scan3A_145 = %scan3A_140 to %scan3A_142 step %scan3A_143  : i32 {
        %broadcast_in_dim3A_146 = vector.broadcast %scan3A_145 : i32 to vector<16xi32>
        %gather3A_147 = tpu.vector_load_idx %arg17[%broadcast_in_dim3A_146] : memref<16xf32, #tpu.memory_space<vmem>>[vector<16xi32>], vector<16xf32>,
        %add3A_148 = arith.constant 0 : i32
        %add3A_149 = vector.broadcast %add3A_148 : i32 to vector<16xi32>
        %add3A_150 = arith.addi %iota3A, %add3A_149 : vector<16xi32>
        %gather3A_151 = tpu.vector_load_idx %arg18[%broadcast_in_dim3A_146, %add3A_150] : memref<16x128xf32, #tpu.memory_space<vmem>>[vector<16xi32>, vector<16xi32>], vector<16xf32>,
        %mul3A_152 = arith.mulf %gather3A_151, %gather3A_147 : vector<16xf32>
        tpu.vector_store_idx %arg18[%broadcast_in_dim3A_146, %add3A_150], %mul3A_152 : memref<16x128xf32, #tpu.memory_space<vmem>>[vector<16xi32>, vector<16xi32>], vector<16xf32>,
        %add3A_153 = arith.constant 16 : i32
        %add3A_154 = vector.broadcast %add3A_153 : i32 to vector<16xi32>
        %add3A_155 = arith.addi %iota3A, %add3A_154 : vector<16xi32>
        %gather3A_156 = tpu.vector_load_idx %arg18[%broadcast_in_dim3A_146, %add3A_155] : memref<16x128xf32, #tpu.memory_space<vmem>>[vector<16xi32>, vector<16xi32>], vector<16xf32>,
        %mul3A_157 = arith.mulf %gather3A_156, %gather3A_147 : vector<16xf32>
        tpu.vector_store_idx %arg18[%broadcast_in_dim3A_146, %add3A_155], %mul3A_157 : memref<16x128xf32, #tpu.memory_space<vmem>>[vector<16xi32>, vector<16xi32>], vector<16xf32>,
        %add3A_158 = arith.constant 32 : i32
        %add3A_159 = vector.broadcast %add3A_158 : i32 to vector<16xi32>
        %add3A_160 = arith.addi %iota3A, %add3A_159 : vector<16xi32>
        %gather3A_161 = tpu.vector_load_idx %arg18[%broadcast_in_dim3A_146, %add3A_160] : memref<16x128xf32, #tpu.memory_space<vmem>>[vector<16xi32>, vector<16xi32>], vector<16xf32>,
        %mul3A_162 = arith.mulf %gather3A_161, %gather3A_147 : vector<16xf32>
        tpu.vector_store_idx %arg18[%broadcast_in_dim3A_146, %add3A_160], %mul3A_162 : memref<16x128xf32, #tpu.memory_space<vmem>>[vector<16xi32>, vector<16xi32>], vector<16xf32>,
        %add3A_163 = arith.constant 48 : i32
        %add3A_164 = vector.broadcast %add3A_163 : i32 to vector<16xi32>
        %add3A_165 = arith.addi %iota3A, %add3A_164 : vector<16xi32>
        %gather3A_166 = tpu.vector_load_idx %arg18[%broadcast_in_dim3A_146, %add3A_165] : memref<16x128xf32, #tpu.memory_space<vmem>>[vector<16xi32>, vector<16xi32>], vector<16xf32>,
        %mul3A_167 = arith.mulf %gather3A_166, %gather3A_147 : vector<16xf32>
        tpu.vector_store_idx %arg18[%broadcast_in_dim3A_146, %add3A_165], %mul3A_167 : memref<16x128xf32, #tpu.memory_space<vmem>>[vector<16xi32>, vector<16xi32>], vector<16xf32>,
        %add3A_168 = arith.constant 64 : i32
        %add3A_169 = vector.broadcast %add3A_168 : i32 to vector<16xi32>
        %add3A_170 = arith.addi %iota3A, %add3A_169 : vector<16xi32>
        %gather3A_171 = tpu.vector_load_idx %arg18[%broadcast_in_dim3A_146, %add3A_170] : memref<16x128xf32, #tpu.memory_space<vmem>>[vector<16xi32>, vector<16xi32>], vector<16xf32>,
        %mul3A_172 = arith.mulf %gather3A_171, %gather3A_147 : vector<16xf32>
        tpu.vector_store_idx %arg18[%broadcast_in_dim3A_146, %add3A_170], %mul3A_172 : memref<16x128xf32, #tpu.memory_space<vmem>>[vector<16xi32>, vector<16xi32>], vector<16xf32>,
        %add3A_173 = arith.constant 80 : i32
        %add3A_174 = vector.broadcast %add3A_173 : i32 to vector<16xi32>
        %add3A_175 = arith.addi %iota3A, %add3A_174 : vector<16xi32>
        %gather3A_176 = tpu.vector_load_idx %arg18[%broadcast_in_dim3A_146, %add3A_175] : memref<16x128xf32, #tpu.memory_space<vmem>>[vector<16xi32>, vector<16xi32>], vector<16xf32>,
        %mul3A_177 = arith.mulf %gather3A_176, %gather3A_147 : vector<16xf32>
        tpu.vector_store_idx %arg18[%broadcast_in_dim3A_146, %add3A_175], %mul3A_177 : memref<16x128xf32, #tpu.memory_space<vmem>>[vector<16xi32>, vector<16xi32>], vector<16xf32>,
        %add3A_178 = arith.constant 96 : i32
        %add3A_179 = vector.broadcast %add3A_178 : i32 to vector<16xi32>
        %add3A_180 = arith.addi %iota3A, %add3A_179 : vector<16xi32>
        %gather3A_181 = tpu.vector_load_idx %arg18[%broadcast_in_dim3A_146, %add3A_180] : memref<16x128xf32, #tpu.memory_space<vmem>>[vector<16xi32>, vector<16xi32>], vector<16xf32>,
        %mul3A_182 = arith.mulf %gather3A_181, %gather3A_147 : vector<16xf32>
        tpu.vector_store_idx %arg18[%broadcast_in_dim3A_146, %add3A_180], %mul3A_182 : memref<16x128xf32, #tpu.memory_space<vmem>>[vector<16xi32>, vector<16xi32>], vector<16xf32>,
        %add3A_183 = arith.constant 112 : i32
        %add3A_184 = vector.broadcast %add3A_183 : i32 to vector<16xi32>
        %add3A_185 = arith.addi %iota3A, %add3A_184 : vector<16xi32>
        %gather3A_186 = tpu.vector_load_idx %arg18[%broadcast_in_dim3A_146, %add3A_185] : memref<16x128xf32, #tpu.memory_space<vmem>>[vector<16xi32>, vector<16xi32>], vector<16xf32>,
        %mul3A_187 = arith.mulf %gather3A_186, %gather3A_147 : vector<16xf32>
        tpu.vector_store_idx %arg18[%broadcast_in_dim3A_146, %add3A_185], %mul3A_187 : memref<16x128xf32, #tpu.memory_space<vmem>>[vector<16xi32>, vector<16xi32>], vector<16xf32>,
      }
      %scan3A_144 = arith.constant 16 : i32
      "tpu.region"() ({
        %run_scoped3A = tpu.sem_alloc : memref<!tpu.dma_semaphore, #tpu.memory_space<semaphore_mem>>
        %dma_start3A_145 = arith.constant 0 : i32
        %dma_start3A_146 = arith.constant 0 : i32
        %dma_start3A_147 = tpu.memref_slice %arg10[%dma_start3A_145, %dma_start3A_146] : memref<10000x128xf32, #tpu.memory_space<vmem_shared>> -> memref<10000x128xf32, #tpu.memory_space<vmem_shared>>
        tpu.enqueue_indirect_dma source(%arg18 : memref<16x128xf32, #tpu.memory_space<vmem>>) target(%dma_start3A_147 : memref<10000x128xf32, #tpu.memory_space<vmem_shared>>) offsets(%arg15 : memref<16xi32, #tpu.memory_space<vmem>>) semaphore(%run_scoped3A : memref<!tpu.dma_semaphore, #tpu.memory_space<semaphore_mem>>) {add = true}
        %dma_wait3A_148 = arith.constant 0 : i32
        %dma_wait3A_149 = arith.constant 0 : i32
        %dma_wait3A_150 = tpu.memref_slice %arg10[%dma_wait3A_148, %dma_wait3A_149] : memref<10000x128xf32, #tpu.memory_space<vmem_shared>> -> memref<10000x128xf32, #tpu.memory_space<vmem_shared>>
        tpu.wait_indirect_dma semaphore(%run_scoped3A : memref<!tpu.dma_semaphore, #tpu.memory_space<semaphore_mem>>) src(%arg18 : memref<16x128xf32, #tpu.memory_space<vmem>>) dst(%dma_wait3A_150 : memref<10000x128xf32, #tpu.memory_space<vmem_shared>>)
        tpu.yield
      }) : () -> ()
    }
    %scan3A_15 = arith.constant 625 : i32
    %barrier3A_16 = arith.constant 0 : index
    tpu.barrier barrier_id(%barrier3A_16)
    %lt3A_17 = arith.constant 15 : i32
    %lt3A_18 = arith.cmpi slt, %arg1, %lt3A_17 : i32
    %convert_element_type3A_19 = arith.extui %lt3A_18 : i1 to i32
    %cond3A_20 = arith.constant 0 : i32
    %cond3A_21 = arith.cmpi ne, %convert_element_type3A_19, %cond3A_20 : i32
    scf.if %cond3A_21 {
      %mul3A_31 = arith.constant 640 : i32
      %mul3A_32 = arith.muli %arg1, %mul3A_31 : i32
      %mul3A_33 = arith.constant 640 : i32
      %mul3A_34 = arith.muli %arg1, %mul3A_33 : i32
      "tpu.region"() ({
        %run_scoped3A = tpu.sem_alloc : memref<!tpu.dma_semaphore, #tpu.memory_space<semaphore_mem>>
        %dma_start3A = arith.constant 0 : i32
        %dma_start3A_35 = tpu.memref_slice %arg8[%arg0, %mul3A_34, %dma_start3A] : memref<2x10000x128xf32, #tpu.memory_space<hbm>> -> memref<1x640x128xf32, #tpu.memory_space<hbm>>
        %dma_start3A_36 = tpu.memref_squeeze %dma_start3A_35 : memref<1x640x128xf32, #tpu.memory_space<hbm>> -> memref<640x128xf32, #tpu.memory_space<hbm>>
        %dma_start3A_37 = arith.constant 0 : i32
        %dma_start3A_38 = tpu.memref_slice %arg10[%mul3A_32, %dma_start3A_37] : memref<10000x128xf32, #tpu.memory_space<vmem_shared>> -> memref<640x128xf32, #tpu.memory_space<vmem_shared>>
        tpu.enqueue_dma source(%dma_start3A_38 : memref<640x128xf32, #tpu.memory_space<vmem_shared>>) target(%dma_start3A_36 : memref<640x128xf32, #tpu.memory_space<hbm>>) target_semaphore(%run_scoped3A : memref<!tpu.dma_semaphore, #tpu.memory_space<semaphore_mem>>)
        %dma_wait3A = arith.constant 0 : i32
        %dma_wait3A_39 = tpu.memref_slice %arg8[%arg0, %mul3A_34, %dma_wait3A] : memref<2x10000x128xf32, #tpu.memory_space<hbm>> -> memref<1x640x128xf32, #tpu.memory_space<hbm>>
        %dma_wait3A_40 = tpu.memref_squeeze %dma_wait3A_39 : memref<1x640x128xf32, #tpu.memory_space<hbm>> -> memref<640x128xf32, #tpu.memory_space<hbm>>
        %dma_wait3A_41 = arith.constant 0 : i32
        %dma_wait3A_42 = tpu.memref_slice %arg10[%mul3A_32, %dma_wait3A_41] : memref<10000x128xf32, #tpu.memory_space<vmem_shared>> -> memref<640x128xf32, #tpu.memory_space<vmem_shared>>
        tpu.wait_dma2 semaphore(%run_scoped3A : memref<!tpu.dma_semaphore, #tpu.memory_space<semaphore_mem>>) src(%dma_wait3A_42 : memref<640x128xf32, #tpu.memory_space<vmem_shared>>) dst(%dma_wait3A_40 : memref<640x128xf32, #tpu.memory_space<hbm>>)
        tpu.yield
      }) : () -> ()
    } else {
    }
    %eq3A_22 = arith.constant 15 : i32
    %eq3A_23 = arith.cmpi eq, %arg1, %eq3A_22 : i32
    %convert_element_type3A_24 = arith.extui %eq3A_23 : i1 to i32
    %cond3A_25 = arith.constant 0 : i32
    %cond3A_26 = arith.cmpi ne, %convert_element_type3A_24, %cond3A_25 : i32
    scf.if %cond3A_26 {
      "tpu.region"() ({
        %run_scoped3A = tpu.sem_alloc : memref<!tpu.dma_semaphore, #tpu.memory_space<semaphore_mem>>
        %dma_start3A = arith.constant 9600 : i32
        %dma_start3A_31 = arith.constant 0 : i32
        %dma_start3A_32 = tpu.memref_slice %arg8[%arg0, %dma_start3A, %dma_start3A_31] : memref<2x10000x128xf32, #tpu.memory_space<hbm>> -> memref<1x400x128xf32, #tpu.memory_space<hbm>>
        %dma_start3A_33 = tpu.memref_squeeze %dma_start3A_32 : memref<1x400x128xf32, #tpu.memory_space<hbm>> -> memref<400x128xf32, #tpu.memory_space<hbm>>
        %dma_start3A_34 = arith.constant 9600 : i32
        %dma_start3A_35 = arith.constant 0 : i32
        %dma_start3A_36 = tpu.memref_slice %arg10[%dma_start3A_34, %dma_start3A_35] : memref<10000x128xf32, #tpu.memory_space<vmem_shared>> -> memref<400x128xf32, #tpu.memory_space<vmem_shared>>
        tpu.enqueue_dma source(%dma_start3A_36 : memref<400x128xf32, #tpu.memory_space<vmem_shared>>) target(%dma_start3A_33 : memref<400x128xf32, #tpu.memory_space<hbm>>) target_semaphore(%run_scoped3A : memref<!tpu.dma_semaphore, #tpu.memory_space<semaphore_mem>>)
        %dma_wait3A = arith.constant 9600 : i32
        %dma_wait3A_37 = arith.constant 0 : i32
        %dma_wait3A_38 = tpu.memref_slice %arg8[%arg0, %dma_wait3A, %dma_wait3A_37] : memref<2x10000x128xf32, #tpu.memory_space<hbm>> -> memref<1x400x128xf32, #tpu.memory_space<hbm>>
        %dma_wait3A_39 = tpu.memref_squeeze %dma_wait3A_38 : memref<1x400x128xf32, #tpu.memory_space<hbm>> -> memref<400x128xf32, #tpu.memory_space<hbm>>
        %dma_wait3A_40 = arith.constant 9600 : i32
        %dma_wait3A_41 = arith.constant 0 : i32
        %dma_wait3A_42 = tpu.memref_slice %arg10[%dma_wait3A_40, %dma_wait3A_41] : memref<10000x128xf32, #tpu.memory_space<vmem_shared>> -> memref<400x128xf32, #tpu.memory_space<vmem_shared>>
        tpu.wait_dma2 semaphore(%run_scoped3A : memref<!tpu.dma_semaphore, #tpu.memory_space<semaphore_mem>>) src(%dma_wait3A_42 : memref<400x128xf32, #tpu.memory_space<vmem_shared>>) dst(%dma_wait3A_39 : memref<400x128xf32, #tpu.memory_space<hbm>>)
        tpu.yield
      }) : () -> ()
    } else {
    }
    %mul3A_27 = arith.constant 80 : i32
    %mul3A_28 = arith.muli %arg1, %mul3A_27 : i32
    %mul3A_29 = arith.constant 80 : i32
    %mul3A_30 = arith.muli %arg1, %mul3A_29 : i32
    "tpu.region"() ({
      %run_scoped3A = tpu.sem_alloc : memref<!tpu.dma_semaphore, #tpu.memory_space<semaphore_mem>>
      %dma_start3A = arith.constant 0 : i32
      %dma_start3A_31 = tpu.memref_slice %arg9[%arg0, %mul3A_30, %dma_start3A] : memref<2x1280x128xf32, #tpu.memory_space<hbm>> -> memref<1x80x128xf32, #tpu.memory_space<hbm>>
      %dma_start3A_32 = tpu.memref_squeeze %dma_start3A_31 : memref<1x80x128xf32, #tpu.memory_space<hbm>> -> memref<80x128xf32, #tpu.memory_space<hbm>>
      %dma_start3A_33 = arith.constant 0 : i32
      %dma_start3A_34 = tpu.memref_slice %arg11[%mul3A_28, %dma_start3A_33] : memref<1280x128xf32, #tpu.memory_space<vmem_shared>> -> memref<80x128xf32, #tpu.memory_space<vmem_shared>>
      tpu.enqueue_dma source(%dma_start3A_34 : memref<80x128xf32, #tpu.memory_space<vmem_shared>>) target(%dma_start3A_32 : memref<80x128xf32, #tpu.memory_space<hbm>>) target_semaphore(%run_scoped3A : memref<!tpu.dma_semaphore, #tpu.memory_space<semaphore_mem>>)
      %dma_wait3A = arith.constant 0 : i32
      %dma_wait3A_35 = tpu.memref_slice %arg9[%arg0, %mul3A_30, %dma_wait3A] : memref<2x1280x128xf32, #tpu.memory_space<hbm>> -> memref<1x80x128xf32, #tpu.memory_space<hbm>>
      %dma_wait3A_36 = tpu.memref_squeeze %dma_wait3A_35 : memref<1x80x128xf32, #tpu.memory_space<hbm>> -> memref<80x128xf32, #tpu.memory_space<hbm>>
      %dma_wait3A_37 = arith.constant 0 : i32
      %dma_wait3A_38 = tpu.memref_slice %arg11[%mul3A_28, %dma_wait3A_37] : memref<1280x128xf32, #tpu.memory_space<vmem_shared>> -> memref<80x128xf32, #tpu.memory_space<vmem_shared>>
      tpu.wait_dma2 semaphore(%run_scoped3A : memref<!tpu.dma_semaphore, #tpu.memory_space<semaphore_mem>>) src(%dma_wait3A_38 : memref<80x128xf32, #tpu.memory_space<vmem_shared>>) dst(%dma_wait3A_36 : memref<80x128xf32, #tpu.memory_space<hbm>>)
      tpu.yield
    }) : () -> ()
    return
  }
}

#map = affine_map<(d0, d1) -> (0, 0)>
#map1 = affine_map<(d0, d1) -> (0)>
#map2 = affine_map<(d0, d1) -> (0, 0, 0)>
module attributes {stable_mosaic.version = 14 : i64} {
  func.func @_sc_gat_body(%arg0: i32, %arg1: i32, %arg2: memref<10000x128xf32, #tpu.memory_space<hbm>>, %arg3: memref<10000xf32, #tpu.memory_space<hbm>>, %arg4: memref<10000xf32, #tpu.memory_space<hbm>>, %arg5: memref<320000xi32, #tpu.memory_space<hbm>>, %arg6: memref<320000xi32, #tpu.memory_space<hbm>>, %arg7: memref<10000x128xf32, #tpu.memory_space<hbm>>, %arg8: memref<2x10000x128xf32, #tpu.memory_space<hbm>>, %arg9: memref<2x1280x128xf32, #tpu.memory_space<hbm>>, %arg10: memref<10000x128xf32, #tpu.memory_space<vmem_shared>>, %arg11: memref<1280x128xf32, #tpu.memory_space<vmem_shared>>, %arg12: memref<10000xf32, #tpu.memory_space<vmem>>, %arg13: memref<10000xf32, #tpu.memory_space<vmem>>, %arg14: memref<16xi32, #tpu.memory_space<vmem>>, %arg15: memref<16xi32, #tpu.memory_space<vmem>>, %arg16: memref<16xi32, #tpu.memory_space<vmem>>, %arg17: memref<16xf32, #tpu.memory_space<vmem>>, %arg18: memref<16x128xf32, #tpu.memory_space<vmem>>, %arg19: memref<16x128xf32, #tpu.memory_space<vmem>>, %arg20: memref<!tpu.dma_semaphore, #tpu.memory_space<semaphore_mem>>) attributes {dimension_semantics = [#tpu.dimension_semantics<core_parallel>, #tpu.dimension_semantics<subcore_parallel>], iteration_bounds = array<i64: 2, 16>, scalar_prefetch = 0 : i64, scratch_operands = 11 : i64, tpu.core_type = #tpu.core_type<sc_vector_subcore>, window_params = [{transform_indices = #map}, {transform_indices = #map1}, {transform_indices = #map1}, {transform_indices = #map1}, {transform_indices = #map1}, {transform_indices = #map}, {transform_indices = #map2}, {transform_indices = #map2}]} {
    %mul3A = arith.constant 2 : i32
    %mul3A_0 = arith.muli %arg1, %mul3A : i32
    %add3A = arith.addi %mul3A_0, %arg0 : i32
    %lt3A = arith.constant 15 : i32
    %lt3A_1 = arith.cmpi slt, %arg1, %lt3A : i32
    %convert_element_type3A = arith.extui %lt3A_1 : i1 to i32
    %cond3A = arith.constant 0 : i32
    %cond3A_2 = arith.cmpi ne, %convert_element_type3A, %cond3A : i32
    scf.if %cond3A_2 {
      %mul3A_31 = arith.constant 640 : i32
      %mul3A_32 = arith.muli %arg1, %mul3A_31 : i32
      %mul3A_33 = arith.constant 640 : i32
      %mul3A_34 = arith.muli %arg1, %mul3A_33 : i32
      "tpu.region"() ({
        %run_scoped3A = tpu.sem_alloc : memref<!tpu.dma_semaphore, #tpu.memory_space<semaphore_mem>>
        %dma_start3A = arith.constant 0 : i32
        %dma_start3A_35 = tpu.memref_slice %arg10[%mul3A_34, %dma_start3A] : memref<10000x128xf32, #tpu.memory_space<vmem_shared>> -> memref<640x128xf32, #tpu.memory_space<vmem_shared>>
        %dma_start3A_36 = arith.constant 0 : i32
        %dma_start3A_37 = tpu.memref_slice %arg7[%mul3A_32, %dma_start3A_36] : memref<10000x128xf32, #tpu.memory_space<hbm>> -> memref<640x128xf32, #tpu.memory_space<hbm>>
        tpu.enqueue_dma source(%dma_start3A_37 : memref<640x128xf32, #tpu.memory_space<hbm>>) target(%dma_start3A_35 : memref<640x128xf32, #tpu.memory_space<vmem_shared>>) target_semaphore(%run_scoped3A : memref<!tpu.dma_semaphore, #tpu.memory_space<semaphore_mem>>)
        %dma_wait3A = arith.constant 0 : i32
        %dma_wait3A_38 = tpu.memref_slice %arg10[%mul3A_34, %dma_wait3A] : memref<10000x128xf32, #tpu.memory_space<vmem_shared>> -> memref<640x128xf32, #tpu.memory_space<vmem_shared>>
        %dma_wait3A_39 = arith.constant 0 : i32
        %dma_wait3A_40 = tpu.memref_slice %arg7[%mul3A_32, %dma_wait3A_39] : memref<10000x128xf32, #tpu.memory_space<hbm>> -> memref<640x128xf32, #tpu.memory_space<hbm>>
        tpu.wait_dma2 semaphore(%run_scoped3A : memref<!tpu.dma_semaphore, #tpu.memory_space<semaphore_mem>>) src(%dma_wait3A_40 : memref<640x128xf32, #tpu.memory_space<hbm>>) dst(%dma_wait3A_38 : memref<640x128xf32, #tpu.memory_space<vmem_shared>>)
        tpu.yield
      }) : () -> ()
    } else {
    }
    %eq3A = arith.constant 15 : i32
    %eq3A_3 = arith.cmpi eq, %arg1, %eq3A : i32
    %convert_element_type3A_4 = arith.extui %eq3A_3 : i1 to i32
    %cond3A_5 = arith.constant 0 : i32
    %cond3A_6 = arith.cmpi ne, %convert_element_type3A_4, %cond3A_5 : i32
    scf.if %cond3A_6 {
      "tpu.region"() ({
        %run_scoped3A = tpu.sem_alloc : memref<!tpu.dma_semaphore, #tpu.memory_space<semaphore_mem>>
        %dma_start3A = arith.constant 9600 : i32
        %dma_start3A_31 = arith.constant 0 : i32
        %dma_start3A_32 = tpu.memref_slice %arg10[%dma_start3A, %dma_start3A_31] : memref<10000x128xf32, #tpu.memory_space<vmem_shared>> -> memref<400x128xf32, #tpu.memory_space<vmem_shared>>
        %dma_start3A_33 = arith.constant 9600 : i32
        %dma_start3A_34 = arith.constant 0 : i32
        %dma_start3A_35 = tpu.memref_slice %arg7[%dma_start3A_33, %dma_start3A_34] : memref<10000x128xf32, #tpu.memory_space<hbm>> -> memref<400x128xf32, #tpu.memory_space<hbm>>
        tpu.enqueue_dma source(%dma_start3A_35 : memref<400x128xf32, #tpu.memory_space<hbm>>) target(%dma_start3A_32 : memref<400x128xf32, #tpu.memory_space<vmem_shared>>) target_semaphore(%run_scoped3A : memref<!tpu.dma_semaphore, #tpu.memory_space<semaphore_mem>>)
        %dma_wait3A = arith.constant 9600 : i32
        %dma_wait3A_36 = arith.constant 0 : i32
        %dma_wait3A_37 = tpu.memref_slice %arg10[%dma_wait3A, %dma_wait3A_36] : memref<10000x128xf32, #tpu.memory_space<vmem_shared>> -> memref<400x128xf32, #tpu.memory_space<vmem_shared>>
        %dma_wait3A_38 = arith.constant 9600 : i32
        %dma_wait3A_39 = arith.constant 0 : i32
        %dma_wait3A_40 = tpu.memref_slice %arg7[%dma_wait3A_38, %dma_wait3A_39] : memref<10000x128xf32, #tpu.memory_space<hbm>> -> memref<400x128xf32, #tpu.memory_space<hbm>>
        tpu.wait_dma2 semaphore(%run_scoped3A : memref<!tpu.dma_semaphore, #tpu.memory_space<semaphore_mem>>) src(%dma_wait3A_40 : memref<400x128xf32, #tpu.memory_space<hbm>>) dst(%dma_wait3A_37 : memref<400x128xf32, #tpu.memory_space<vmem_shared>>)
        tpu.yield
      }) : () -> ()
    } else {
    }
    %mul3A_7 = arith.constant 80 : i32
    %mul3A_8 = arith.muli %arg1, %mul3A_7 : i32
    %mul3A_9 = arith.constant 80 : i32
    %mul3A_10 = arith.muli %arg1, %mul3A_9 : i32
    "tpu.region"() ({
      %run_scoped3A = tpu.sem_alloc : memref<!tpu.dma_semaphore, #tpu.memory_space<semaphore_mem>>
      %dma_start3A = arith.constant 0 : i32
      %dma_start3A_31 = tpu.memref_slice %arg11[%mul3A_10, %dma_start3A] : memref<1280x128xf32, #tpu.memory_space<vmem_shared>> -> memref<80x128xf32, #tpu.memory_space<vmem_shared>>
      %dma_start3A_32 = arith.constant 0 : i32
      %dma_start3A_33 = tpu.memref_slice %arg7[%mul3A_8, %dma_start3A_32] : memref<10000x128xf32, #tpu.memory_space<hbm>> -> memref<80x128xf32, #tpu.memory_space<hbm>>
      tpu.enqueue_dma source(%dma_start3A_33 : memref<80x128xf32, #tpu.memory_space<hbm>>) target(%dma_start3A_31 : memref<80x128xf32, #tpu.memory_space<vmem_shared>>) target_semaphore(%run_scoped3A : memref<!tpu.dma_semaphore, #tpu.memory_space<semaphore_mem>>)
      %dma_wait3A = arith.constant 0 : i32
      %dma_wait3A_34 = tpu.memref_slice %arg11[%mul3A_10, %dma_wait3A] : memref<1280x128xf32, #tpu.memory_space<vmem_shared>> -> memref<80x128xf32, #tpu.memory_space<vmem_shared>>
      %dma_wait3A_35 = arith.constant 0 : i32
      %dma_wait3A_36 = tpu.memref_slice %arg7[%mul3A_8, %dma_wait3A_35] : memref<10000x128xf32, #tpu.memory_space<hbm>> -> memref<80x128xf32, #tpu.memory_space<hbm>>
      tpu.wait_dma2 semaphore(%run_scoped3A : memref<!tpu.dma_semaphore, #tpu.memory_space<semaphore_mem>>) src(%dma_wait3A_36 : memref<80x128xf32, #tpu.memory_space<hbm>>) dst(%dma_wait3A_34 : memref<80x128xf32, #tpu.memory_space<vmem_shared>>)
      tpu.yield
    }) : () -> ()
    "tpu.region"() ({
      %run_scoped3A = tpu.sem_alloc : memref<!tpu.dma_semaphore, #tpu.memory_space<semaphore_mem>>
      %dma_start3A = arith.constant 0 : i32
      %dma_start3A_31 = arith.constant 0 : i32
      %dma_start3A_32 = tpu.memref_slice %arg7[%dma_start3A, %dma_start3A_31] : memref<10000x128xf32, #tpu.memory_space<hbm>> -> memref<16x128xf32, #tpu.memory_space<hbm>>
      %dma_start3A_33 = arith.constant 0 : i32
      %dma_start3A_34 = arith.constant 0 : i32
      %dma_start3A_35 = tpu.memref_slice %arg7[%dma_start3A_33, %dma_start3A_34] : memref<10000x128xf32, #tpu.memory_space<hbm>> -> memref<16x128xf32, #tpu.memory_space<hbm>>
      tpu.enqueue_dma source(%dma_start3A_35 : memref<16x128xf32, #tpu.memory_space<hbm>>) target(%arg19 : memref<16x128xf32, #tpu.memory_space<vmem>>) target_semaphore(%run_scoped3A : memref<!tpu.dma_semaphore, #tpu.memory_space<semaphore_mem>>)
      %dma_wait3A = arith.constant 0 : i32
      %dma_wait3A_36 = arith.constant 0 : i32
      %dma_wait3A_37 = tpu.memref_slice %arg7[%dma_wait3A, %dma_wait3A_36] : memref<10000x128xf32, #tpu.memory_space<hbm>> -> memref<16x128xf32, #tpu.memory_space<hbm>>
      %dma_wait3A_38 = arith.constant 0 : i32
      %dma_wait3A_39 = arith.constant 0 : i32
      %dma_wait3A_40 = tpu.memref_slice %arg7[%dma_wait3A_38, %dma_wait3A_39] : memref<10000x128xf32, #tpu.memory_space<hbm>> -> memref<16x128xf32, #tpu.memory_space<hbm>>
      tpu.wait_dma2 semaphore(%run_scoped3A : memref<!tpu.dma_semaphore, #tpu.memory_space<semaphore_mem>>) src(%dma_wait3A_40 : memref<16x128xf32, #tpu.memory_space<hbm>>) dst(%arg19 : memref<16x128xf32, #tpu.memory_space<vmem>>)
      tpu.yield
    }) : () -> ()
    "tpu.region"() ({
      %run_scoped3A = tpu.sem_alloc : memref<!tpu.dma_semaphore, #tpu.memory_space<semaphore_mem>>
      tpu.enqueue_dma source(%arg3 : memref<10000xf32, #tpu.memory_space<hbm>>) target(%arg12 : memref<10000xf32, #tpu.memory_space<vmem>>) target_semaphore(%run_scoped3A : memref<!tpu.dma_semaphore, #tpu.memory_space<semaphore_mem>>)
      tpu.wait_dma2 semaphore(%run_scoped3A : memref<!tpu.dma_semaphore, #tpu.memory_space<semaphore_mem>>) src(%arg3 : memref<10000xf32, #tpu.memory_space<hbm>>) dst(%arg12 : memref<10000xf32, #tpu.memory_space<vmem>>)
      tpu.yield
    }) : () -> ()
    "tpu.region"() ({
      %run_scoped3A = tpu.sem_alloc : memref<!tpu.dma_semaphore, #tpu.memory_space<semaphore_mem>>
      tpu.enqueue_dma source(%arg4 : memref<10000xf32, #tpu.memory_space<hbm>>) target(%arg13 : memref<10000xf32, #tpu.memory_space<vmem>>) target_semaphore(%run_scoped3A : memref<!tpu.dma_semaphore, #tpu.memory_space<semaphore_mem>>)
      tpu.wait_dma2 semaphore(%run_scoped3A : memref<!tpu.dma_semaphore, #tpu.memory_space<semaphore_mem>>) src(%arg4 : memref<10000xf32, #tpu.memory_space<hbm>>) dst(%arg13 : memref<10000xf32, #tpu.memory_space<vmem>>)
      tpu.yield
    }) : () -> ()
    %barrier3A = arith.constant 0 : index
    tpu.barrier barrier_id(%barrier3A)
    %iota3A = tpu.iota {dimensions = array<i32: 0>} : vector<16xi32>
    %scan3A = arith.constant 0 : i32
    %scan3A_11 = arith.constant 0 : i32
    %scan3A_12 = arith.constant 625 : i32
    %scan3A_13 = arith.addi %scan3A_11, %scan3A_12 : i32
    %scan3A_14 = arith.constant 1 : i32
    scf.for %scan3A_31 = %scan3A_11 to %scan3A_13 step %scan3A_14  : i32 {
      %mul3A_32 = arith.constant 10000 : i32
      %mul3A_33 = arith.muli %add3A, %mul3A_32 : i32
      %mul3A_34 = arith.constant 16 : i32
      %mul3A_35 = arith.muli %scan3A_31, %mul3A_34 : i32
      %add3A_36 = arith.addi %mul3A_33, %mul3A_35 : i32
      "tpu.region"() ({
        %run_scoped3A = tpu.sem_alloc : memref<!tpu.dma_semaphore, #tpu.memory_space<semaphore_mem>>
        %dma_start3A_145 = tpu.memref_slice %arg5[%add3A_36] : memref<320000xi32, #tpu.memory_space<hbm>> -> memref<16xi32, #tpu.memory_space<hbm>>
        %dma_start3A_146 = tpu.memref_slice %arg5[%add3A_36] : memref<320000xi32, #tpu.memory_space<hbm>> -> memref<16xi32, #tpu.memory_space<hbm>>
        tpu.enqueue_dma source(%dma_start3A_146 : memref<16xi32, #tpu.memory_space<hbm>>) target(%arg14 : memref<16xi32, #tpu.memory_space<vmem>>) target_semaphore(%run_scoped3A : memref<!tpu.dma_semaphore, #tpu.memory_space<semaphore_mem>>)
        %dma_wait3A_147 = tpu.memref_slice %arg5[%add3A_36] : memref<320000xi32, #tpu.memory_space<hbm>> -> memref<16xi32, #tpu.memory_space<hbm>>
        %dma_wait3A_148 = tpu.memref_slice %arg5[%add3A_36] : memref<320000xi32, #tpu.memory_space<hbm>> -> memref<16xi32, #tpu.memory_space<hbm>>
        tpu.wait_dma2 semaphore(%run_scoped3A : memref<!tpu.dma_semaphore, #tpu.memory_space<semaphore_mem>>) src(%dma_wait3A_148 : memref<16xi32, #tpu.memory_space<hbm>>) dst(%arg14 : memref<16xi32, #tpu.memory_space<vmem>>)
        tpu.yield
      }) : () -> ()
      "tpu.region"() ({
        %run_scoped3A = tpu.sem_alloc : memref<!tpu.dma_semaphore, #tpu.memory_space<semaphore_mem>>
        %dma_start3A_145 = tpu.memref_slice %arg6[%add3A_36] : memref<320000xi32, #tpu.memory_space<hbm>> -> memref<16xi32, #tpu.memory_space<hbm>>
        %dma_start3A_146 = tpu.memref_slice %arg6[%add3A_36] : memref<320000xi32, #tpu.memory_space<hbm>> -> memref<16xi32, #tpu.memory_space<hbm>>
        tpu.enqueue_dma source(%dma_start3A_146 : memref<16xi32, #tpu.memory_space<hbm>>) target(%arg15 : memref<16xi32, #tpu.memory_space<vmem>>) target_semaphore(%run_scoped3A : memref<!tpu.dma_semaphore, #tpu.memory_space<semaphore_mem>>)
        %dma_wait3A_147 = tpu.memref_slice %arg6[%add3A_36] : memref<320000xi32, #tpu.memory_space<hbm>> -> memref<16xi32, #tpu.memory_space<hbm>>
        %dma_wait3A_148 = tpu.memref_slice %arg6[%add3A_36] : memref<320000xi32, #tpu.memory_space<hbm>> -> memref<16xi32, #tpu.memory_space<hbm>>
        tpu.wait_dma2 semaphore(%run_scoped3A : memref<!tpu.dma_semaphore, #tpu.memory_space<semaphore_mem>>) src(%dma_wait3A_148 : memref<16xi32, #tpu.memory_space<hbm>>) dst(%arg15 : memref<16xi32, #tpu.memory_space<vmem>>)
        tpu.yield
      }) : () -> ()
      %dma_start3A = arith.constant 0 : i32
      %dma_start3A_37 = arith.constant 0 : i32
      %dma_start3A_38 = tpu.memref_slice %arg2[%dma_start3A, %dma_start3A_37] : memref<10000x128xf32, #tpu.memory_space<hbm>> -> memref<10000x128xf32, #tpu.memory_space<hbm>>
      tpu.enqueue_indirect_dma source(%dma_start3A_38 : memref<10000x128xf32, #tpu.memory_space<hbm>>) target(%arg18 : memref<16x128xf32, #tpu.memory_space<vmem>>) offsets(%arg14 : memref<16xi32, #tpu.memory_space<vmem>>) semaphore(%arg20 : memref<!tpu.dma_semaphore, #tpu.memory_space<semaphore_mem>>)
      %dma_wait3A = arith.constant 0 : i32
      %dma_wait3A_39 = arith.constant 0 : i32
      %dma_wait3A_40 = tpu.memref_slice %arg2[%dma_wait3A, %dma_wait3A_39] : memref<10000x128xf32, #tpu.memory_space<hbm>> -> memref<10000x128xf32, #tpu.memory_space<hbm>>
      tpu.wait_indirect_dma semaphore(%arg20 : memref<!tpu.dma_semaphore, #tpu.memory_space<semaphore_mem>>) src(%dma_wait3A_40 : memref<10000x128xf32, #tpu.memory_space<hbm>>) dst(%arg18 : memref<16x128xf32, #tpu.memory_space<vmem>>)
      %get3A = arith.constant 0 : index
      %get3A_41 = tpu.vector_load %arg15[%get3A] {strides = array<i32>} : memref<16xi32, #tpu.memory_space<vmem>>, vector<16xi32>,
      %get3A_42 = arith.constant 0 : index
      %get3A_43 = tpu.vector_load %arg14[%get3A_42] {strides = array<i32>} : memref<16xi32, #tpu.memory_space<vmem>>, vector<16xi32>,
      %gather3A = tpu.vector_load_idx %arg12[%get3A_41] : memref<10000xf32, #tpu.memory_space<vmem>>[vector<16xi32>], vector<16xf32>,
      %gather3A_44 = tpu.vector_load_idx %arg13[%get3A_43] : memref<10000xf32, #tpu.memory_space<vmem>>[vector<16xi32>], vector<16xf32>,
      %add3A_45 = arith.addf %gather3A, %gather3A_44 : vector<16xf32>
      %gt3A = arith.constant 0.000000e+00 : f32
      %gt3A_46 = vector.broadcast %gt3A : f32 to vector<16xf32>
      %gt3A_47 = arith.cmpf ogt, %add3A_45, %gt3A_46 : vector<16xf32>
      %mul3A_48 = arith.constant 2.000000e-01 : f32
      %mul3A_49 = vector.broadcast %mul3A_48 : f32 to vector<16xf32>
      %mul3A_50 = arith.mulf %mul3A_49, %add3A_45 : vector<16xf32>
      %select_n3A = arith.select %gt3A_47, %add3A_45, %mul3A_50 : vector<16xi1>, vector<16xf32>
      %exp3A = math.exp %select_n3A : vector<16xf32>
      %swap3A = arith.constant 0 : index
      %swap3A_51 = tpu.vector_load %arg17[%swap3A] {strides = array<i32>} : memref<16xf32, #tpu.memory_space<vmem>>, vector<16xf32>,
      tpu.vector_store %arg17[%swap3A], %exp3A {strides = array<i32>} : memref<16xf32, #tpu.memory_space<vmem>>, vector<16xf32>,
      %jit3A = arith.constant 8 : i32
      %div3A = vector.broadcast %jit3A : i32 to vector<16xi32>
      %div3A_52 = arith.divsi %get3A_41, %div3A : vector<16xi32>
      %sign3A = arith.constant 0 : i32
      %sign3A_53 = vector.broadcast %sign3A : i32 to vector<16xi32>
      %sign3A_54 = arith.cmpi sgt, %get3A_41, %sign3A_53 : vector<16xi32>
      %sign3A_55 = arith.extui %sign3A_54 : vector<16xi1> to vector<16xi32>
      %sign3A_56 = arith.constant 0 : i32
      %sign3A_57 = vector.broadcast %sign3A_56 : i32 to vector<16xi32>
      %sign3A_58 = arith.cmpi slt, %get3A_41, %sign3A_57 : vector<16xi32>
      %sign3A_59 = arith.extui %sign3A_58 : vector<16xi1> to vector<16xi32>
      %sign3A_60 = arith.subi %sign3A_55, %sign3A_59 : vector<16xi32>
      %sign3A_61 = arith.constant 0 : i32
      %sign3A_62 = arith.cmpi sgt, %jit3A, %sign3A_61 : i32
      %sign3A_63 = arith.extui %sign3A_62 : i1 to i32
      %sign3A_64 = arith.constant 0 : i32
      %sign3A_65 = arith.cmpi slt, %jit3A, %sign3A_64 : i32
      %sign3A_66 = arith.extui %sign3A_65 : i1 to i32
      %sign3A_67 = arith.subi %sign3A_63, %sign3A_66 : i32
      %ne3A = vector.broadcast %sign3A_67 : i32 to vector<16xi32>
      %ne3A_68 = arith.cmpi ne, %sign3A_60, %ne3A : vector<16xi32>
      %rem3A = vector.broadcast %jit3A : i32 to vector<16xi32>
      %rem3A_69 = arith.remsi %get3A_41, %rem3A : vector<16xi32>
      %ne3A_70 = arith.constant 0 : i32
      %ne3A_71 = vector.broadcast %ne3A_70 : i32 to vector<16xi32>
      %ne3A_72 = arith.cmpi ne, %rem3A_69, %ne3A_71 : vector<16xi32>
      %and3A = arith.andi %ne3A_68, %ne3A_72 : vector<16xi1>
      %sub3A = arith.constant 1 : i32
      %sub3A_73 = vector.broadcast %sub3A : i32 to vector<16xi32>
      %sub3A_74 = arith.subi %div3A_52, %sub3A_73 : vector<16xi32>
      %select_n3A_75 = arith.select %and3A, %sub3A_74, %div3A_52 : vector<16xi1>, vector<16xi32>
      %swap3A_76 = arith.constant 0 : index
      %swap3A_77 = tpu.vector_load %arg16[%swap3A_76] {strides = array<i32>} : memref<16xi32, #tpu.memory_space<vmem>>, vector<16xi32>,
      tpu.vector_store %arg16[%swap3A_76], %select_n3A_75 {strides = array<i32>} : memref<16xi32, #tpu.memory_space<vmem>>, vector<16xi32>,
      %add3A_78 = arith.constant 0 : i32
      %add3A_79 = vector.broadcast %add3A_78 : i32 to vector<16xi32>
      %add3A_80 = arith.addi %iota3A, %add3A_79 : vector<16xi32>
      %jit3A_81 = arith.constant 8 : i32
      %eq3A_82 = arith.constant 0 : i32
      %eq3A_83 = arith.cmpi eq, %jit3A_81, %eq3A_82 : i32
      %jit3A_84 = arith.constant 1 : i32
      %select_n3A_85 = arith.select %eq3A_83, %jit3A_84, %jit3A_81 : i32
      %rem3A_86 = vector.broadcast %select_n3A_85 : i32 to vector<16xi32>
      %rem3A_87 = arith.remsi %get3A_41, %rem3A_86 : vector<16xi32>
      %ne3A_88 = arith.constant 0 : i32
      %ne3A_89 = vector.broadcast %ne3A_88 : i32 to vector<16xi32>
      %ne3A_90 = arith.cmpi ne, %rem3A_87, %ne3A_89 : vector<16xi32>
      %lt3A_91 = arith.constant 0 : i32
      %lt3A_92 = vector.broadcast %lt3A_91 : i32 to vector<16xi32>
      %lt3A_93 = arith.cmpi slt, %rem3A_87, %lt3A_92 : vector<16xi32>
      %lt3A_94 = arith.constant 0 : i32
      %lt3A_95 = arith.cmpi slt, %select_n3A_85, %lt3A_94 : i32
      %ne3A_96 = vector.broadcast %lt3A_95 : i1 to vector<16xi1>
      %ne3A_97 = vector.broadcast %ne3A_96 : vector<16xi1> to vector<16xi1>
      %ne3A_98 = arith.xori %lt3A_93, %ne3A_97 : vector<16xi1>
      %and3A_99 = arith.andi %ne3A_98, %ne3A_90 : vector<16xi1>
      %add3A_100 = vector.broadcast %select_n3A_85 : i32 to vector<16xi32>
      %add3A_101 = arith.addi %rem3A_87, %add3A_100 : vector<16xi32>
      %select_n3A_102 = arith.select %and3A_99, %add3A_101, %rem3A_87 : vector<16xi1>, vector<16xi32>
      %mul3A_103 = arith.constant 16 : i32
      %mul3A_104 = vector.broadcast %mul3A_103 : i32 to vector<16xi32>
      %mul3A_105 = arith.muli %select_n3A_102, %mul3A_104 : vector<16xi32>
      %add3A_106 = arith.addi %mul3A_105, %iota3A : vector<16xi32>
      tpu.vector_store_idx %arg19[%add3A_80, %add3A_106], %exp3A : memref<16x128xf32, #tpu.memory_space<vmem>>[vector<16xi32>, vector<16xi32>], vector<16xf32>,
      "tpu.region"() ({
        %run_scoped3A = tpu.sem_alloc : memref<!tpu.dma_semaphore, #tpu.memory_space<semaphore_mem>>
        %dma_start3A_145 = arith.constant 0 : i32
        %dma_start3A_146 = arith.constant 0 : i32
        %dma_start3A_147 = tpu.memref_slice %arg11[%dma_start3A_145, %dma_start3A_146] : memref<1280x128xf32, #tpu.memory_space<vmem_shared>> -> memref<1280x128xf32, #tpu.memory_space<vmem_shared>>
        tpu.enqueue_indirect_dma source(%arg19 : memref<16x128xf32, #tpu.memory_space<vmem>>) target(%dma_start3A_147 : memref<1280x128xf32, #tpu.memory_space<vmem_shared>>) offsets(%arg16 : memref<16xi32, #tpu.memory_space<vmem>>) semaphore(%run_scoped3A : memref<!tpu.dma_semaphore, #tpu.memory_space<semaphore_mem>>) {add = true}
        %dma_wait3A_148 = arith.constant 0 : i32
        %dma_wait3A_149 = arith.constant 0 : i32
        %dma_wait3A_150 = tpu.memref_slice %arg11[%dma_wait3A_148, %dma_wait3A_149] : memref<1280x128xf32, #tpu.memory_space<vmem_shared>> -> memref<1280x128xf32, #tpu.memory_space<vmem_shared>>
        tpu.wait_indirect_dma semaphore(%run_scoped3A : memref<!tpu.dma_semaphore, #tpu.memory_space<semaphore_mem>>) src(%arg19 : memref<16x128xf32, #tpu.memory_space<vmem>>) dst(%dma_wait3A_150 : memref<1280x128xf32, #tpu.memory_space<vmem_shared>>)
        tpu.yield
      }) : () -> ()
      %get3A_107 = arith.constant 0 : index
      %get3A_108 = tpu.vector_load %arg15[%get3A_107] {strides = array<i32>} : memref<16xi32, #tpu.memory_space<vmem>>, vector<16xi32>,
      %add3A_109 = arith.constant 0 : i32
      %add3A_110 = vector.broadcast %add3A_109 : i32 to vector<16xi32>
      %add3A_111 = arith.addi %iota3A, %add3A_110 : vector<16xi32>
      %jit3A_112 = arith.constant 8 : i32
      %eq3A_113 = arith.constant 0 : i32
      %eq3A_114 = arith.cmpi eq, %jit3A_112, %eq3A_113 : i32
      %jit3A_115 = arith.constant 1 : i32
      %select_n3A_116 = arith.select %eq3A_114, %jit3A_115, %jit3A_112 : i32
      %rem3A_117 = vector.broadcast %select_n3A_116 : i32 to vector<16xi32>
      %rem3A_118 = arith.remsi %get3A_108, %rem3A_117 : vector<16xi32>
      %ne3A_119 = arith.constant 0 : i32
      %ne3A_120 = vector.broadcast %ne3A_119 : i32 to vector<16xi32>
      %ne3A_121 = arith.cmpi ne, %rem3A_118, %ne3A_120 : vector<16xi32>
      %lt3A_122 = arith.constant 0 : i32
      %lt3A_123 = vector.broadcast %lt3A_122 : i32 to vector<16xi32>
      %lt3A_124 = arith.cmpi slt, %rem3A_118, %lt3A_123 : vector<16xi32>
      %lt3A_125 = arith.constant 0 : i32
      %lt3A_126 = arith.cmpi slt, %select_n3A_116, %lt3A_125 : i32
      %ne3A_127 = vector.broadcast %lt3A_126 : i1 to vector<16xi1>
      %ne3A_128 = vector.broadcast %ne3A_127 : vector<16xi1> to vector<16xi1>
      %ne3A_129 = arith.xori %lt3A_124, %ne3A_128 : vector<16xi1>
      %and3A_130 = arith.andi %ne3A_129, %ne3A_121 : vector<16xi1>
      %add3A_131 = vector.broadcast %select_n3A_116 : i32 to vector<16xi32>
      %add3A_132 = arith.addi %rem3A_118, %add3A_131 : vector<16xi32>
      %select_n3A_133 = arith.select %and3A_130, %add3A_132, %rem3A_118 : vector<16xi1>, vector<16xi32>
      %mul3A_134 = arith.constant 16 : i32
      %mul3A_135 = vector.broadcast %mul3A_134 : i32 to vector<16xi32>
      %mul3A_136 = arith.muli %select_n3A_133, %mul3A_135 : vector<16xi32>
      %add3A_137 = arith.addi %mul3A_136, %iota3A : vector<16xi32>
      %broadcast_in_dim3A = arith.constant 0.000000e+00 : f32
      %broadcast_in_dim3A_138 = vector.broadcast %broadcast_in_dim3A : f32 to vector<16xf32>
      tpu.vector_store_idx %arg19[%add3A_111, %add3A_137], %broadcast_in_dim3A_138 : memref<16x128xf32, #tpu.memory_space<vmem>>[vector<16xi32>, vector<16xi32>], vector<16xf32>,
      %scan3A_139 = arith.constant 0 : i32
      %scan3A_140 = arith.constant 0 : i32
      %scan3A_141 = arith.constant 16 : i32
      %scan3A_142 = arith.addi %scan3A_140, %scan3A_141 : i32
      %scan3A_143 = arith.constant 1 : i32
      scf.for %scan3A_145 = %scan3A_140 to %scan3A_142 step %scan3A_143  : i32 {
        %broadcast_in_dim3A_146 = vector.broadcast %scan3A_145 : i32 to vector<16xi32>
        %gather3A_147 = tpu.vector_load_idx %arg17[%broadcast_in_dim3A_146] : memref<16xf32, #tpu.memory_space<vmem>>[vector<16xi32>], vector<16xf32>,
        %add3A_148 = arith.constant 0 : i32
        %add3A_149 = vector.broadcast %add3A_148 : i32 to vector<16xi32>
        %add3A_150 = arith.addi %iota3A, %add3A_149 : vector<16xi32>
        %gather3A_151 = tpu.vector_load_idx %arg18[%broadcast_in_dim3A_146, %add3A_150] : memref<16x128xf32, #tpu.memory_space<vmem>>[vector<16xi32>, vector<16xi32>], vector<16xf32>,
        %mul3A_152 = arith.mulf %gather3A_151, %gather3A_147 : vector<16xf32>
        tpu.vector_store_idx %arg18[%broadcast_in_dim3A_146, %add3A_150], %mul3A_152 : memref<16x128xf32, #tpu.memory_space<vmem>>[vector<16xi32>, vector<16xi32>], vector<16xf32>,
        %add3A_153 = arith.constant 16 : i32
        %add3A_154 = vector.broadcast %add3A_153 : i32 to vector<16xi32>
        %add3A_155 = arith.addi %iota3A, %add3A_154 : vector<16xi32>
        %gather3A_156 = tpu.vector_load_idx %arg18[%broadcast_in_dim3A_146, %add3A_155] : memref<16x128xf32, #tpu.memory_space<vmem>>[vector<16xi32>, vector<16xi32>], vector<16xf32>,
        %mul3A_157 = arith.mulf %gather3A_156, %gather3A_147 : vector<16xf32>
        tpu.vector_store_idx %arg18[%broadcast_in_dim3A_146, %add3A_155], %mul3A_157 : memref<16x128xf32, #tpu.memory_space<vmem>>[vector<16xi32>, vector<16xi32>], vector<16xf32>,
        %add3A_158 = arith.constant 32 : i32
        %add3A_159 = vector.broadcast %add3A_158 : i32 to vector<16xi32>
        %add3A_160 = arith.addi %iota3A, %add3A_159 : vector<16xi32>
        %gather3A_161 = tpu.vector_load_idx %arg18[%broadcast_in_dim3A_146, %add3A_160] : memref<16x128xf32, #tpu.memory_space<vmem>>[vector<16xi32>, vector<16xi32>], vector<16xf32>,
        %mul3A_162 = arith.mulf %gather3A_161, %gather3A_147 : vector<16xf32>
        tpu.vector_store_idx %arg18[%broadcast_in_dim3A_146, %add3A_160], %mul3A_162 : memref<16x128xf32, #tpu.memory_space<vmem>>[vector<16xi32>, vector<16xi32>], vector<16xf32>,
        %add3A_163 = arith.constant 48 : i32
        %add3A_164 = vector.broadcast %add3A_163 : i32 to vector<16xi32>
        %add3A_165 = arith.addi %iota3A, %add3A_164 : vector<16xi32>
        %gather3A_166 = tpu.vector_load_idx %arg18[%broadcast_in_dim3A_146, %add3A_165] : memref<16x128xf32, #tpu.memory_space<vmem>>[vector<16xi32>, vector<16xi32>], vector<16xf32>,
        %mul3A_167 = arith.mulf %gather3A_166, %gather3A_147 : vector<16xf32>
        tpu.vector_store_idx %arg18[%broadcast_in_dim3A_146, %add3A_165], %mul3A_167 : memref<16x128xf32, #tpu.memory_space<vmem>>[vector<16xi32>, vector<16xi32>], vector<16xf32>,
        %add3A_168 = arith.constant 64 : i32
        %add3A_169 = vector.broadcast %add3A_168 : i32 to vector<16xi32>
        %add3A_170 = arith.addi %iota3A, %add3A_169 : vector<16xi32>
        %gather3A_171 = tpu.vector_load_idx %arg18[%broadcast_in_dim3A_146, %add3A_170] : memref<16x128xf32, #tpu.memory_space<vmem>>[vector<16xi32>, vector<16xi32>], vector<16xf32>,
        %mul3A_172 = arith.mulf %gather3A_171, %gather3A_147 : vector<16xf32>
        tpu.vector_store_idx %arg18[%broadcast_in_dim3A_146, %add3A_170], %mul3A_172 : memref<16x128xf32, #tpu.memory_space<vmem>>[vector<16xi32>, vector<16xi32>], vector<16xf32>,
        %add3A_173 = arith.constant 80 : i32
        %add3A_174 = vector.broadcast %add3A_173 : i32 to vector<16xi32>
        %add3A_175 = arith.addi %iota3A, %add3A_174 : vector<16xi32>
        %gather3A_176 = tpu.vector_load_idx %arg18[%broadcast_in_dim3A_146, %add3A_175] : memref<16x128xf32, #tpu.memory_space<vmem>>[vector<16xi32>, vector<16xi32>], vector<16xf32>,
        %mul3A_177 = arith.mulf %gather3A_176, %gather3A_147 : vector<16xf32>
        tpu.vector_store_idx %arg18[%broadcast_in_dim3A_146, %add3A_175], %mul3A_177 : memref<16x128xf32, #tpu.memory_space<vmem>>[vector<16xi32>, vector<16xi32>], vector<16xf32>,
        %add3A_178 = arith.constant 96 : i32
        %add3A_179 = vector.broadcast %add3A_178 : i32 to vector<16xi32>
        %add3A_180 = arith.addi %iota3A, %add3A_179 : vector<16xi32>
        %gather3A_181 = tpu.vector_load_idx %arg18[%broadcast_in_dim3A_146, %add3A_180] : memref<16x128xf32, #tpu.memory_space<vmem>>[vector<16xi32>, vector<16xi32>], vector<16xf32>,
        %mul3A_182 = arith.mulf %gather3A_181, %gather3A_147 : vector<16xf32>
        tpu.vector_store_idx %arg18[%broadcast_in_dim3A_146, %add3A_180], %mul3A_182 : memref<16x128xf32, #tpu.memory_space<vmem>>[vector<16xi32>, vector<16xi32>], vector<16xf32>,
        %add3A_183 = arith.constant 112 : i32
        %add3A_184 = vector.broadcast %add3A_183 : i32 to vector<16xi32>
        %add3A_185 = arith.addi %iota3A, %add3A_184 : vector<16xi32>
        %gather3A_186 = tpu.vector_load_idx %arg18[%broadcast_in_dim3A_146, %add3A_185] : memref<16x128xf32, #tpu.memory_space<vmem>>[vector<16xi32>, vector<16xi32>], vector<16xf32>,
        %mul3A_187 = arith.mulf %gather3A_186, %gather3A_147 : vector<16xf32>
        tpu.vector_store_idx %arg18[%broadcast_in_dim3A_146, %add3A_185], %mul3A_187 : memref<16x128xf32, #tpu.memory_space<vmem>>[vector<16xi32>, vector<16xi32>], vector<16xf32>,
      }
      %scan3A_144 = arith.constant 16 : i32
      "tpu.region"() ({
        %run_scoped3A = tpu.sem_alloc : memref<!tpu.dma_semaphore, #tpu.memory_space<semaphore_mem>>
        %dma_start3A_145 = arith.constant 0 : i32
        %dma_start3A_146 = arith.constant 0 : i32
        %dma_start3A_147 = tpu.memref_slice %arg10[%dma_start3A_145, %dma_start3A_146] : memref<10000x128xf32, #tpu.memory_space<vmem_shared>> -> memref<10000x128xf32, #tpu.memory_space<vmem_shared>>
        tpu.enqueue_indirect_dma source(%arg18 : memref<16x128xf32, #tpu.memory_space<vmem>>) target(%dma_start3A_147 : memref<10000x128xf32, #tpu.memory_space<vmem_shared>>) offsets(%arg15 : memref<16xi32, #tpu.memory_space<vmem>>) semaphore(%run_scoped3A : memref<!tpu.dma_semaphore, #tpu.memory_space<semaphore_mem>>) {add = true}
        %dma_wait3A_148 = arith.constant 0 : i32
        %dma_wait3A_149 = arith.constant 0 : i32
        %dma_wait3A_150 = tpu.memref_slice %arg10[%dma_wait3A_148, %dma_wait3A_149] : memref<10000x128xf32, #tpu.memory_space<vmem_shared>> -> memref<10000x128xf32, #tpu.memory_space<vmem_shared>>
        tpu.wait_indirect_dma semaphore(%run_scoped3A : memref<!tpu.dma_semaphore, #tpu.memory_space<semaphore_mem>>) src(%arg18 : memref<16x128xf32, #tpu.memory_space<vmem>>) dst(%dma_wait3A_150 : memref<10000x128xf32, #tpu.memory_space<vmem_shared>>)
        tpu.yield
      }) : () -> ()
    }
    %scan3A_15 = arith.constant 625 : i32
    %barrier3A_16 = arith.constant 0 : index
    tpu.barrier barrier_id(%barrier3A_16)
    %lt3A_17 = arith.constant 15 : i32
    %lt3A_18 = arith.cmpi slt, %arg1, %lt3A_17 : i32
    %convert_element_type3A_19 = arith.extui %lt3A_18 : i1 to i32
    %cond3A_20 = arith.constant 0 : i32
    %cond3A_21 = arith.cmpi ne, %convert_element_type3A_19, %cond3A_20 : i32
    scf.if %cond3A_21 {
      %mul3A_31 = arith.constant 640 : i32
      %mul3A_32 = arith.muli %arg1, %mul3A_31 : i32
      %mul3A_33 = arith.constant 640 : i32
      %mul3A_34 = arith.muli %arg1, %mul3A_33 : i32
      "tpu.region"() ({
        %run_scoped3A = tpu.sem_alloc : memref<!tpu.dma_semaphore, #tpu.memory_space<semaphore_mem>>
        %dma_start3A = arith.constant 0 : i32
        %dma_start3A_35 = tpu.memref_slice %arg8[%arg0, %mul3A_34, %dma_start3A] : memref<2x10000x128xf32, #tpu.memory_space<hbm>> -> memref<1x640x128xf32, #tpu.memory_space<hbm>>
        %dma_start3A_36 = tpu.memref_squeeze %dma_start3A_35 : memref<1x640x128xf32, #tpu.memory_space<hbm>> -> memref<640x128xf32, #tpu.memory_space<hbm>>
        %dma_start3A_37 = arith.constant 0 : i32
        %dma_start3A_38 = tpu.memref_slice %arg10[%mul3A_32, %dma_start3A_37] : memref<10000x128xf32, #tpu.memory_space<vmem_shared>> -> memref<640x128xf32, #tpu.memory_space<vmem_shared>>
        tpu.enqueue_dma source(%dma_start3A_38 : memref<640x128xf32, #tpu.memory_space<vmem_shared>>) target(%dma_start3A_36 : memref<640x128xf32, #tpu.memory_space<hbm>>) target_semaphore(%run_scoped3A : memref<!tpu.dma_semaphore, #tpu.memory_space<semaphore_mem>>)
        %dma_wait3A = arith.constant 0 : i32
        %dma_wait3A_39 = tpu.memref_slice %arg8[%arg0, %mul3A_34, %dma_wait3A] : memref<2x10000x128xf32, #tpu.memory_space<hbm>> -> memref<1x640x128xf32, #tpu.memory_space<hbm>>
        %dma_wait3A_40 = tpu.memref_squeeze %dma_wait3A_39 : memref<1x640x128xf32, #tpu.memory_space<hbm>> -> memref<640x128xf32, #tpu.memory_space<hbm>>
        %dma_wait3A_41 = arith.constant 0 : i32
        %dma_wait3A_42 = tpu.memref_slice %arg10[%mul3A_32, %dma_wait3A_41] : memref<10000x128xf32, #tpu.memory_space<vmem_shared>> -> memref<640x128xf32, #tpu.memory_space<vmem_shared>>
        tpu.wait_dma2 semaphore(%run_scoped3A : memref<!tpu.dma_semaphore, #tpu.memory_space<semaphore_mem>>) src(%dma_wait3A_42 : memref<640x128xf32, #tpu.memory_space<vmem_shared>>) dst(%dma_wait3A_40 : memref<640x128xf32, #tpu.memory_space<hbm>>)
        tpu.yield
      }) : () -> ()
    } else {
    }
    %eq3A_22 = arith.constant 15 : i32
    %eq3A_23 = arith.cmpi eq, %arg1, %eq3A_22 : i32
    %convert_element_type3A_24 = arith.extui %eq3A_23 : i1 to i32
    %cond3A_25 = arith.constant 0 : i32
    %cond3A_26 = arith.cmpi ne, %convert_element_type3A_24, %cond3A_25 : i32
    scf.if %cond3A_26 {
      "tpu.region"() ({
        %run_scoped3A = tpu.sem_alloc : memref<!tpu.dma_semaphore, #tpu.memory_space<semaphore_mem>>
        %dma_start3A = arith.constant 9600 : i32
        %dma_start3A_31 = arith.constant 0 : i32
        %dma_start3A_32 = tpu.memref_slice %arg8[%arg0, %dma_start3A, %dma_start3A_31] : memref<2x10000x128xf32, #tpu.memory_space<hbm>> -> memref<1x400x128xf32, #tpu.memory_space<hbm>>
        %dma_start3A_33 = tpu.memref_squeeze %dma_start3A_32 : memref<1x400x128xf32, #tpu.memory_space<hbm>> -> memref<400x128xf32, #tpu.memory_space<hbm>>
        %dma_start3A_34 = arith.constant 9600 : i32
        %dma_start3A_35 = arith.constant 0 : i32
        %dma_start3A_36 = tpu.memref_slice %arg10[%dma_start3A_34, %dma_start3A_35] : memref<10000x128xf32, #tpu.memory_space<vmem_shared>> -> memref<400x128xf32, #tpu.memory_space<vmem_shared>>
        tpu.enqueue_dma source(%dma_start3A_36 : memref<400x128xf32, #tpu.memory_space<vmem_shared>>) target(%dma_start3A_33 : memref<400x128xf32, #tpu.memory_space<hbm>>) target_semaphore(%run_scoped3A : memref<!tpu.dma_semaphore, #tpu.memory_space<semaphore_mem>>)
        %dma_wait3A = arith.constant 9600 : i32
        %dma_wait3A_37 = arith.constant 0 : i32
        %dma_wait3A_38 = tpu.memref_slice %arg8[%arg0, %dma_wait3A, %dma_wait3A_37] : memref<2x10000x128xf32, #tpu.memory_space<hbm>> -> memref<1x400x128xf32, #tpu.memory_space<hbm>>
        %dma_wait3A_39 = tpu.memref_squeeze %dma_wait3A_38 : memref<1x400x128xf32, #tpu.memory_space<hbm>> -> memref<400x128xf32, #tpu.memory_space<hbm>>
        %dma_wait3A_40 = arith.constant 9600 : i32
        %dma_wait3A_41 = arith.constant 0 : i32
        %dma_wait3A_42 = tpu.memref_slice %arg10[%dma_wait3A_40, %dma_wait3A_41] : memref<10000x128xf32, #tpu.memory_space<vmem_shared>> -> memref<400x128xf32, #tpu.memory_space<vmem_shared>>
        tpu.wait_dma2 semaphore(%run_scoped3A : memref<!tpu.dma_semaphore, #tpu.memory_space<semaphore_mem>>) src(%dma_wait3A_42 : memref<400x128xf32, #tpu.memory_space<vmem_shared>>) dst(%dma_wait3A_39 : memref<400x128xf32, #tpu.memory_space<hbm>>)
        tpu.yield
      }) : () -> ()
    } else {
    }
    %mul3A_27 = arith.constant 80 : i32
    %mul3A_28 = arith.muli %arg1, %mul3A_27 : i32
    %mul3A_29 = arith.constant 80 : i32
    %mul3A_30 = arith.muli %arg1, %mul3A_29 : i32
    "tpu.region"() ({
      %run_scoped3A = tpu.sem_alloc : memref<!tpu.dma_semaphore, #tpu.memory_space<semaphore_mem>>
      %dma_start3A = arith.constant 0 : i32
      %dma_start3A_31 = tpu.memref_slice %arg9[%arg0, %mul3A_30, %dma_start3A] : memref<2x1280x128xf32, #tpu.memory_space<hbm>> -> memref<1x80x128xf32, #tpu.memory_space<hbm>>
      %dma_start3A_32 = tpu.memref_squeeze %dma_start3A_31 : memref<1x80x128xf32, #tpu.memory_space<hbm>> -> memref<80x128xf32, #tpu.memory_space<hbm>>
      %dma_start3A_33 = arith.constant 0 : i32
      %dma_start3A_34 = tpu.memref_slice %arg11[%mul3A_28, %dma_start3A_33] : memref<1280x128xf32, #tpu.memory_space<vmem_shared>> -> memref<80x128xf32, #tpu.memory_space<vmem_shared>>
      tpu.enqueue_dma source(%dma_start3A_34 : memref<80x128xf32, #tpu.memory_space<vmem_shared>>) target(%dma_start3A_32 : memref<80x128xf32, #tpu.memory_space<hbm>>) target_semaphore(%run_scoped3A : memref<!tpu.dma_semaphore, #tpu.memory_space<semaphore_mem>>)
      %dma_wait3A = arith.constant 0 : i32
      %dma_wait3A_35 = tpu.memref_slice %arg9[%arg0, %mul3A_30, %dma_wait3A] : memref<2x1280x128xf32, #tpu.memory_space<hbm>> -> memref<1x80x128xf32, #tpu.memory_space<hbm>>
      %dma_wait3A_36 = tpu.memref_squeeze %dma_wait3A_35 : memref<1x80x128xf32, #tpu.memory_space<hbm>> -> memref<80x128xf32, #tpu.memory_space<hbm>>
      %dma_wait3A_37 = arith.constant 0 : i32
      %dma_wait3A_38 = tpu.memref_slice %arg11[%mul3A_28, %dma_wait3A_37] : memref<1280x128xf32, #tpu.memory_space<vmem_shared>> -> memref<80x128xf32, #tpu.memory_space<vmem_shared>>
      tpu.wait_dma2 semaphore(%run_scoped3A : memref<!tpu.dma_semaphore, #tpu.memory_space<semaphore_mem>>) src(%dma_wait3A_38 : memref<80x128xf32, #tpu.memory_space<vmem_shared>>) dst(%dma_wait3A_36 : memref<80x128xf32, #tpu.memory_space<hbm>>)
      tpu.yield
    }) : () -> ()
    return
  }
}

#map = affine_map<(d0, d1) -> (0, 0)>
#map1 = affine_map<(d0, d1) -> (0)>
#map2 = affine_map<(d0, d1) -> (0, 0, 0)>
module attributes {stable_mosaic.version = 14 : i64} {
  func.func @_sc_gat_body(%arg0: i32, %arg1: i32, %arg2: memref<10000x128xf32, #tpu.memory_space<hbm>>, %arg3: memref<10000xf32, #tpu.memory_space<hbm>>, %arg4: memref<10000xf32, #tpu.memory_space<hbm>>, %arg5: memref<320000xi32, #tpu.memory_space<hbm>>, %arg6: memref<320000xi32, #tpu.memory_space<hbm>>, %arg7: memref<10000x128xf32, #tpu.memory_space<hbm>>, %arg8: memref<2x10000x128xf32, #tpu.memory_space<hbm>>, %arg9: memref<2x1280x128xf32, #tpu.memory_space<hbm>>, %arg10: memref<10000x128xf32, #tpu.memory_space<vmem_shared>>, %arg11: memref<1280x128xf32, #tpu.memory_space<vmem_shared>>, %arg12: memref<10000xf32, #tpu.memory_space<vmem>>, %arg13: memref<10000xf32, #tpu.memory_space<vmem>>, %arg14: memref<16xi32, #tpu.memory_space<vmem>>, %arg15: memref<16xi32, #tpu.memory_space<vmem>>, %arg16: memref<16xi32, #tpu.memory_space<vmem>>, %arg17: memref<16xf32, #tpu.memory_space<vmem>>, %arg18: memref<16x128xf32, #tpu.memory_space<vmem>>, %arg19: memref<16x128xf32, #tpu.memory_space<vmem>>, %arg20: memref<!tpu.dma_semaphore, #tpu.memory_space<semaphore_mem>>) attributes {dimension_semantics = [#tpu.dimension_semantics<core_parallel>, #tpu.dimension_semantics<subcore_parallel>], iteration_bounds = array<i64: 2, 16>, scalar_prefetch = 0 : i64, scratch_operands = 11 : i64, tpu.core_type = #tpu.core_type<sc_vector_subcore>, window_params = [{transform_indices = #map}, {transform_indices = #map1}, {transform_indices = #map1}, {transform_indices = #map1}, {transform_indices = #map1}, {transform_indices = #map}, {transform_indices = #map2}, {transform_indices = #map2}]} {
    %mul3A = arith.constant 2 : i32
    %mul3A_0 = arith.muli %arg1, %mul3A : i32
    %add3A = arith.addi %mul3A_0, %arg0 : i32
    %lt3A = arith.constant 15 : i32
    %lt3A_1 = arith.cmpi slt, %arg1, %lt3A : i32
    %convert_element_type3A = arith.extui %lt3A_1 : i1 to i32
    %cond3A = arith.constant 0 : i32
    %cond3A_2 = arith.cmpi ne, %convert_element_type3A, %cond3A : i32
    scf.if %cond3A_2 {
      %mul3A_31 = arith.constant 640 : i32
      %mul3A_32 = arith.muli %arg1, %mul3A_31 : i32
      %mul3A_33 = arith.constant 640 : i32
      %mul3A_34 = arith.muli %arg1, %mul3A_33 : i32
      "tpu.region"() ({
        %run_scoped3A = tpu.sem_alloc : memref<!tpu.dma_semaphore, #tpu.memory_space<semaphore_mem>>
        %dma_start3A = arith.constant 0 : i32
        %dma_start3A_35 = tpu.memref_slice %arg10[%mul3A_34, %dma_start3A] : memref<10000x128xf32, #tpu.memory_space<vmem_shared>> -> memref<640x128xf32, #tpu.memory_space<vmem_shared>>
        %dma_start3A_36 = arith.constant 0 : i32
        %dma_start3A_37 = tpu.memref_slice %arg7[%mul3A_32, %dma_start3A_36] : memref<10000x128xf32, #tpu.memory_space<hbm>> -> memref<640x128xf32, #tpu.memory_space<hbm>>
        tpu.enqueue_dma source(%dma_start3A_37 : memref<640x128xf32, #tpu.memory_space<hbm>>) target(%dma_start3A_35 : memref<640x128xf32, #tpu.memory_space<vmem_shared>>) target_semaphore(%run_scoped3A : memref<!tpu.dma_semaphore, #tpu.memory_space<semaphore_mem>>)
        %dma_wait3A = arith.constant 0 : i32
        %dma_wait3A_38 = tpu.memref_slice %arg10[%mul3A_34, %dma_wait3A] : memref<10000x128xf32, #tpu.memory_space<vmem_shared>> -> memref<640x128xf32, #tpu.memory_space<vmem_shared>>
        %dma_wait3A_39 = arith.constant 0 : i32
        %dma_wait3A_40 = tpu.memref_slice %arg7[%mul3A_32, %dma_wait3A_39] : memref<10000x128xf32, #tpu.memory_space<hbm>> -> memref<640x128xf32, #tpu.memory_space<hbm>>
        tpu.wait_dma2 semaphore(%run_scoped3A : memref<!tpu.dma_semaphore, #tpu.memory_space<semaphore_mem>>) src(%dma_wait3A_40 : memref<640x128xf32, #tpu.memory_space<hbm>>) dst(%dma_wait3A_38 : memref<640x128xf32, #tpu.memory_space<vmem_shared>>)
        tpu.yield
      }) : () -> ()
    } else {
    }
    %eq3A = arith.constant 15 : i32
    %eq3A_3 = arith.cmpi eq, %arg1, %eq3A : i32
    %convert_element_type3A_4 = arith.extui %eq3A_3 : i1 to i32
    %cond3A_5 = arith.constant 0 : i32
    %cond3A_6 = arith.cmpi ne, %convert_element_type3A_4, %cond3A_5 : i32
    scf.if %cond3A_6 {
      "tpu.region"() ({
        %run_scoped3A = tpu.sem_alloc : memref<!tpu.dma_semaphore, #tpu.memory_space<semaphore_mem>>
        %dma_start3A = arith.constant 9600 : i32
        %dma_start3A_31 = arith.constant 0 : i32
        %dma_start3A_32 = tpu.memref_slice %arg10[%dma_start3A, %dma_start3A_31] : memref<10000x128xf32, #tpu.memory_space<vmem_shared>> -> memref<400x128xf32, #tpu.memory_space<vmem_shared>>
        %dma_start3A_33 = arith.constant 9600 : i32
        %dma_start3A_34 = arith.constant 0 : i32
        %dma_start3A_35 = tpu.memref_slice %arg7[%dma_start3A_33, %dma_start3A_34] : memref<10000x128xf32, #tpu.memory_space<hbm>> -> memref<400x128xf32, #tpu.memory_space<hbm>>
        tpu.enqueue_dma source(%dma_start3A_35 : memref<400x128xf32, #tpu.memory_space<hbm>>) target(%dma_start3A_32 : memref<400x128xf32, #tpu.memory_space<vmem_shared>>) target_semaphore(%run_scoped3A : memref<!tpu.dma_semaphore, #tpu.memory_space<semaphore_mem>>)
        %dma_wait3A = arith.constant 9600 : i32
        %dma_wait3A_36 = arith.constant 0 : i32
        %dma_wait3A_37 = tpu.memref_slice %arg10[%dma_wait3A, %dma_wait3A_36] : memref<10000x128xf32, #tpu.memory_space<vmem_shared>> -> memref<400x128xf32, #tpu.memory_space<vmem_shared>>
        %dma_wait3A_38 = arith.constant 9600 : i32
        %dma_wait3A_39 = arith.constant 0 : i32
        %dma_wait3A_40 = tpu.memref_slice %arg7[%dma_wait3A_38, %dma_wait3A_39] : memref<10000x128xf32, #tpu.memory_space<hbm>> -> memref<400x128xf32, #tpu.memory_space<hbm>>
        tpu.wait_dma2 semaphore(%run_scoped3A : memref<!tpu.dma_semaphore, #tpu.memory_space<semaphore_mem>>) src(%dma_wait3A_40 : memref<400x128xf32, #tpu.memory_space<hbm>>) dst(%dma_wait3A_37 : memref<400x128xf32, #tpu.memory_space<vmem_shared>>)
        tpu.yield
      }) : () -> ()
    } else {
    }
    %mul3A_7 = arith.constant 80 : i32
    %mul3A_8 = arith.muli %arg1, %mul3A_7 : i32
    %mul3A_9 = arith.constant 80 : i32
    %mul3A_10 = arith.muli %arg1, %mul3A_9 : i32
    "tpu.region"() ({
      %run_scoped3A = tpu.sem_alloc : memref<!tpu.dma_semaphore, #tpu.memory_space<semaphore_mem>>
      %dma_start3A = arith.constant 0 : i32
      %dma_start3A_31 = tpu.memref_slice %arg11[%mul3A_10, %dma_start3A] : memref<1280x128xf32, #tpu.memory_space<vmem_shared>> -> memref<80x128xf32, #tpu.memory_space<vmem_shared>>
      %dma_start3A_32 = arith.constant 0 : i32
      %dma_start3A_33 = tpu.memref_slice %arg7[%mul3A_8, %dma_start3A_32] : memref<10000x128xf32, #tpu.memory_space<hbm>> -> memref<80x128xf32, #tpu.memory_space<hbm>>
      tpu.enqueue_dma source(%dma_start3A_33 : memref<80x128xf32, #tpu.memory_space<hbm>>) target(%dma_start3A_31 : memref<80x128xf32, #tpu.memory_space<vmem_shared>>) target_semaphore(%run_scoped3A : memref<!tpu.dma_semaphore, #tpu.memory_space<semaphore_mem>>)
      %dma_wait3A = arith.constant 0 : i32
      %dma_wait3A_34 = tpu.memref_slice %arg11[%mul3A_10, %dma_wait3A] : memref<1280x128xf32, #tpu.memory_space<vmem_shared>> -> memref<80x128xf32, #tpu.memory_space<vmem_shared>>
      %dma_wait3A_35 = arith.constant 0 : i32
      %dma_wait3A_36 = tpu.memref_slice %arg7[%mul3A_8, %dma_wait3A_35] : memref<10000x128xf32, #tpu.memory_space<hbm>> -> memref<80x128xf32, #tpu.memory_space<hbm>>
      tpu.wait_dma2 semaphore(%run_scoped3A : memref<!tpu.dma_semaphore, #tpu.memory_space<semaphore_mem>>) src(%dma_wait3A_36 : memref<80x128xf32, #tpu.memory_space<hbm>>) dst(%dma_wait3A_34 : memref<80x128xf32, #tpu.memory_space<vmem_shared>>)
      tpu.yield
    }) : () -> ()
    "tpu.region"() ({
      %run_scoped3A = tpu.sem_alloc : memref<!tpu.dma_semaphore, #tpu.memory_space<semaphore_mem>>
      %dma_start3A = arith.constant 0 : i32
      %dma_start3A_31 = arith.constant 0 : i32
      %dma_start3A_32 = tpu.memref_slice %arg7[%dma_start3A, %dma_start3A_31] : memref<10000x128xf32, #tpu.memory_space<hbm>> -> memref<16x128xf32, #tpu.memory_space<hbm>>
      %dma_start3A_33 = arith.constant 0 : i32
      %dma_start3A_34 = arith.constant 0 : i32
      %dma_start3A_35 = tpu.memref_slice %arg7[%dma_start3A_33, %dma_start3A_34] : memref<10000x128xf32, #tpu.memory_space<hbm>> -> memref<16x128xf32, #tpu.memory_space<hbm>>
      tpu.enqueue_dma source(%dma_start3A_35 : memref<16x128xf32, #tpu.memory_space<hbm>>) target(%arg19 : memref<16x128xf32, #tpu.memory_space<vmem>>) target_semaphore(%run_scoped3A : memref<!tpu.dma_semaphore, #tpu.memory_space<semaphore_mem>>)
      %dma_wait3A = arith.constant 0 : i32
      %dma_wait3A_36 = arith.constant 0 : i32
      %dma_wait3A_37 = tpu.memref_slice %arg7[%dma_wait3A, %dma_wait3A_36] : memref<10000x128xf32, #tpu.memory_space<hbm>> -> memref<16x128xf32, #tpu.memory_space<hbm>>
      %dma_wait3A_38 = arith.constant 0 : i32
      %dma_wait3A_39 = arith.constant 0 : i32
      %dma_wait3A_40 = tpu.memref_slice %arg7[%dma_wait3A_38, %dma_wait3A_39] : memref<10000x128xf32, #tpu.memory_space<hbm>> -> memref<16x128xf32, #tpu.memory_space<hbm>>
      tpu.wait_dma2 semaphore(%run_scoped3A : memref<!tpu.dma_semaphore, #tpu.memory_space<semaphore_mem>>) src(%dma_wait3A_40 : memref<16x128xf32, #tpu.memory_space<hbm>>) dst(%arg19 : memref<16x128xf32, #tpu.memory_space<vmem>>)
      tpu.yield
    }) : () -> ()
    "tpu.region"() ({
      %run_scoped3A = tpu.sem_alloc : memref<!tpu.dma_semaphore, #tpu.memory_space<semaphore_mem>>
      tpu.enqueue_dma source(%arg3 : memref<10000xf32, #tpu.memory_space<hbm>>) target(%arg12 : memref<10000xf32, #tpu.memory_space<vmem>>) target_semaphore(%run_scoped3A : memref<!tpu.dma_semaphore, #tpu.memory_space<semaphore_mem>>)
      tpu.wait_dma2 semaphore(%run_scoped3A : memref<!tpu.dma_semaphore, #tpu.memory_space<semaphore_mem>>) src(%arg3 : memref<10000xf32, #tpu.memory_space<hbm>>) dst(%arg12 : memref<10000xf32, #tpu.memory_space<vmem>>)
      tpu.yield
    }) : () -> ()
    "tpu.region"() ({
      %run_scoped3A = tpu.sem_alloc : memref<!tpu.dma_semaphore, #tpu.memory_space<semaphore_mem>>
      tpu.enqueue_dma source(%arg4 : memref<10000xf32, #tpu.memory_space<hbm>>) target(%arg13 : memref<10000xf32, #tpu.memory_space<vmem>>) target_semaphore(%run_scoped3A : memref<!tpu.dma_semaphore, #tpu.memory_space<semaphore_mem>>)
      tpu.wait_dma2 semaphore(%run_scoped3A : memref<!tpu.dma_semaphore, #tpu.memory_space<semaphore_mem>>) src(%arg4 : memref<10000xf32, #tpu.memory_space<hbm>>) dst(%arg13 : memref<10000xf32, #tpu.memory_space<vmem>>)
      tpu.yield
    }) : () -> ()
    %barrier3A = arith.constant 0 : index
    tpu.barrier barrier_id(%barrier3A)
    %iota3A = tpu.iota {dimensions = array<i32: 0>} : vector<16xi32>
    %scan3A = arith.constant 0 : i32
    %scan3A_11 = arith.constant 0 : i32
    %scan3A_12 = arith.constant 625 : i32
    %scan3A_13 = arith.addi %scan3A_11, %scan3A_12 : i32
    %scan3A_14 = arith.constant 1 : i32
    scf.for %scan3A_31 = %scan3A_11 to %scan3A_13 step %scan3A_14  : i32 {
      %mul3A_32 = arith.constant 10000 : i32
      %mul3A_33 = arith.muli %add3A, %mul3A_32 : i32
      %mul3A_34 = arith.constant 16 : i32
      %mul3A_35 = arith.muli %scan3A_31, %mul3A_34 : i32
      %add3A_36 = arith.addi %mul3A_33, %mul3A_35 : i32
      "tpu.region"() ({
        %run_scoped3A = tpu.sem_alloc : memref<!tpu.dma_semaphore, #tpu.memory_space<semaphore_mem>>
        %dma_start3A_145 = tpu.memref_slice %arg5[%add3A_36] : memref<320000xi32, #tpu.memory_space<hbm>> -> memref<16xi32, #tpu.memory_space<hbm>>
        %dma_start3A_146 = tpu.memref_slice %arg5[%add3A_36] : memref<320000xi32, #tpu.memory_space<hbm>> -> memref<16xi32, #tpu.memory_space<hbm>>
        tpu.enqueue_dma source(%dma_start3A_146 : memref<16xi32, #tpu.memory_space<hbm>>) target(%arg14 : memref<16xi32, #tpu.memory_space<vmem>>) target_semaphore(%run_scoped3A : memref<!tpu.dma_semaphore, #tpu.memory_space<semaphore_mem>>)
        %dma_wait3A_147 = tpu.memref_slice %arg5[%add3A_36] : memref<320000xi32, #tpu.memory_space<hbm>> -> memref<16xi32, #tpu.memory_space<hbm>>
        %dma_wait3A_148 = tpu.memref_slice %arg5[%add3A_36] : memref<320000xi32, #tpu.memory_space<hbm>> -> memref<16xi32, #tpu.memory_space<hbm>>
        tpu.wait_dma2 semaphore(%run_scoped3A : memref<!tpu.dma_semaphore, #tpu.memory_space<semaphore_mem>>) src(%dma_wait3A_148 : memref<16xi32, #tpu.memory_space<hbm>>) dst(%arg14 : memref<16xi32, #tpu.memory_space<vmem>>)
        tpu.yield
      }) : () -> ()
      "tpu.region"() ({
        %run_scoped3A = tpu.sem_alloc : memref<!tpu.dma_semaphore, #tpu.memory_space<semaphore_mem>>
        %dma_start3A_145 = tpu.memref_slice %arg6[%add3A_36] : memref<320000xi32, #tpu.memory_space<hbm>> -> memref<16xi32, #tpu.memory_space<hbm>>
        %dma_start3A_146 = tpu.memref_slice %arg6[%add3A_36] : memref<320000xi32, #tpu.memory_space<hbm>> -> memref<16xi32, #tpu.memory_space<hbm>>
        tpu.enqueue_dma source(%dma_start3A_146 : memref<16xi32, #tpu.memory_space<hbm>>) target(%arg15 : memref<16xi32, #tpu.memory_space<vmem>>) target_semaphore(%run_scoped3A : memref<!tpu.dma_semaphore, #tpu.memory_space<semaphore_mem>>)
        %dma_wait3A_147 = tpu.memref_slice %arg6[%add3A_36] : memref<320000xi32, #tpu.memory_space<hbm>> -> memref<16xi32, #tpu.memory_space<hbm>>
        %dma_wait3A_148 = tpu.memref_slice %arg6[%add3A_36] : memref<320000xi32, #tpu.memory_space<hbm>> -> memref<16xi32, #tpu.memory_space<hbm>>
        tpu.wait_dma2 semaphore(%run_scoped3A : memref<!tpu.dma_semaphore, #tpu.memory_space<semaphore_mem>>) src(%dma_wait3A_148 : memref<16xi32, #tpu.memory_space<hbm>>) dst(%arg15 : memref<16xi32, #tpu.memory_space<vmem>>)
        tpu.yield
      }) : () -> ()
      %dma_start3A = arith.constant 0 : i32
      %dma_start3A_37 = arith.constant 0 : i32
      %dma_start3A_38 = tpu.memref_slice %arg2[%dma_start3A, %dma_start3A_37] : memref<10000x128xf32, #tpu.memory_space<hbm>> -> memref<10000x128xf32, #tpu.memory_space<hbm>>
      tpu.enqueue_indirect_dma source(%dma_start3A_38 : memref<10000x128xf32, #tpu.memory_space<hbm>>) target(%arg18 : memref<16x128xf32, #tpu.memory_space<vmem>>) offsets(%arg14 : memref<16xi32, #tpu.memory_space<vmem>>) semaphore(%arg20 : memref<!tpu.dma_semaphore, #tpu.memory_space<semaphore_mem>>)
      %dma_wait3A = arith.constant 0 : i32
      %dma_wait3A_39 = arith.constant 0 : i32
      %dma_wait3A_40 = tpu.memref_slice %arg2[%dma_wait3A, %dma_wait3A_39] : memref<10000x128xf32, #tpu.memory_space<hbm>> -> memref<10000x128xf32, #tpu.memory_space<hbm>>
      tpu.wait_indirect_dma semaphore(%arg20 : memref<!tpu.dma_semaphore, #tpu.memory_space<semaphore_mem>>) src(%dma_wait3A_40 : memref<10000x128xf32, #tpu.memory_space<hbm>>) dst(%arg18 : memref<16x128xf32, #tpu.memory_space<vmem>>)
      %get3A = arith.constant 0 : index
      %get3A_41 = tpu.vector_load %arg15[%get3A] {strides = array<i32>} : memref<16xi32, #tpu.memory_space<vmem>>, vector<16xi32>,
      %get3A_42 = arith.constant 0 : index
      %get3A_43 = tpu.vector_load %arg14[%get3A_42] {strides = array<i32>} : memref<16xi32, #tpu.memory_space<vmem>>, vector<16xi32>,
      %gather3A = tpu.vector_load_idx %arg12[%get3A_41] : memref<10000xf32, #tpu.memory_space<vmem>>[vector<16xi32>], vector<16xf32>,
      %gather3A_44 = tpu.vector_load_idx %arg13[%get3A_43] : memref<10000xf32, #tpu.memory_space<vmem>>[vector<16xi32>], vector<16xf32>,
      %add3A_45 = arith.addf %gather3A, %gather3A_44 : vector<16xf32>
      %gt3A = arith.constant 0.000000e+00 : f32
      %gt3A_46 = vector.broadcast %gt3A : f32 to vector<16xf32>
      %gt3A_47 = arith.cmpf ogt, %add3A_45, %gt3A_46 : vector<16xf32>
      %mul3A_48 = arith.constant 2.000000e-01 : f32
      %mul3A_49 = vector.broadcast %mul3A_48 : f32 to vector<16xf32>
      %mul3A_50 = arith.mulf %mul3A_49, %add3A_45 : vector<16xf32>
      %select_n3A = arith.select %gt3A_47, %add3A_45, %mul3A_50 : vector<16xi1>, vector<16xf32>
      %exp3A = math.exp %select_n3A : vector<16xf32>
      %swap3A = arith.constant 0 : index
      %swap3A_51 = tpu.vector_load %arg17[%swap3A] {strides = array<i32>} : memref<16xf32, #tpu.memory_space<vmem>>, vector<16xf32>,
      tpu.vector_store %arg17[%swap3A], %exp3A {strides = array<i32>} : memref<16xf32, #tpu.memory_space<vmem>>, vector<16xf32>,
      %jit3A = arith.constant 8 : i32
      %div3A = vector.broadcast %jit3A : i32 to vector<16xi32>
      %div3A_52 = arith.divsi %get3A_41, %div3A : vector<16xi32>
      %sign3A = arith.constant 0 : i32
      %sign3A_53 = vector.broadcast %sign3A : i32 to vector<16xi32>
      %sign3A_54 = arith.cmpi sgt, %get3A_41, %sign3A_53 : vector<16xi32>
      %sign3A_55 = arith.extui %sign3A_54 : vector<16xi1> to vector<16xi32>
      %sign3A_56 = arith.constant 0 : i32
      %sign3A_57 = vector.broadcast %sign3A_56 : i32 to vector<16xi32>
      %sign3A_58 = arith.cmpi slt, %get3A_41, %sign3A_57 : vector<16xi32>
      %sign3A_59 = arith.extui %sign3A_58 : vector<16xi1> to vector<16xi32>
      %sign3A_60 = arith.subi %sign3A_55, %sign3A_59 : vector<16xi32>
      %sign3A_61 = arith.constant 0 : i32
      %sign3A_62 = arith.cmpi sgt, %jit3A, %sign3A_61 : i32
      %sign3A_63 = arith.extui %sign3A_62 : i1 to i32
      %sign3A_64 = arith.constant 0 : i32
      %sign3A_65 = arith.cmpi slt, %jit3A, %sign3A_64 : i32
      %sign3A_66 = arith.extui %sign3A_65 : i1 to i32
      %sign3A_67 = arith.subi %sign3A_63, %sign3A_66 : i32
      %ne3A = vector.broadcast %sign3A_67 : i32 to vector<16xi32>
      %ne3A_68 = arith.cmpi ne, %sign3A_60, %ne3A : vector<16xi32>
      %rem3A = vector.broadcast %jit3A : i32 to vector<16xi32>
      %rem3A_69 = arith.remsi %get3A_41, %rem3A : vector<16xi32>
      %ne3A_70 = arith.constant 0 : i32
      %ne3A_71 = vector.broadcast %ne3A_70 : i32 to vector<16xi32>
      %ne3A_72 = arith.cmpi ne, %rem3A_69, %ne3A_71 : vector<16xi32>
      %and3A = arith.andi %ne3A_68, %ne3A_72 : vector<16xi1>
      %sub3A = arith.constant 1 : i32
      %sub3A_73 = vector.broadcast %sub3A : i32 to vector<16xi32>
      %sub3A_74 = arith.subi %div3A_52, %sub3A_73 : vector<16xi32>
      %select_n3A_75 = arith.select %and3A, %sub3A_74, %div3A_52 : vector<16xi1>, vector<16xi32>
      %swap3A_76 = arith.constant 0 : index
      %swap3A_77 = tpu.vector_load %arg16[%swap3A_76] {strides = array<i32>} : memref<16xi32, #tpu.memory_space<vmem>>, vector<16xi32>,
      tpu.vector_store %arg16[%swap3A_76], %select_n3A_75 {strides = array<i32>} : memref<16xi32, #tpu.memory_space<vmem>>, vector<16xi32>,
      %add3A_78 = arith.constant 0 : i32
      %add3A_79 = vector.broadcast %add3A_78 : i32 to vector<16xi32>
      %add3A_80 = arith.addi %iota3A, %add3A_79 : vector<16xi32>
      %jit3A_81 = arith.constant 8 : i32
      %eq3A_82 = arith.constant 0 : i32
      %eq3A_83 = arith.cmpi eq, %jit3A_81, %eq3A_82 : i32
      %jit3A_84 = arith.constant 1 : i32
      %select_n3A_85 = arith.select %eq3A_83, %jit3A_84, %jit3A_81 : i32
      %rem3A_86 = vector.broadcast %select_n3A_85 : i32 to vector<16xi32>
      %rem3A_87 = arith.remsi %get3A_41, %rem3A_86 : vector<16xi32>
      %ne3A_88 = arith.constant 0 : i32
      %ne3A_89 = vector.broadcast %ne3A_88 : i32 to vector<16xi32>
      %ne3A_90 = arith.cmpi ne, %rem3A_87, %ne3A_89 : vector<16xi32>
      %lt3A_91 = arith.constant 0 : i32
      %lt3A_92 = vector.broadcast %lt3A_91 : i32 to vector<16xi32>
      %lt3A_93 = arith.cmpi slt, %rem3A_87, %lt3A_92 : vector<16xi32>
      %lt3A_94 = arith.constant 0 : i32
      %lt3A_95 = arith.cmpi slt, %select_n3A_85, %lt3A_94 : i32
      %ne3A_96 = vector.broadcast %lt3A_95 : i1 to vector<16xi1>
      %ne3A_97 = vector.broadcast %ne3A_96 : vector<16xi1> to vector<16xi1>
      %ne3A_98 = arith.xori %lt3A_93, %ne3A_97 : vector<16xi1>
      %and3A_99 = arith.andi %ne3A_98, %ne3A_90 : vector<16xi1>
      %add3A_100 = vector.broadcast %select_n3A_85 : i32 to vector<16xi32>
      %add3A_101 = arith.addi %rem3A_87, %add3A_100 : vector<16xi32>
      %select_n3A_102 = arith.select %and3A_99, %add3A_101, %rem3A_87 : vector<16xi1>, vector<16xi32>
      %mul3A_103 = arith.constant 16 : i32
      %mul3A_104 = vector.broadcast %mul3A_103 : i32 to vector<16xi32>
      %mul3A_105 = arith.muli %select_n3A_102, %mul3A_104 : vector<16xi32>
      %add3A_106 = arith.addi %mul3A_105, %iota3A : vector<16xi32>
      tpu.vector_store_idx %arg19[%add3A_80, %add3A_106], %exp3A : memref<16x128xf32, #tpu.memory_space<vmem>>[vector<16xi32>, vector<16xi32>], vector<16xf32>,
      "tpu.region"() ({
        %run_scoped3A = tpu.sem_alloc : memref<!tpu.dma_semaphore, #tpu.memory_space<semaphore_mem>>
        %dma_start3A_145 = arith.constant 0 : i32
        %dma_start3A_146 = arith.constant 0 : i32
        %dma_start3A_147 = tpu.memref_slice %arg11[%dma_start3A_145, %dma_start3A_146] : memref<1280x128xf32, #tpu.memory_space<vmem_shared>> -> memref<1280x128xf32, #tpu.memory_space<vmem_shared>>
        tpu.enqueue_indirect_dma source(%arg19 : memref<16x128xf32, #tpu.memory_space<vmem>>) target(%dma_start3A_147 : memref<1280x128xf32, #tpu.memory_space<vmem_shared>>) offsets(%arg16 : memref<16xi32, #tpu.memory_space<vmem>>) semaphore(%run_scoped3A : memref<!tpu.dma_semaphore, #tpu.memory_space<semaphore_mem>>) {add = true}
        %dma_wait3A_148 = arith.constant 0 : i32
        %dma_wait3A_149 = arith.constant 0 : i32
        %dma_wait3A_150 = tpu.memref_slice %arg11[%dma_wait3A_148, %dma_wait3A_149] : memref<1280x128xf32, #tpu.memory_space<vmem_shared>> -> memref<1280x128xf32, #tpu.memory_space<vmem_shared>>
        tpu.wait_indirect_dma semaphore(%run_scoped3A : memref<!tpu.dma_semaphore, #tpu.memory_space<semaphore_mem>>) src(%arg19 : memref<16x128xf32, #tpu.memory_space<vmem>>) dst(%dma_wait3A_150 : memref<1280x128xf32, #tpu.memory_space<vmem_shared>>)
        tpu.yield
      }) : () -> ()
      %get3A_107 = arith.constant 0 : index
      %get3A_108 = tpu.vector_load %arg15[%get3A_107] {strides = array<i32>} : memref<16xi32, #tpu.memory_space<vmem>>, vector<16xi32>,
      %add3A_109 = arith.constant 0 : i32
      %add3A_110 = vector.broadcast %add3A_109 : i32 to vector<16xi32>
      %add3A_111 = arith.addi %iota3A, %add3A_110 : vector<16xi32>
      %jit3A_112 = arith.constant 8 : i32
      %eq3A_113 = arith.constant 0 : i32
      %eq3A_114 = arith.cmpi eq, %jit3A_112, %eq3A_113 : i32
      %jit3A_115 = arith.constant 1 : i32
      %select_n3A_116 = arith.select %eq3A_114, %jit3A_115, %jit3A_112 : i32
      %rem3A_117 = vector.broadcast %select_n3A_116 : i32 to vector<16xi32>
      %rem3A_118 = arith.remsi %get3A_108, %rem3A_117 : vector<16xi32>
      %ne3A_119 = arith.constant 0 : i32
      %ne3A_120 = vector.broadcast %ne3A_119 : i32 to vector<16xi32>
      %ne3A_121 = arith.cmpi ne, %rem3A_118, %ne3A_120 : vector<16xi32>
      %lt3A_122 = arith.constant 0 : i32
      %lt3A_123 = vector.broadcast %lt3A_122 : i32 to vector<16xi32>
      %lt3A_124 = arith.cmpi slt, %rem3A_118, %lt3A_123 : vector<16xi32>
      %lt3A_125 = arith.constant 0 : i32
      %lt3A_126 = arith.cmpi slt, %select_n3A_116, %lt3A_125 : i32
      %ne3A_127 = vector.broadcast %lt3A_126 : i1 to vector<16xi1>
      %ne3A_128 = vector.broadcast %ne3A_127 : vector<16xi1> to vector<16xi1>
      %ne3A_129 = arith.xori %lt3A_124, %ne3A_128 : vector<16xi1>
      %and3A_130 = arith.andi %ne3A_129, %ne3A_121 : vector<16xi1>
      %add3A_131 = vector.broadcast %select_n3A_116 : i32 to vector<16xi32>
      %add3A_132 = arith.addi %rem3A_118, %add3A_131 : vector<16xi32>
      %select_n3A_133 = arith.select %and3A_130, %add3A_132, %rem3A_118 : vector<16xi1>, vector<16xi32>
      %mul3A_134 = arith.constant 16 : i32
      %mul3A_135 = vector.broadcast %mul3A_134 : i32 to vector<16xi32>
      %mul3A_136 = arith.muli %select_n3A_133, %mul3A_135 : vector<16xi32>
      %add3A_137 = arith.addi %mul3A_136, %iota3A : vector<16xi32>
      %broadcast_in_dim3A = arith.constant 0.000000e+00 : f32
      %broadcast_in_dim3A_138 = vector.broadcast %broadcast_in_dim3A : f32 to vector<16xf32>
      tpu.vector_store_idx %arg19[%add3A_111, %add3A_137], %broadcast_in_dim3A_138 : memref<16x128xf32, #tpu.memory_space<vmem>>[vector<16xi32>, vector<16xi32>], vector<16xf32>,
      %scan3A_139 = arith.constant 0 : i32
      %scan3A_140 = arith.constant 0 : i32
      %scan3A_141 = arith.constant 16 : i32
      %scan3A_142 = arith.addi %scan3A_140, %scan3A_141 : i32
      %scan3A_143 = arith.constant 1 : i32
      scf.for %scan3A_145 = %scan3A_140 to %scan3A_142 step %scan3A_143  : i32 {
        %broadcast_in_dim3A_146 = vector.broadcast %scan3A_145 : i32 to vector<16xi32>
        %gather3A_147 = tpu.vector_load_idx %arg17[%broadcast_in_dim3A_146] : memref<16xf32, #tpu.memory_space<vmem>>[vector<16xi32>], vector<16xf32>,
        %add3A_148 = arith.constant 0 : i32
        %add3A_149 = vector.broadcast %add3A_148 : i32 to vector<16xi32>
        %add3A_150 = arith.addi %iota3A, %add3A_149 : vector<16xi32>
        %gather3A_151 = tpu.vector_load_idx %arg18[%broadcast_in_dim3A_146, %add3A_150] : memref<16x128xf32, #tpu.memory_space<vmem>>[vector<16xi32>, vector<16xi32>], vector<16xf32>,
        %mul3A_152 = arith.mulf %gather3A_151, %gather3A_147 : vector<16xf32>
        tpu.vector_store_idx %arg18[%broadcast_in_dim3A_146, %add3A_150], %mul3A_152 : memref<16x128xf32, #tpu.memory_space<vmem>>[vector<16xi32>, vector<16xi32>], vector<16xf32>,
        %add3A_153 = arith.constant 16 : i32
        %add3A_154 = vector.broadcast %add3A_153 : i32 to vector<16xi32>
        %add3A_155 = arith.addi %iota3A, %add3A_154 : vector<16xi32>
        %gather3A_156 = tpu.vector_load_idx %arg18[%broadcast_in_dim3A_146, %add3A_155] : memref<16x128xf32, #tpu.memory_space<vmem>>[vector<16xi32>, vector<16xi32>], vector<16xf32>,
        %mul3A_157 = arith.mulf %gather3A_156, %gather3A_147 : vector<16xf32>
        tpu.vector_store_idx %arg18[%broadcast_in_dim3A_146, %add3A_155], %mul3A_157 : memref<16x128xf32, #tpu.memory_space<vmem>>[vector<16xi32>, vector<16xi32>], vector<16xf32>,
        %add3A_158 = arith.constant 32 : i32
        %add3A_159 = vector.broadcast %add3A_158 : i32 to vector<16xi32>
        %add3A_160 = arith.addi %iota3A, %add3A_159 : vector<16xi32>
        %gather3A_161 = tpu.vector_load_idx %arg18[%broadcast_in_dim3A_146, %add3A_160] : memref<16x128xf32, #tpu.memory_space<vmem>>[vector<16xi32>, vector<16xi32>], vector<16xf32>,
        %mul3A_162 = arith.mulf %gather3A_161, %gather3A_147 : vector<16xf32>
        tpu.vector_store_idx %arg18[%broadcast_in_dim3A_146, %add3A_160], %mul3A_162 : memref<16x128xf32, #tpu.memory_space<vmem>>[vector<16xi32>, vector<16xi32>], vector<16xf32>,
        %add3A_163 = arith.constant 48 : i32
        %add3A_164 = vector.broadcast %add3A_163 : i32 to vector<16xi32>
        %add3A_165 = arith.addi %iota3A, %add3A_164 : vector<16xi32>
        %gather3A_166 = tpu.vector_load_idx %arg18[%broadcast_in_dim3A_146, %add3A_165] : memref<16x128xf32, #tpu.memory_space<vmem>>[vector<16xi32>, vector<16xi32>], vector<16xf32>,
        %mul3A_167 = arith.mulf %gather3A_166, %gather3A_147 : vector<16xf32>
        tpu.vector_store_idx %arg18[%broadcast_in_dim3A_146, %add3A_165], %mul3A_167 : memref<16x128xf32, #tpu.memory_space<vmem>>[vector<16xi32>, vector<16xi32>], vector<16xf32>,
        %add3A_168 = arith.constant 64 : i32
        %add3A_169 = vector.broadcast %add3A_168 : i32 to vector<16xi32>
        %add3A_170 = arith.addi %iota3A, %add3A_169 : vector<16xi32>
        %gather3A_171 = tpu.vector_load_idx %arg18[%broadcast_in_dim3A_146, %add3A_170] : memref<16x128xf32, #tpu.memory_space<vmem>>[vector<16xi32>, vector<16xi32>], vector<16xf32>,
        %mul3A_172 = arith.mulf %gather3A_171, %gather3A_147 : vector<16xf32>
        tpu.vector_store_idx %arg18[%broadcast_in_dim3A_146, %add3A_170], %mul3A_172 : memref<16x128xf32, #tpu.memory_space<vmem>>[vector<16xi32>, vector<16xi32>], vector<16xf32>,
        %add3A_173 = arith.constant 80 : i32
        %add3A_174 = vector.broadcast %add3A_173 : i32 to vector<16xi32>
        %add3A_175 = arith.addi %iota3A, %add3A_174 : vector<16xi32>
        %gather3A_176 = tpu.vector_load_idx %arg18[%broadcast_in_dim3A_146, %add3A_175] : memref<16x128xf32, #tpu.memory_space<vmem>>[vector<16xi32>, vector<16xi32>], vector<16xf32>,
        %mul3A_177 = arith.mulf %gather3A_176, %gather3A_147 : vector<16xf32>
        tpu.vector_store_idx %arg18[%broadcast_in_dim3A_146, %add3A_175], %mul3A_177 : memref<16x128xf32, #tpu.memory_space<vmem>>[vector<16xi32>, vector<16xi32>], vector<16xf32>,
        %add3A_178 = arith.constant 96 : i32
        %add3A_179 = vector.broadcast %add3A_178 : i32 to vector<16xi32>
        %add3A_180 = arith.addi %iota3A, %add3A_179 : vector<16xi32>
        %gather3A_181 = tpu.vector_load_idx %arg18[%broadcast_in_dim3A_146, %add3A_180] : memref<16x128xf32, #tpu.memory_space<vmem>>[vector<16xi32>, vector<16xi32>], vector<16xf32>,
        %mul3A_182 = arith.mulf %gather3A_181, %gather3A_147 : vector<16xf32>
        tpu.vector_store_idx %arg18[%broadcast_in_dim3A_146, %add3A_180], %mul3A_182 : memref<16x128xf32, #tpu.memory_space<vmem>>[vector<16xi32>, vector<16xi32>], vector<16xf32>,
        %add3A_183 = arith.constant 112 : i32
        %add3A_184 = vector.broadcast %add3A_183 : i32 to vector<16xi32>
        %add3A_185 = arith.addi %iota3A, %add3A_184 : vector<16xi32>
        %gather3A_186 = tpu.vector_load_idx %arg18[%broadcast_in_dim3A_146, %add3A_185] : memref<16x128xf32, #tpu.memory_space<vmem>>[vector<16xi32>, vector<16xi32>], vector<16xf32>,
        %mul3A_187 = arith.mulf %gather3A_186, %gather3A_147 : vector<16xf32>
        tpu.vector_store_idx %arg18[%broadcast_in_dim3A_146, %add3A_185], %mul3A_187 : memref<16x128xf32, #tpu.memory_space<vmem>>[vector<16xi32>, vector<16xi32>], vector<16xf32>,
      }
      %scan3A_144 = arith.constant 16 : i32
      "tpu.region"() ({
        %run_scoped3A = tpu.sem_alloc : memref<!tpu.dma_semaphore, #tpu.memory_space<semaphore_mem>>
        %dma_start3A_145 = arith.constant 0 : i32
        %dma_start3A_146 = arith.constant 0 : i32
        %dma_start3A_147 = tpu.memref_slice %arg10[%dma_start3A_145, %dma_start3A_146] : memref<10000x128xf32, #tpu.memory_space<vmem_shared>> -> memref<10000x128xf32, #tpu.memory_space<vmem_shared>>
        tpu.enqueue_indirect_dma source(%arg18 : memref<16x128xf32, #tpu.memory_space<vmem>>) target(%dma_start3A_147 : memref<10000x128xf32, #tpu.memory_space<vmem_shared>>) offsets(%arg15 : memref<16xi32, #tpu.memory_space<vmem>>) semaphore(%run_scoped3A : memref<!tpu.dma_semaphore, #tpu.memory_space<semaphore_mem>>) {add = true}
        %dma_wait3A_148 = arith.constant 0 : i32
        %dma_wait3A_149 = arith.constant 0 : i32
        %dma_wait3A_150 = tpu.memref_slice %arg10[%dma_wait3A_148, %dma_wait3A_149] : memref<10000x128xf32, #tpu.memory_space<vmem_shared>> -> memref<10000x128xf32, #tpu.memory_space<vmem_shared>>
        tpu.wait_indirect_dma semaphore(%run_scoped3A : memref<!tpu.dma_semaphore, #tpu.memory_space<semaphore_mem>>) src(%arg18 : memref<16x128xf32, #tpu.memory_space<vmem>>) dst(%dma_wait3A_150 : memref<10000x128xf32, #tpu.memory_space<vmem_shared>>)
        tpu.yield
      }) : () -> ()
    }
    %scan3A_15 = arith.constant 625 : i32
    %barrier3A_16 = arith.constant 0 : index
    tpu.barrier barrier_id(%barrier3A_16)
    %lt3A_17 = arith.constant 15 : i32
    %lt3A_18 = arith.cmpi slt, %arg1, %lt3A_17 : i32
    %convert_element_type3A_19 = arith.extui %lt3A_18 : i1 to i32
    %cond3A_20 = arith.constant 0 : i32
    %cond3A_21 = arith.cmpi ne, %convert_element_type3A_19, %cond3A_20 : i32
    scf.if %cond3A_21 {
      %mul3A_31 = arith.constant 640 : i32
      %mul3A_32 = arith.muli %arg1, %mul3A_31 : i32
      %mul3A_33 = arith.constant 640 : i32
      %mul3A_34 = arith.muli %arg1, %mul3A_33 : i32
      "tpu.region"() ({
        %run_scoped3A = tpu.sem_alloc : memref<!tpu.dma_semaphore, #tpu.memory_space<semaphore_mem>>
        %dma_start3A = arith.constant 0 : i32
        %dma_start3A_35 = tpu.memref_slice %arg8[%arg0, %mul3A_34, %dma_start3A] : memref<2x10000x128xf32, #tpu.memory_space<hbm>> -> memref<1x640x128xf32, #tpu.memory_space<hbm>>
        %dma_start3A_36 = tpu.memref_squeeze %dma_start3A_35 : memref<1x640x128xf32, #tpu.memory_space<hbm>> -> memref<640x128xf32, #tpu.memory_space<hbm>>
        %dma_start3A_37 = arith.constant 0 : i32
        %dma_start3A_38 = tpu.memref_slice %arg10[%mul3A_32, %dma_start3A_37] : memref<10000x128xf32, #tpu.memory_space<vmem_shared>> -> memref<640x128xf32, #tpu.memory_space<vmem_shared>>
        tpu.enqueue_dma source(%dma_start3A_38 : memref<640x128xf32, #tpu.memory_space<vmem_shared>>) target(%dma_start3A_36 : memref<640x128xf32, #tpu.memory_space<hbm>>) target_semaphore(%run_scoped3A : memref<!tpu.dma_semaphore, #tpu.memory_space<semaphore_mem>>)
        %dma_wait3A = arith.constant 0 : i32
        %dma_wait3A_39 = tpu.memref_slice %arg8[%arg0, %mul3A_34, %dma_wait3A] : memref<2x10000x128xf32, #tpu.memory_space<hbm>> -> memref<1x640x128xf32, #tpu.memory_space<hbm>>
        %dma_wait3A_40 = tpu.memref_squeeze %dma_wait3A_39 : memref<1x640x128xf32, #tpu.memory_space<hbm>> -> memref<640x128xf32, #tpu.memory_space<hbm>>
        %dma_wait3A_41 = arith.constant 0 : i32
        %dma_wait3A_42 = tpu.memref_slice %arg10[%mul3A_32, %dma_wait3A_41] : memref<10000x128xf32, #tpu.memory_space<vmem_shared>> -> memref<640x128xf32, #tpu.memory_space<vmem_shared>>
        tpu.wait_dma2 semaphore(%run_scoped3A : memref<!tpu.dma_semaphore, #tpu.memory_space<semaphore_mem>>) src(%dma_wait3A_42 : memref<640x128xf32, #tpu.memory_space<vmem_shared>>) dst(%dma_wait3A_40 : memref<640x128xf32, #tpu.memory_space<hbm>>)
        tpu.yield
      }) : () -> ()
    } else {
    }
    %eq3A_22 = arith.constant 15 : i32
    %eq3A_23 = arith.cmpi eq, %arg1, %eq3A_22 : i32
    %convert_element_type3A_24 = arith.extui %eq3A_23 : i1 to i32
    %cond3A_25 = arith.constant 0 : i32
    %cond3A_26 = arith.cmpi ne, %convert_element_type3A_24, %cond3A_25 : i32
    scf.if %cond3A_26 {
      "tpu.region"() ({
        %run_scoped3A = tpu.sem_alloc : memref<!tpu.dma_semaphore, #tpu.memory_space<semaphore_mem>>
        %dma_start3A = arith.constant 9600 : i32
        %dma_start3A_31 = arith.constant 0 : i32
        %dma_start3A_32 = tpu.memref_slice %arg8[%arg0, %dma_start3A, %dma_start3A_31] : memref<2x10000x128xf32, #tpu.memory_space<hbm>> -> memref<1x400x128xf32, #tpu.memory_space<hbm>>
        %dma_start3A_33 = tpu.memref_squeeze %dma_start3A_32 : memref<1x400x128xf32, #tpu.memory_space<hbm>> -> memref<400x128xf32, #tpu.memory_space<hbm>>
        %dma_start3A_34 = arith.constant 9600 : i32
        %dma_start3A_35 = arith.constant 0 : i32
        %dma_start3A_36 = tpu.memref_slice %arg10[%dma_start3A_34, %dma_start3A_35] : memref<10000x128xf32, #tpu.memory_space<vmem_shared>> -> memref<400x128xf32, #tpu.memory_space<vmem_shared>>
        tpu.enqueue_dma source(%dma_start3A_36 : memref<400x128xf32, #tpu.memory_space<vmem_shared>>) target(%dma_start3A_33 : memref<400x128xf32, #tpu.memory_space<hbm>>) target_semaphore(%run_scoped3A : memref<!tpu.dma_semaphore, #tpu.memory_space<semaphore_mem>>)
        %dma_wait3A = arith.constant 9600 : i32
        %dma_wait3A_37 = arith.constant 0 : i32
        %dma_wait3A_38 = tpu.memref_slice %arg8[%arg0, %dma_wait3A, %dma_wait3A_37] : memref<2x10000x128xf32, #tpu.memory_space<hbm>> -> memref<1x400x128xf32, #tpu.memory_space<hbm>>
        %dma_wait3A_39 = tpu.memref_squeeze %dma_wait3A_38 : memref<1x400x128xf32, #tpu.memory_space<hbm>> -> memref<400x128xf32, #tpu.memory_space<hbm>>
        %dma_wait3A_40 = arith.constant 9600 : i32
        %dma_wait3A_41 = arith.constant 0 : i32
        %dma_wait3A_42 = tpu.memref_slice %arg10[%dma_wait3A_40, %dma_wait3A_41] : memref<10000x128xf32, #tpu.memory_space<vmem_shared>> -> memref<400x128xf32, #tpu.memory_space<vmem_shared>>
        tpu.wait_dma2 semaphore(%run_scoped3A : memref<!tpu.dma_semaphore, #tpu.memory_space<semaphore_mem>>) src(%dma_wait3A_42 : memref<400x128xf32, #tpu.memory_space<vmem_shared>>) dst(%dma_wait3A_39 : memref<400x128xf32, #tpu.memory_space<hbm>>)
        tpu.yield
      }) : () -> ()
    } else {
    }
    %mul3A_27 = arith.constant 80 : i32
    %mul3A_28 = arith.muli %arg1, %mul3A_27 : i32
    %mul3A_29 = arith.constant 80 : i32
    %mul3A_30 = arith.muli %arg1, %mul3A_29 : i32
    "tpu.region"() ({
      %run_scoped3A = tpu.sem_alloc : memref<!tpu.dma_semaphore, #tpu.memory_space<semaphore_mem>>
      %dma_start3A = arith.constant 0 : i32
      %dma_start3A_31 = tpu.memref_slice %arg9[%arg0, %mul3A_30, %dma_start3A] : memref<2x1280x128xf32, #tpu.memory_space<hbm>> -> memref<1x80x128xf32, #tpu.memory_space<hbm>>
      %dma_start3A_32 = tpu.memref_squeeze %dma_start3A_31 : memref<1x80x128xf32, #tpu.memory_space<hbm>> -> memref<80x128xf32, #tpu.memory_space<hbm>>
      %dma_start3A_33 = arith.constant 0 : i32
      %dma_start3A_34 = tpu.memref_slice %arg11[%mul3A_28, %dma_start3A_33] : memref<1280x128xf32, #tpu.memory_space<vmem_shared>> -> memref<80x128xf32, #tpu.memory_space<vmem_shared>>
      tpu.enqueue_dma source(%dma_start3A_34 : memref<80x128xf32, #tpu.memory_space<vmem_shared>>) target(%dma_start3A_32 : memref<80x128xf32, #tpu.memory_space<hbm>>) target_semaphore(%run_scoped3A : memref<!tpu.dma_semaphore, #tpu.memory_space<semaphore_mem>>)
      %dma_wait3A = arith.constant 0 : i32
      %dma_wait3A_35 = tpu.memref_slice %arg9[%arg0, %mul3A_30, %dma_wait3A] : memref<2x1280x128xf32, #tpu.memory_space<hbm>> -> memref<1x80x128xf32, #tpu.memory_space<hbm>>
      %dma_wait3A_36 = tpu.memref_squeeze %dma_wait3A_35 : memref<1x80x128xf32, #tpu.memory_space<hbm>> -> memref<80x128xf32, #tpu.memory_space<hbm>>
      %dma_wait3A_37 = arith.constant 0 : i32
      %dma_wait3A_38 = tpu.memref_slice %arg11[%mul3A_28, %dma_wait3A_37] : memref<1280x128xf32, #tpu.memory_space<vmem_shared>> -> memref<80x128xf32, #tpu.memory_space<vmem_shared>>
      tpu.wait_dma2 semaphore(%run_scoped3A : memref<!tpu.dma_semaphore, #tpu.memory_space<semaphore_mem>>) src(%dma_wait3A_38 : memref<80x128xf32, #tpu.memory_space<vmem_shared>>) dst(%dma_wait3A_36 : memref<80x128xf32, #tpu.memory_space<hbm>>)
      tpu.yield
    }) : () -> ()
    return
  }
}

module attributes {stable_mosaic.version = 14 : i64} {
  func.func @_proj_body(%arg0: i32, %arg1: memref<2000x128xf32, #tpu.memory_space<vmem>>, %arg2: memref<128x128xf32, #tpu.memory_space<vmem>>, %arg3: memref<128x2xf32, #tpu.memory_space<vmem>>, %arg4: memref<2000x128xf32, #tpu.memory_space<vmem>>, %arg5: memref<2000x2xf32, #tpu.memory_space<vmem>>) attributes {dimension_semantics = [#tpu.dimension_semantics<arbitrary>], iteration_bounds = array<i64: 5>, scalar_prefetch = 0 : i64, scratch_operands = 0 : i64, tpu.core_type = #tpu.core_type<tc>, window_params = [{transform_indices = @transform_0, window_bounds = array<i64: 2000, 128>}, {pipeline_mode = #tpu.pipeline_mode<synchronous>, transform_indices = @transform_1, window_bounds = array<i64: 128, 128>}, {pipeline_mode = #tpu.pipeline_mode<synchronous>, transform_indices = @transform_2, window_bounds = array<i64: 128, 2>}, {transform_indices = @transform_3, window_bounds = array<i64: 2000, 128>}, {transform_indices = @transform_4, window_bounds = array<i64: 2000, 2>}]} {
    %get3A = arith.constant 0 : index
    %get3A_0 = arith.constant 0 : index
    %get3A_1 = vector.load %arg1[%get3A, %get3A_0] : memref<2000x128xf32, #tpu.memory_space<vmem>>, vector<2000x128xf32>
    %get3A_2 = arith.constant 0 : index
    %get3A_3 = arith.constant 0 : index
    %get3A_4 = vector.load %arg2[%get3A_2, %get3A_3] : memref<128x128xf32, #tpu.memory_space<vmem>>, vector<128x128xf32>
    %dot_general3A = arith.constant dense<0.000000e+00> : vector<2000x128xf32>
    %dot_general3A_5 = tpu.matmul %get3A_1, %get3A_4, %dot_general3A {dimension_numbers = #tpu.dot_dimension_numbers<[1], [0], [0], [1], [0, 0, 1, 1], [], []>, transpose_lhs_hint = false} : vector<2000x128xf32>, vector<128x128xf32>, vector<2000x128xf32> -> vector<2000x128xf32>
    %swap3A = arith.constant 0 : index
    %swap3A_6 = arith.constant 0 : index
    %swap3A_7 = vector.load %arg4[%swap3A, %swap3A_6] : memref<2000x128xf32, #tpu.memory_space<vmem>>, vector<2000x128xf32>
    tpu.vector_store %arg4[%swap3A, %swap3A_6], %dot_general3A_5 {strides = array<i32>} : memref<2000x128xf32, #tpu.memory_space<vmem>>, vector<2000x128xf32>,
    %get3A_8 = arith.constant 0 : index
    %get3A_9 = arith.constant 0 : index
    %get3A_10 = vector.load %arg3[%get3A_8, %get3A_9] : memref<128x2xf32, #tpu.memory_space<vmem>>, vector<128x2xf32>
    %dot_general3A_11 = arith.constant dense<0.000000e+00> : vector<2000x2xf32>
    %dot_general3A_12 = tpu.matmul %dot_general3A_5, %get3A_10, %dot_general3A_11 {dimension_numbers = #tpu.dot_dimension_numbers<[1], [0], [0], [1], [0, 0, 1, 1], [], []>, transpose_lhs_hint = false} : vector<2000x128xf32>, vector<128x2xf32>, vector<2000x2xf32> -> vector<2000x2xf32>
    %swap3A_13 = arith.constant 0 : index
    %swap3A_14 = arith.constant 0 : index
    %swap3A_15 = vector.load %arg5[%swap3A_13, %swap3A_14] : memref<2000x2xf32, #tpu.memory_space<vmem>>, vector<2000x2xf32>
    tpu.vector_store %arg5[%swap3A_13, %swap3A_14], %dot_general3A_12 {strides = array<i32>} : memref<2000x2xf32, #tpu.memory_space<vmem>>, vector<2000x2xf32>,
    return
  }
  func.func @transform_0(%arg0: i32) -> (i32, i32) {
    %c0_i32 = arith.constant 0 : i32
    %c0_i32_0 = arith.constant 0 : i32
    return %arg0, %c0_i32 : i32, i32
  }
  func.func @transform_1(%arg0: i32) -> (i32, i32) {
    %c0_i32 = arith.constant 0 : i32
    %c0_i32_0 = arith.constant 0 : i32
    %c0_i32_1 = arith.constant 0 : i32
    return %c0_i32, %c0_i32_0 : i32, i32
  }
  func.func @transform_2(%arg0: i32) -> (i32, i32) {
    %c0_i32 = arith.constant 0 : i32
    %c0_i32_0 = arith.constant 0 : i32
    %c0_i32_1 = arith.constant 0 : i32
    return %c0_i32, %c0_i32_0 : i32, i32
  }
  func.func @transform_3(%arg0: i32) -> (i32, i32) {
    %c0_i32 = arith.constant 0 : i32
    %c0_i32_0 = arith.constant 0 : i32
    return %arg0, %c0_i32 : i32, i32
  }
  func.func @transform_4(%arg0: i32) -> (i32, i32) {
    %c0_i32 = arith.constant 0 : i32
    %c0_i32_0 = arith.constant 0 : i32
    return %arg0, %c0_i32 : i32, i32
  }
}

module attributes {stable_mosaic.version = 14 : i64} {
  func.func @_fuse_body(%arg0: i32, %arg1: memref<2x10000x128xf32, #tpu.memory_space<vmem>>, %arg2: memref<2x1280x128xf32, #tpu.memory_space<vmem>>, %arg3: memref<2x10000x128xf32, #tpu.memory_space<vmem>>, %arg4: memref<2x1280x128xf32, #tpu.memory_space<vmem>>, %arg5: memref<1x256xf32, #tpu.memory_space<vmem>>, %arg6: memref<1x1xf32, #tpu.memory_space<vmem>>, %arg7: memref<10000x128xf32, #tpu.memory_space<vmem>>) attributes {dimension_semantics = [#tpu.dimension_semantics<arbitrary>], iteration_bounds = array<i64: 1>, scalar_prefetch = 0 : i64, scratch_operands = 0 : i64, tpu.core_type = #tpu.core_type<tc>, window_params = [{transform_indices = @transform_0, window_bounds = array<i64: 2, 10000, 128>}, {pipeline_mode = #tpu.pipeline_mode<synchronous>, transform_indices = @transform_1, window_bounds = array<i64: 2, 1280, 128>}, {transform_indices = @transform_2, window_bounds = array<i64: 2, 10000, 128>}, {pipeline_mode = #tpu.pipeline_mode<synchronous>, transform_indices = @transform_3, window_bounds = array<i64: 2, 1280, 128>}, {pipeline_mode = #tpu.pipeline_mode<synchronous>, transform_indices = @transform_4, window_bounds = array<i64: 1, 256>}, {pipeline_mode = #tpu.pipeline_mode<synchronous>, transform_indices = @transform_5, window_bounds = array<i64: 1, 1>}, {transform_indices = @transform_6, window_bounds = array<i64: 10000, 128>}]} {
    %get3A = arith.constant 0 : index
    %get3A_0 = arith.constant 0 : index
    %get3A_1 = arith.constant 0 : index
    %get3A_2 = vector.load %arg2[%get3A, %get3A_0, %get3A_1] : memref<2x1280x128xf32, #tpu.memory_space<vmem>>, vector<1x1280x128xf32>
    %get3A_3 = vector.shape_cast %get3A_2 : vector<1x1280x128xf32> to vector<1280x128xf32>
    %get3A_4 = arith.constant 1 : index
    %get3A_5 = arith.constant 0 : index
    %get3A_6 = arith.constant 0 : index
    %get3A_7 = vector.load %arg2[%get3A_4, %get3A_5, %get3A_6] : memref<2x1280x128xf32, #tpu.memory_space<vmem>>, vector<1x1280x128xf32>
    %get3A_8 = vector.shape_cast %get3A_7 : vector<1x1280x128xf32> to vector<1280x128xf32>
    %add3A = arith.addf %get3A_3, %get3A_8 : vector<1280x128xf32>
    %reshape3A = vector.shape_cast %add3A : vector<1280x128xf32> to vector<1280x8x16xf32>
    %reduce_sum3A = arith.constant dense<0.000000e+00> : vector<1280x8xf32>
    %reduce_sum3A_9 = vector.multi_reduction <add>, %reshape3A, %reduce_sum3A [2] : vector<1280x8x16xf32> to vector<1280x8xf32>
    %reshape3A_10 = vector.shape_cast %reduce_sum3A_9 : vector<1280x8xf32> to vector<10240x1xf32>
    %slice3A = vector.extract_strided_slice %reshape3A_10 {offsets = [0, 0], sizes = [10000, 1], strides = [1, 1]} : vector<10240x1xf32> to vector<10000x1xf32>
    %get3A_11 = arith.constant 0 : index
    %get3A_12 = arith.constant 0 : index
    %get3A_13 = arith.constant 0 : index
    %get3A_14 = vector.load %arg4[%get3A_11, %get3A_12, %get3A_13] : memref<2x1280x128xf32, #tpu.memory_space<vmem>>, vector<1x1280x128xf32>
    %get3A_15 = vector.shape_cast %get3A_14 : vector<1x1280x128xf32> to vector<1280x128xf32>
    %get3A_16 = arith.constant 1 : index
    %get3A_17 = arith.constant 0 : index
    %get3A_18 = arith.constant 0 : index
    %get3A_19 = vector.load %arg4[%get3A_16, %get3A_17, %get3A_18] : memref<2x1280x128xf32, #tpu.memory_space<vmem>>, vector<1x1280x128xf32>
    %get3A_20 = vector.shape_cast %get3A_19 : vector<1x1280x128xf32> to vector<1280x128xf32>
    %add3A_21 = arith.addf %get3A_15, %get3A_20 : vector<1280x128xf32>
    %reshape3A_22 = vector.shape_cast %add3A_21 : vector<1280x128xf32> to vector<1280x8x16xf32>
    %reduce_sum3A_23 = arith.constant dense<0.000000e+00> : vector<1280x8xf32>
    %reduce_sum3A_24 = vector.multi_reduction <add>, %reshape3A_22, %reduce_sum3A_23 [2] : vector<1280x8x16xf32> to vector<1280x8xf32>
    %reshape3A_25 = vector.shape_cast %reduce_sum3A_24 : vector<1280x8xf32> to vector<10240x1xf32>
    %slice3A_26 = vector.extract_strided_slice %reshape3A_25 {offsets = [0, 0], sizes = [10000, 1], strides = [1, 1]} : vector<10240x1xf32> to vector<10000x1xf32>
    %get3A_27 = arith.constant 0 : index
    %get3A_28 = arith.constant 0 : index
    %get3A_29 = arith.constant 0 : index
    %get3A_30 = vector.load %arg1[%get3A_27, %get3A_28, %get3A_29] : memref<2x10000x128xf32, #tpu.memory_space<vmem>>, vector<1x10000x128xf32>
    %get3A_31 = vector.shape_cast %get3A_30 : vector<1x10000x128xf32> to vector<10000x128xf32>
    %get3A_32 = arith.constant 1 : index
    %get3A_33 = arith.constant 0 : index
    %get3A_34 = arith.constant 0 : index
    %get3A_35 = vector.load %arg1[%get3A_32, %get3A_33, %get3A_34] : memref<2x10000x128xf32, #tpu.memory_space<vmem>>, vector<1x10000x128xf32>
    %get3A_36 = vector.shape_cast %get3A_35 : vector<1x10000x128xf32> to vector<10000x128xf32>
    %add3A_37 = arith.addf %get3A_31, %get3A_36 : vector<10000x128xf32>
    %get3A_38 = arith.constant 0 : index
    %get3A_39 = arith.constant 0 : index
    %get3A_40 = arith.constant 0 : index
    %get3A_41 = vector.load %arg3[%get3A_38, %get3A_39, %get3A_40] : memref<2x10000x128xf32, #tpu.memory_space<vmem>>, vector<1x10000x128xf32>
    %get3A_42 = vector.shape_cast %get3A_41 : vector<1x10000x128xf32> to vector<10000x128xf32>
    %get3A_43 = arith.constant 1 : index
    %get3A_44 = arith.constant 0 : index
    %get3A_45 = arith.constant 0 : index
    %get3A_46 = vector.load %arg3[%get3A_43, %get3A_44, %get3A_45] : memref<2x10000x128xf32, #tpu.memory_space<vmem>>, vector<1x10000x128xf32>
    %get3A_47 = vector.shape_cast %get3A_46 : vector<1x10000x128xf32> to vector<10000x128xf32>
    %add3A_48 = arith.addf %get3A_42, %get3A_47 : vector<10000x128xf32>
    %add3A_49 = arith.constant 1.000000e-16 : f32
    %add3A_50 = vector.broadcast %add3A_49 : f32 to vector<10000x1xf32>
    %add3A_51 = arith.addf %slice3A, %add3A_50 : vector<10000x1xf32>
    %div3A = vector.broadcast %add3A_51 : vector<10000x1xf32> to vector<10000x128xf32>
    %div3A_52 = arith.divf %add3A_37, %div3A : vector<10000x128xf32>
    %max3A = arith.constant 0.000000e+00 : f32
    %max3A_53 = vector.broadcast %max3A : f32 to vector<10000x128xf32>
    %max3A_54 = arith.maximumf %div3A_52, %max3A_53 : vector<10000x128xf32>
    %add3A_55 = arith.constant 1.000000e-16 : f32
    %add3A_56 = vector.broadcast %add3A_55 : f32 to vector<10000x1xf32>
    %add3A_57 = arith.addf %slice3A_26, %add3A_56 : vector<10000x1xf32>
    %div3A_58 = vector.broadcast %add3A_57 : vector<10000x1xf32> to vector<10000x128xf32>
    %div3A_59 = arith.divf %add3A_48, %div3A_58 : vector<10000x128xf32>
    %max3A_60 = arith.constant 0.000000e+00 : f32
    %max3A_61 = vector.broadcast %max3A_60 : f32 to vector<10000x128xf32>
    %max3A_62 = arith.maximumf %div3A_59, %max3A_61 : vector<10000x128xf32>
    %get3A_63 = arith.constant 0 : index
    %get3A_64 = arith.constant 0 : index
    %get3A_65 = vector.load %arg5[%get3A_63, %get3A_64] : memref<1x256xf32, #tpu.memory_space<vmem>>, vector<1x256xf32>
    %slice3A_66 = vector.extract_strided_slice %get3A_65 {offsets = [0, 0], sizes = [1, 128], strides = [1, 1]} : vector<1x256xf32> to vector<1x128xf32>
    %transpose3A = tpu.transpose %slice3A_66, [1, 0] : vector<1x128xf32> -> vector<128x1xf32>
    %dot_general3A = arith.constant dense<0.000000e+00> : vector<10000x1xf32>
    %dot_general3A_67 = tpu.matmul %max3A_54, %transpose3A, %dot_general3A {dimension_numbers = #tpu.dot_dimension_numbers<[1], [0], [0], [1], [0, 0, 1, 1], [], []>, transpose_lhs_hint = false} : vector<10000x128xf32>, vector<128x1xf32>, vector<10000x1xf32> -> vector<10000x1xf32>
    %slice3A_68 = vector.extract_strided_slice %get3A_65 {offsets = [0, 128], sizes = [1, 128], strides = [1, 1]} : vector<1x256xf32> to vector<1x128xf32>
    %transpose3A_69 = tpu.transpose %slice3A_68, [1, 0] : vector<1x128xf32> -> vector<128x1xf32>
    %dot_general3A_70 = arith.constant dense<0.000000e+00> : vector<10000x1xf32>
    %dot_general3A_71 = tpu.matmul %max3A_62, %transpose3A_69, %dot_general3A_70 {dimension_numbers = #tpu.dot_dimension_numbers<[1], [0], [0], [1], [0, 0, 1, 1], [], []>, transpose_lhs_hint = false} : vector<10000x128xf32>, vector<128x1xf32>, vector<10000x1xf32> -> vector<10000x1xf32>
    %add3A_72 = arith.addf %dot_general3A_67, %dot_general3A_71 : vector<10000x1xf32>
    %get3A_73 = arith.constant 0 : index
    %get3A_74 = arith.constant 0 : index
    %get3A_75 = vector.load %arg6[%get3A_73, %get3A_74] : memref<1x1xf32, #tpu.memory_space<vmem>>, vector<1x1xf32>
    %get3A_76 = vector.extract %get3A_75[0, 0] : f32 from vector<1x1xf32>
    %add3A_77 = vector.broadcast %get3A_76 : f32 to vector<10000x1xf32>
    %add3A_78 = arith.addf %add3A_72, %add3A_77 : vector<10000x1xf32>
    %logistic3A = arith.negf %add3A_78 : vector<10000x1xf32>
    %logistic3A_79 = math.exp %logistic3A : vector<10000x1xf32>
    %logistic3A_80 = arith.constant 1.000000e+00 : f32
    %logistic3A_81 = vector.broadcast %logistic3A_80 : f32 to vector<10000x1xf32>
    %logistic3A_82 = arith.addf %logistic3A_81, %logistic3A_79 : vector<10000x1xf32>
    %logistic3A_83 = arith.divf %logistic3A_81, %logistic3A_82 : vector<10000x1xf32>
    %mul3A = vector.broadcast %logistic3A_83 : vector<10000x1xf32> to vector<10000x128xf32>
    %mul3A_84 = arith.mulf %mul3A, %max3A_54 : vector<10000x128xf32>
    %sub3A = arith.constant 1.000000e+00 : f32
    %sub3A_85 = vector.broadcast %sub3A : f32 to vector<10000x1xf32>
    %sub3A_86 = arith.subf %sub3A_85, %logistic3A_83 : vector<10000x1xf32>
    %mul3A_87 = vector.broadcast %sub3A_86 : vector<10000x1xf32> to vector<10000x128xf32>
    %mul3A_88 = arith.mulf %mul3A_87, %max3A_62 : vector<10000x128xf32>
    %add3A_89 = arith.addf %mul3A_84, %mul3A_88 : vector<10000x128xf32>
    %swap3A = arith.constant 0 : index
    %swap3A_90 = arith.constant 0 : index
    %swap3A_91 = vector.load %arg7[%swap3A, %swap3A_90] : memref<10000x128xf32, #tpu.memory_space<vmem>>, vector<10000x128xf32>
    tpu.vector_store %arg7[%swap3A, %swap3A_90], %add3A_89 {strides = array<i32>} : memref<10000x128xf32, #tpu.memory_space<vmem>>, vector<10000x128xf32>,
    return
  }
  func.func @transform_0(%arg0: i32) -> (i32, i32, i32) {
    %c0_i32 = arith.constant 0 : i32
    %c0_i32_0 = arith.constant 0 : i32
    %c0_i32_1 = arith.constant 0 : i32
    return %c0_i32, %arg0, %c0_i32_0 : i32, i32, i32
  }
  func.func @transform_1(%arg0: i32) -> (i32, i32, i32) {
    %c0_i32 = arith.constant 0 : i32
    %c0_i32_0 = arith.constant 0 : i32
    %c0_i32_1 = arith.constant 0 : i32
    %c0_i32_2 = arith.constant 0 : i32
    return %c0_i32, %c0_i32_0, %c0_i32_1 : i32, i32, i32
  }
  func.func @transform_2(%arg0: i32) -> (i32, i32, i32) {
    %c0_i32 = arith.constant 0 : i32
    %c0_i32_0 = arith.constant 0 : i32
    %c0_i32_1 = arith.constant 0 : i32
    return %c0_i32, %arg0, %c0_i32_0 : i32, i32, i32
  }
  func.func @transform_3(%arg0: i32) -> (i32, i32, i32) {
    %c0_i32 = arith.constant 0 : i32
    %c0_i32_0 = arith.constant 0 : i32
    %c0_i32_1 = arith.constant 0 : i32
    %c0_i32_2 = arith.constant 0 : i32
    return %c0_i32, %c0_i32_0, %c0_i32_1 : i32, i32, i32
  }
  func.func @transform_4(%arg0: i32) -> (i32, i32) {
    %c0_i32 = arith.constant 0 : i32
    %c0_i32_0 = arith.constant 0 : i32
    %c0_i32_1 = arith.constant 0 : i32
    return %c0_i32, %c0_i32_0 : i32, i32
  }
  func.func @transform_5(%arg0: i32) -> (i32, i32) {
    %c0_i32 = arith.constant 0 : i32
    %c0_i32_0 = arith.constant 0 : i32
    %c0_i32_1 = arith.constant 0 : i32
    return %c0_i32, %c0_i32_0 : i32, i32
  }
  func.func @transform_6(%arg0: i32) -> (i32, i32) {
    %c0_i32 = arith.constant 0 : i32
    %c0_i32_0 = arith.constant 0 : i32
    return %arg0, %c0_i32 : i32, i32
  }
}

</mosaic_0001>

<sc_bundles>
// kernel: kernel.12.cloned.1.call-start
scs
__scs_entry_jumppad:
0x0: {  	(pc) =	sbr.rel $0x88, $3  }
0x1: {  	(tag) =	ssettag $0x0;
	lr =	simm.s32 $0x1  }
0x2: {  	[smem:$0x3F8B] =	sst lr;
	_ =	strace $0xD0000000  }
0x3: {  	_ = 	snop  }
0x4: {  	_ = 	snop  }
0x5: {  	_ = 	snop  }
0x6: {  	_ = 	snop  }
0x7: {  	_ = 	snop  }
__scs_overlays_trampoline_lowered:
0x8: {  	[smem:$0x3F9A] =	sst s0  }
0x9: {  	[smem:$0x3F9B] =	sst s1  }
0xa: {  	[smem:$0x3F9C] =	sst s2  }
0xb: {  	[smem:$0x3F9D] =	sst s3  }
0xc: {  	[smem:$0x3F9E] =	sst s4  }
0xd: {  	[smem:$0x3F9F] =	sst s5  }
0xe: {  	[smem:$0x3FA0] =	sst s6  }
0xf: {  	[smem:$0x3FA1] =	sst s7  }
0x10: {  	[smem:$0x3FA2] =	sst s8  }
0x11: {  	[smem:$0x3FA3] =	sst s9;
	s0 =	simm.s32 @!p0 $0x0  }
0x12: {  	s1 =	sld [smem:$0x3F89];
	s0 =	simm.s32 @p0 $0x1  }
0x13: {  	[smem:$0x3FA4] =	sst s0;
	s0 =	simm.s32 @!p1 $0x0  }
0x14: {  	s2 =	sld [smem:$0x3F88];
	s0 =	simm.s32 @p1 $0x1  }
0x15: {  	[smem:$0x3FA5] =	sst s0;
	s0 =	simm.s32 @!p2 $0x0  }
0x16: {  	s3 =	sld [smem:$0x3FDB];
	s0 =	simm.s32 @p2 $0x1  }
0x17: {  	s4 =	simm.s32 $0x1BF5;
	[smem:$0x3FA7] =	sst s0  }
0x18: {  	s0 =	sld [smem:$0x3F8A];
	_ =	swait.ge [sflag:s4], $0x0  }
0x19: {  	s7 =	sld [smem:$0x3F8B]  }
0x1a: {  	s8 =	sadd.s32 $0xFFFFE003, lr  }
0x1b: {  	s9 =	sadd.s32 $0xFFFFFEF7, lr;
	s5 =	simm.s32 $0xFFFFFFFF;
	p2 =	slt.u32 s8, $0xFFFFF086  }
0x1c: {  	p1 =	slt.u32 s9, $0xF7A;
	s5 =	simm.s32 @!p2 $0x0  }
0x1d: {  	s5 =	simm.s32 @p1 $0x1;
	p0 =	seq.s32 s7, s2  }
0x1e: {  	s7 =	smul.u32 @!p0 $0xF7A, s2;
	p2 =	seq.s32 @!p0 s5, $0x0  }
0x1f: {  	s9 =	smul.u32 $0xF7A, s1;
	s8 =	simm.s32 @!p0 $0x1BF5;
	p2 =	por !p2, p0  }
0x20: {  	[sflag:s8] =	ssyncset.s32 @!p0 $0xFFFFF086;
	s6 =	sadd.s32 @!p0 s3, s7;
	s7 =	simm.s32 @!p0 $0x108  }
0x21: {  	s3 =	sadd.s32 s3, s9;
	s6 =	sadd.s32 @!p0 $0x88, s6;
	s7 =	simm.s32 @p2 $0x1082  }
0x22: {  	[simem:s7], [sflag:s8] =	dma.local @!p0 [hbm:s6], $0xF7A  }
0x23: {  	s9 =	sor.u32 $0xD0000000, s2;
	s6 =	simm.s32 $0x108;
	_ =	swait.ge @!p0 [sflag:s8], $0x0  }
0x24: {  	s3 =	sadd.s32 $0x88, s3;
	s6 =	simm.s32 @!p1 $0x1082;
	[sflag:s4] =	ssyncset.s32 $0xFFFFF086  }
0x25: {  	[simem:s6], [sflag:s4] =	dma.local [hbm:s3], $0xF7A  }
0x26: {  	[smem:$0x3F8B] =	sst s1;
	(tag) =	ssettag s2;
	_ =	strace s9  }
0x27: {  	s1 =	sld [smem:$0x3F9B]  }
0x28: {  	s2 =	sld [smem:$0x3F9C]  }
0x29: {  	s4 =	sld [smem:$0x3F9E]  }
0x2a: {  	p0 =	seq.s32 s5, $0x0;
	s5 =	sld [smem:$0x3F9F]  }
0x2b: {  	s6 =	sld [smem:$0x3FA0]  }
0x2c: {  	s7 =	sld [smem:$0x3FA1]  }
0x2d: {  	s3 =	simm.s32 $0x108;
	s8 =	sld [smem:$0x3FA2]  }
0x2e: {  	s3 =	simm.s32 @!p0 $0x1082;
	s9 =	sld [smem:$0x3FA3]  }
0x2f: {  	lr =	sadd.s32 s0, s3;
	s0 =	sld [smem:$0x3F9A]  }
0x30: {  	s3 =	sld [smem:$0x3F9D]  }
0x31: {  	[smem:$0x3FA6] =	sst s10  }
0x32: {  	s10 =	sld [smem:$0x3FA4];
	_ =	sdelay $0x3  }
0x33: {  	p0 =	seq.s32 s10, $0x1;
	s10 =	sld [smem:$0x3FA6];
	_ =	sdelay $0x3  }
0x34: {  	[smem:$0x3FA6] =	sst s10  }
0x35: {  	s10 =	sld [smem:$0x3FA5];
	_ =	sdelay $0x3  }
0x36: {  	p1 =	seq.s32 s10, $0x1;
	s10 =	sld [smem:$0x3FA6];
	_ =	sdelay $0x3  }
0x37: {  	[smem:$0x3FA6] =	sst s10  }
0x38: {  	s10 =	sld [smem:$0x3FA7]  }
0x39: {  	_ = 	snop;
	(pc) =	sbr.ind lr, $3  }
0x3a: {  	_ = 	snop  }
0x3b: {  	_ = 	snop  }
0x3c: {  	p2 =	seq.s32 s10, $0x1;
	s10 =	sld [smem:$0x3FA6]  }
0x3d: {  	_ =	shalt  }
0x3e: {  	_ =	shalt  }
0x3f: {  	_ =	shalt  }
0x40: {  	_ =	shalt  }
0x41: {  	_ =	shalt  }
0x42: {  	_ =	shalt  }
0x43: {  	_ =	shalt  }
0x44: {  	_ =	shalt  }
0x45: {  	_ =	shalt  }
0x46: {  	_ =	shalt  }
0x47: {  	_ =	shalt  }
0x48: {  	_ =	shalt  }
0x49: {  	_ =	shalt  }
0x4a: {  	_ =	shalt  }
0x4b: {  	_ =	shalt  }
0x4c: {  	_ =	shalt  }
0x4d: {  	_ =	shalt  }
0x4e: {  	_ =	shalt  }
0x4f: {  	_ =	shalt  }
0x50: {  	_ =	shalt  }
0x51: {  	_ =	shalt  }
0x52: {  	_ =	shalt  }
0x53: {  	_ =	shalt  }
0x54: {  	_ =	shalt  }
0x55: {  	_ =	shalt  }
0x56: {  	_ =	shalt  }
0x57: {  	_ =	shalt  }
0x58: {  	_ =	shalt  }
0x59: {  	_ =	shalt  }
0x5a: {  	_ =	shalt  }
0x5b: {  	_ =	shalt  }
0x5c: {  	_ =	shalt  }
0x5d: {  	_ =	shalt  }
0x5e: {  	_ =	shalt  }
0x5f: {  	_ =	shalt  }
0x60: {  	_ =	shalt  }
0x61: {  	_ =	shalt  }
0x62: {  	_ =	shalt  }
0x63: {  	_ =	shalt  }
0x64: {  	_ =	shalt  }
0x65: {  	_ =	shalt  }
0x66: {  	_ =	shalt  }
0x67: {  	_ =	shalt  }
0x68: {  	_ =	shalt  }
0x69: {  	_ =	shalt  }
0x6a: {  	_ =	shalt  }
0x6b: {  	_ =	shalt  }
0x6c: {  	_ =	shalt  }
0x6d: {  	_ =	shalt  }
0x6e: {  	_ =	shalt  }
0x6f: {  	_ =	shalt  }
0x70: {  	_ =	shalt  }
0x71: {  	_ =	shalt  }
0x72: {  	_ =	shalt  }
0x73: {  	_ =	shalt  }
0x74: {  	_ =	shalt  }
0x75: {  	_ =	shalt  }
0x76: {  	_ =	shalt  }
0x77: {  	_ =	shalt  }
0x78: {  	_ =	shalt  }
0x79: {  	_ =	shalt  }
0x7a: {  	_ =	shalt  }
0x7b: {  	_ =	shalt  }
0x7c: {  	_ =	shalt  }
0x7d: {  	_ =	shalt  }
0x7e: {  	_ =	shalt  }
0x7f: {  	_ =	shalt  }
0x80: {  	_ =	shalt  }
0x81: {  	_ =	shalt  }
0x82: {  	_ =	shalt  }
0x83: {  	_ =	shalt  }
0x84: {  	_ =	shalt  }
0x85: {  	_ =	shalt  }
0x86: {  	_ =	shalt  }
0x87: {  	_ =	shalt  }
.Lfunc_end0:
.L_simem_size_0:
called_computation_lowered:
.L_overlay_start_0:
0x88: {  	s2 =	sld [smem:$0x3FD9]  }
0x89: {  	s3 =	sld [smem:$0x3FFE];
	_ =	sdelay $0x1  }
0x8a: {  	s1 =	srdreg.scid  }
0x8b: {  	s0 =	sand.u32 $0x1, s1  }
0x8c: {  	s17 =	sshll.u32 s0, $0xA;
	s2 =	sadd.s32 s3, s2  }
0x8d: {  	s2 =	sadd.s32 s2, s17  }
0x8e: {  	[smem:$0x3FB2] =	sst s2  }
0x8f: {  	_ = 	snop  }
0x90: {  	s18 =	sld [smem:$0x3FC7]  }
0x91: {  	s4 =	sld [smem:$0x3FC6];
	(tm) =	ssettm $0x1  }
0x92: {  	s19 =	sld [smem:$0x3FFB];
	_ =	sdelay $0x3  }
0x93: {  	_ =	strace s19  }
0x94: {  	s2 =	sld [smem:$0x3FFC];
	_ =	sdelay $0x3  }
0x95: {  	_ =	strace s2  }
0x96: {  	s2 =	sld [smem:$0x3FFD];
	_ =	sdelay $0x3  }
0x97: {  	_ =	strace s2  }
0x98: {  	_ =	strace $0x8FFFFFFF  }
0x99: {  	s20 =	sld [smem:$0x3FDB];
	_ =	sdelay $0x1  }
0x9a: {  	s5 =	simm.s32 $_scs_section_size  }
0x9b: {  	s6 =	simm.s32 $_size__tile_overlayer_lowered;
	s7 =	simm.s32 $_tile_overlayer_lowered  }
0x9c: {  	s8 =	simm.s32 $0x1BFF;
	s21 =	sshll.u32 s7, $0x1;
	s5 =	sadd.s32 s5, s20  }
0x9d: {  	s22 =	simm.s32 $0x0;
	s6 =	sshll.u32 s6, $0x1;
	s7 =	sadd.s32 s21, s5  }
0x9e: {  	[timem:s22], [sflag:s8] =	dma.local [hbm:s7], s6  }
0x9f: {  	_ =	swait.ge [sflag:s8], s6  }
0xa0: {  	s6 =	ssub.s32 $0x0, s6;
	[sflag:s8] =	ssyncset.done $0x0  }
0xa1: {  	[sflag:s8] =	ssyncadd.s32 s6;
	_ =	sdelay $0x1  }
0xa2: {  	s23 =	simm.s32 $0x1B8B  }
0xa3: {  	_ =	swait.ge [sflag:s23], $0x1  }
0xa4: {  	[sflag:s23] =	ssyncset.done $0x0  }
0xa5: {  	[sflag:s23] =	ssyncadd.s32 $0xFFFFFFFF  }
0xa6: {  	s6 =	sld [smem:$0x0]  }
0xa7: {  	s7 =	sand.u32 $0xFFFFFFFE, s1  }
0xa8: {  	p0 =	sne.s32 s1, s7  }
0xa9: {  	s7 =	sshll.u32 @p0 s7, $0xE  }
0xaa: {  	s7 =	sadd.s32 @p0 $0x11B8D, s7;
	s8 =	sshll.u32 @p0 s6, $0x11  }
0xab: {  	s7 =	sor.u32 @p0 s8, s7  }
0xac: {  	[sflag:s7] =	ssyncadd.remote.s32 @p0 $0x1;
	_ =	sdelay $0x1  }
0xad: {  	s7 =	simm.s32 @p0 $0x1B8D  }
0xae: {  	_ =	swait.eq @p0 [sflag:s7], $0x1  }
0xaf: {  	[sflag:s7] =	ssyncadd.s32 @p0 $0xFFFFFFFF  }
0xb0: {  	s8 =	sshll.u32 @!p0 s1, $0xE  }
0xb1: {  	s8 =	sor.u32 @!p0 $0x4000, s8;
	s7 =	simm.s32 @!p0 $0x1B8D  }
0xb2: {  	s6 =	sshll.u32 @!p0 s6, $0x11;
	s8 =	sadd.s32 @!p0 $0x11B8D, s8;
	_ =	swait.eq @!p0 [sflag:s7], $0x1  }
0xb3: {  	s6 =	sor.u32 @!p0 s6, s8;
	[sflag:s7] =	ssyncadd.s32 @!p0 $0xFFFFFFFF  }
0xb4: {  	s25 =	simm.s32 $0x1B8E;
	s24 =	sld [smem:$0x3FFE];
	[sflag:s6] =	ssyncadd.remote.s32 @!p0 $0x1  }
0xb5: {  	s26 =	simm.s32 $execute0_lowered;
	[smem:$0x3FD2] =	sst s25  }
0xb6: {  	s7 =	sshll.u32 s26, $0x1;
	_ =	strace $0x80000049;
	[dreg:$0x1] =	wrdreg $0xFFFFFFFF  }
0xb7: {  	s28 =	simm.s32 $_size_execute0_lowered;
	s5 =	sadd.s32 s5, s7;
	[dreg:$0x0] =	wrdreg $0x0  }
0xb8: {  	s7 =	sshll.u32 s28, $0x1;
	[dreg:$0x2] =	wrdreg s5  }
0xb9: {  	[dreg:$0x3] =	wrdreg s7  }
0xba: {  	[dreg:$0x4] =	wrdreg $0xC0  }
0xbb: {  	_ =	task [dreg:s22], $0x5FFFF  }
0xbc: {  	[dreg:$0x1] =	wrdreg $0xFFFFFFFF  }
0xbd: {  	[dreg:$0x0] =	wrdreg $0x60  }
0xbe: {  	[dreg:$0x2] =	wrdreg s24  }
0xbf: {  	[dreg:$0x3] =	wrdreg s18  }
0xc0: {  	[dreg:$0x4] =	wrdreg s4  }
0xc1: {  	[dreg:$0x5] =	wrdreg $0x0  }
0xc2: {  	[dreg:$0x6] =	wrdreg $0x138800  }
0xc3: {  	[dreg:$0x7] =	wrdreg $0x9  }
0xc4: {  	_ =	task.clear_ibuf [dreg:s22], $0x8FFFF;
	_ =	strace $0x90000049  }
0xc5: {  	s29 =	simm.s32 $0x9;
	_ =	strace $0x8000004B  }
0xc6: {  	_ =	swait.ge [sflag:s29], $0x1  }
0xc7: {  	[sflag:s29] =	ssyncadd.s32 $0xFFFFFFFF  }
0xc8: {  	_ =	strace $0x9000004B  }
0xc9: {  	_ =	sfence  }
0xca: {  	s30 =	sld [smem:$0x0];
	_ =	sdelay $0x2  }
0xcb: {  	s31 =	sshll.u32 s1, $0xD;
	s1 =	sshrl.u32 s1, $0x2  }
0xcc: {  	s4 =	sand.u32 $0x4000, s31;
	s1 =	sadd.s32 s1, s30  }
0xcd: {  	s0 =	sor.u32 s4, s0;
	s1 =	sshll.u32 s1, $0x11  }
0xce: {  	s0 =	sor.u32 s1, s0  }
0xcf: {  	s0 =	sadd.s32 $0x8F2B, s0  }
0xd0: {  	[sflag:s0] =	ssyncadd.remote.s32 $0x1  }
0xd1: {  	_ =	sfence.sel $0xFFFF  }
0xd2: {  	[dreg:$0x0] =	wrdreg $0xFFFFFFFF;
	(pc) =	sbr.abs _section_cstart, $3  }
0xd3: {  	[dreg:$0x1] =	wrdreg $0xFFFFFFFF  }
0xd4: {  	_ =	task.clear_ibuf [dreg:s22], $0x2FFFF;
	_ =	strace $0x9FFFFFFF  }
0xd5: {  	(tm) =	ssettm $0x7FFFFFFF  }
tec
execute0_lowered:
.L_overlay_start_1:
0x0: {  	(tag) =	ssettag $0x1  }
0x1: {  	s0 =	rddreg [dreg:$0x0]  }
0x2: {  	s1 =	rddreg [dreg:$0x1]  }
0x3: {  	s2 =	rddreg [dreg:$0x2]  }
0x4: {  	s3 =	rddreg [dreg:$0x3]  }
0x5: {  	s5 =	rddreg [dreg:$0x4]  }
0x6: {  	s6 =	simm.s32 $0x0;
	s4 =	srdreg.scid;
	s16 =	stileid.u32  }
0x7: {  	s28 =	simm.s32 $0x1AF80;
	s29 =	simm.s32 $0x1B000;
	s30 =	simm.s32 $0x10  }
0x8: {  	s31 =	simm.s32 $0x1B180;
	[smem:$0x7FF] =	sst s6;
	s4 =	sand.u32 $0x1, s4  }
0x9: {  	s8 =	smul.u32 $0x2800, s16;
	s7 =	sadd.s32 $0xD2A00, s0;
	s10 =	sadd.s32 $0xFA200, s0  }
0xa: {  	s20 =	sadd.s32 $0xF9C00, s0;
	s17 =	sadd.s32 $0x53600, s0;
	s13 =	smul.u32 $0x50000, s16  }
0xb: {  	s21 =	sadd.s32 $0xFA800, s0;
	s22 =	sshll.u32 s16, $0x1;
	s14 =	smul.u32 $0xA000, s16  }
0xc: {  	s23 =	smul.u32 $0x14000, s16;
	_ =	strace $0x8000004A;
	[dreg:$0x6] =	wrdreg s10  }
0xd: {  	p0 =	seq.s32 s16, $0xF;
	s9 =	smul.u32 $0x28000, s4;
	[dreg:$0x7] =	wrdreg s20  }
0xe: {  	s11 =	ssub.s32 $0x2, s4;
	s20 =	sadd.s32 $0x12C000, s3;
	[dreg:$0x8] =	wrdreg s17  }
0xf: {  	s12 =	sshrl.u32 s11, $0x1;
	s13 =	sshrl.u32 s13, $0x2;
	s15 =	sadd.s32 s17, s8  }
0x10: {  	s14 =	sshrl.u32 s14, $0x2;
	s25 =	sshrl.u32 s8, $0x3;
	s20 =	sshrl.u32 @p0 s20, $0x3  }
0x11: {  	s9 =	sadd.s32 s8, s9;
	s11 =	ssub.s32 s11, s12;
	s12 =	sor.u32 s4, s22  }
0x12: {  	s13 =	sadd.s32 s13, s3;
	[dreg:$0x9] =	wrdreg s15;
	s4 =	smul.u32 $0x138800, s4  }
0x13: {  	s24 =	sadd.s32 s14, s5;
	s8 =	simm.s32 $0x1B100;
	s9 =	sshrl.u32 s9, $0x3  }
0x14: {  	[dreg:$0xb] =	wrdreg s24;
	s15 =	smul.u32 $0x2710, s12;
	s19 =	smax.u32 s11, $0x1  }
0x15: {  	s22 =	sshrl.u32 @!p0 s13, $0x3;
	s24 =	simm.s32 $0x1B980;
	s9 =	sadd.s32 s9, s0  }
0x16: {  	s0 =	sadd.s32 $0x78E00, s0;
	s26 =	sadd.s32 s23, s4;
	s4 =	sshrl.u32 s4, $0x3  }
0x17: {  	s23 =	simm.s32 $0x2;
	[dreg:$0xa] =	wrdreg s0;
	s0 =	sadd.s32 s17, s25  }
0x18: {  	s4 =	sadd.s32 s21, s4;
	s18 =	sadd.s32 $0x148A00, s9;
	s25 =	simm.s32 $0x16080  }
0x19: {  	v0 =	vimm.f32 $0.0e+00;
	v1 =	vlaneseq.u32;
	s9 =	simm.s32 $0x0;
	[dreg:$0xc] =	wrdreg s0;
	s0 =	sshrl.u32 s26, $0x3  }
0x1a: {  	v2 =	vimm.s32 $0x0;
	v3 =	vmul.u32 $0x81, v1;
	v4 =	vor.u32 $0x10, v1;
	s17 =	sadd.s32 $0x25800, s4;
	s26 =	simm.s32 $0x18800;
	s0 =	sadd.s32 s21, s0  }
0x1b: {  	v5 =	vor.u32 $0x20, v1;
	v6 =	vor.u32 $0x30, v1;
	v7 =	vor.u32 $0x40, v1;
	s4 =	simm.s32 $0x1B080;
	[dreg:$0xd] =	wrdreg s0;
	s0 =	sshll.u32 @!p0 s16, $0x6  }
0x1c: {  	v8 =	vor.u32 $0x50, v1;
	v9 =	vor.u32 $0x60, v1;
	v10 =	vor.u32 $0x70, v1;
	s16 =	simm.s32 $0x0;
	s21 =	sor.u32 @!p0 $0x1C02, s0;
	s0 =	simm.s32 $0x1  }
.LBB2_1:
0x1d: {  	s10 =	simm.s32 @p0 $0x1FC2;
	s11 =	rddreg [dreg:$0xa]  }
0x1e: {  	[spmem:s20], [sflag:s10] =	dma.local @p0 [hbm:s11], $0x1900  }
0x1f: {  	s10 =	simm.s32 @p0 $0x2  }
0x20: {  	_ =	swait.ge @p0 [sflag:s10], $0x1900  }
0x21: {  	[sflag:s10] =	ssyncset.done @p0 $0x0  }
0x22: {  	[sflag:s10] =	ssyncadd.s32 @p0 $0xFFFFE700;
	s10 =	rddreg [dreg:$0x9]  }
0x23: {  	[spmem:s22], [sflag:s21] =	dma.local @!p0 [hbm:s10], $0x2800  }
0x24: {  	s14 =	stileid.u32;
	s10 =	simm.s32 @!p0 $0x2  }
0x25: {  	s11 =	sshll.u32 s14, $0x6;
	_ =	swait.ge @!p0 [sflag:s10], $0x2800  }
0x26: {  	s11 =	sor.u32 $0x1C02, s11;
	[sflag:s10] =	ssyncset.done @!p0 $0x0;
	s12 =	rddreg [dreg:$0xb]  }
0x27: {  	s13 =	rddreg [dreg:$0xc];
	[sflag:s10] =	ssyncadd.s32 @!p0 $0xFFFFD800;
	s12 =	sshrl.u32 s12, $0x3  }
0x28: {  	[spmem:s12], [sflag:s11] =	dma.local [hbm:s13], $0x500  }
0x29: {  	_ =	swait.ge [sflag:s23], $0x500  }
0x2a: {  	[sflag:s23] =	ssyncset.done $0x0  }
0x2b: {  	s14 =	rddreg [dreg:$0x8];
	[sflag:s23] =	ssyncadd.s32 $0xFFFFFB00  }
0x2c: {  	[tilespmem:s24], [sflag:$0x2] =	stream.linear.gather [hbm4b:s14+s6], $0x800, $0x38;
	[tilespmem:$0x1C180] =	vst v63  }
0x2d: {  	_ =	swait.ge [sflag:s23], $0x800  }
0x2e: {  	[sflag:s23] =	ssyncset.done $0x0  }
0x2f: {  	s13 =	rddreg [dreg:$0x6];
	[sflag:s23] =	ssyncadd.s32 $0xFFFFF800  }
0x30: {  	[tilespmem:s25], [sflag:$0x2] =	stream.linear.gather [hbm4b:s13+s6], $0x2780, $0x38;
	[tilespmem:$0x1C180] =	vst v63  }
0x31: {  	_ =	swait.ge [sflag:s23], $0x2780  }
0x32: {  	[sflag:s23] =	ssyncset.done $0x0  }
0x33: {  	s14 =	rddreg [dreg:$0x7];
	[sflag:s23] =	ssyncadd.s32 $0xFFFFD880  }
0x34: {  	[tilespmem:s26], [sflag:$0x2] =	stream.linear.gather [hbm4b:s14+s6], $0x2780, $0x38;
	[tilespmem:$0x1C180] =	vst v63  }
0x35: {  	_ =	swait.ge [sflag:s23], $0x2780  }
0x36: {  	[sflag:s23] =	ssyncset.done $0x0  }
0x37: {  	[sflag:s23] =	ssyncadd.s32 $0xFFFFD880  }
0x38: {  	s13 =	simm.s32 $0x0;
	[bflag:$0x0] =	sbarrier.arrive $0xFFFF  }
.LBB2_2:
0x39: {  	s10 =	sshll.u32 s13, $0x4  }
0x3a: {  	s10 =	sadd.s32 s15, s10  }
0x3b: {  	s10 =	sshrl.u32 s10, $0x3  }
0x3c: {  	s14 =	sadd.s32 s1, s10  }
0x3d: {  	[tilespmem:s28], [sflag:$0x2] =	stream.linear.gather [hbm4b:s14+s16], $0x10, $0x38;
	[tilespmem:$0x1C180] =	vst v63  }
0x3e: {  	_ =	swait.ge [sflag:s23], $0x10  }
0x3f: {  	[sflag:s23] =	ssyncset.done $0x0  }
0x40: {  	s10 =	sadd.s32 s2, s10;
	[sflag:s23] =	ssyncadd.s32 $0xFFFFFFF0  }
0x41: {  	[tilespmem:s29], [sflag:$0x2] =	stream.linear.gather [hbm4b:s10+s16], $0x10, $0x38;
	[tilespmem:$0x1C180] =	vst v63  }
0x42: {  	_ =	swait.ge [sflag:s23], $0x10  }
0x43: {  	[sflag:s23] =	ssyncset.done $0x0  }
0x44: {  	[sflag:s23] =	ssyncadd.s32 $0xFFFFFFF0  }
0x45: {  	[tilespmem:s31], [sflag:$0x1] =	stream.indirect.gather [hbm4b:s7+s30], $0x80, s28, s30, $0xb8;
	[tilespmem:$0x1C180] =	vst v63  }
0x46: {  	_ =	swait.ge [sflag:s0], $0x800  }
0x47: {  	[sflag:s0] =	ssyncset.done $0x0  }
0x48: {  	[sflag:s0] =	ssyncadd.s32 $0xFFFFF800  }
0x49: {  	v11 =	vld [tilespmem:$0x1B000]  }
0x4a: {  	v12 =	vld [tilespmem:$0x1AF80];
	_ =	sdelay $0x6  }
0x4b: {  	v13 =	vld.idx.msk [tilespmem:v11+s25+$0x0], $0xffff  }
0x4c: {  	v12 =	vld.idx.msk [tilespmem:v12+s26+$0x0], $0xffff;
	_ =	sdelay $0x4  }
0x4d: {  	v12 =	vadd.f32 v12, v13;
	_ =	sdelay $0x1  }
0x4e: {  	v13 =	vmul.f32 $2.000000030e-01, v12  }
0x4f: {  	vm0 =	vgt.f32 v12, $0.0e+00  }
0x50: {  	v12 =	vsel vm0, v12, v13  }
0x51: {  	v12 =	vmul.f32 $1.442695020e+00, v12  }
0x52: {  	v13 =	vshra.s32 v11, $0x1F  }
0x53: {  	(erf) = vpow2.f32 v12;
	v12 =	vshrl.u32 v13, $0x1D  }
0x54: {  	v12 =	vadd.s32 v12, v11  }
0x55: {  	v12 =	vshra.s32 v12, $0x3  }
0x56: {  	v13 =	vshll.u32 v12, $0x3  }
0x57: {  	v14 =	vsub.s32 v11, v13  }
0x58: {  	v14 =	vshll.u32 v14, $0x4  }
0x59: {  	vm15 =	vlt.s32 v11, $0x1;
	vm1 =	vne.s32 v11, v13;
	v14 =	vand.u32 $0x70, v14  }
0x5a: {  	vm0 =	vmand vm15, vm1;
	v11 =	vor.u32 v3, v14  }
0x5b: {  	v14 =	vsel vm0, $0xFFFFFFFF, v2  }
0x5c: {  	v12 =	vadd.s32 v14, v12  }
0x5d: {  	v13 =	vpop (erf);
	[tilespmem:$0x1B080] =	vst v12  }
0x5e: {  	[tilespmem:$0x1B100] =	vst v13  }
0x5f: {  	[tilespmem:v11+s24+$0x0] =	vst.idx.msk $0xffff, v13  }
0x60: {  	[spmem:s5] =	stream.indirect.scatter.add.f32 [tilespmem:s24], [sflag:$0x2], $0x80, s4, s30, $0xb8;
	[tilespmem:$0x1C180] =	vst v63  }
0x61: {  	_ =	swait.ge [sflag:s23], $0x800  }
0x62: {  	[sflag:s23] =	ssyncset.done $0x0  }
0x63: {  	[sflag:s23] =	ssyncadd.s32 $0xFFFFF800  }
0x64: {  	v11 =	vld [tilespmem:$0x1B000];
	_ =	sdelay $0x4  }
0x65: {  	v11 =	vshll.u32 v11, $0x4  }
0x66: {  	v11 =	vand.u32 $0x70, v11  }
0x67: {  	v12 =	vmov s16;
	v11 =	vor.u32 v3, v11  }
0x68: {  	v13 =	vshll.u32 v12, $0x7  }
0x69: {  	v14 =	vor.u32 v1, v13;
	_ =	sdelay $0x2  }
0x6a: {  	[tilespmem:v11+s24+$0x0] =	vst.idx.msk $0xffff, v0  }
0x6b: {  	v15 =	vld.idx.msk [tilespmem:v12+s8+$0x0], $0xffff  }
0x6c: {  	v11 =	vld.idx.msk [tilespmem:v14+s31+$0x0], $0xffff;
	_ =	sdelay $0x2  }
0x6d: {  	v12 =	vor.u32 v4, v13;
	_ =	sdelay $0x1  }
0x6e: {  	v11 =	vmul.f32 v11, v15;
	_ =	sdelay $0x1  }
0x6f: {  	[tilespmem:v14+s31+$0x0] =	vst.idx.msk $0xffff, v11  }
0x70: {  	v11 =	vld.idx.msk [tilespmem:v12+s31+$0x0], $0xffff;
	_ =	sdelay $0x2  }
0x71: {  	v14 =	vor.u32 v5, v13;
	_ =	sdelay $0x1  }
0x72: {  	v11 =	vmul.f32 v11, v15;
	_ =	sdelay $0x1  }
0x73: {  	[tilespmem:v12+s31+$0x0] =	vst.idx.msk $0xffff, v11  }
0x74: {  	v11 =	vld.idx.msk [tilespmem:v14+s31+$0x0], $0xffff;
	_ =	sdelay $0x2  }
0x75: {  	v12 =	vor.u32 v6, v13;
	_ =	sdelay $0x1  }
0x76: {  	v11 =	vmul.f32 v11, v15;
	_ =	sdelay $0x1  }
0x77: {  	[tilespmem:v14+s31+$0x0] =	vst.idx.msk $0xffff, v11  }
0x78: {  	v11 =	vld.idx.msk [tilespmem:v12+s31+$0x0], $0xffff;
	_ =	sdelay $0x2  }
0x79: {  	v14 =	vor.u32 v7, v13;
	_ =	sdelay $0x1  }
0x7a: {  	v11 =	vmul.f32 v11, v15;
	_ =	sdelay $0x1  }
0x7b: {  	[tilespmem:v12+s31+$0x0] =	vst.idx.msk $0xffff, v11  }
0x7c: {  	v11 =	vld.idx.msk [tilespmem:v14+s31+$0x0], $0xffff;
	_ =	sdelay $0x2  }
0x7d: {  	v12 =	vor.u32 v8, v13;
	_ =	sdelay $0x1  }
0x7e: {  	v11 =	vmul.f32 v11, v15;
	_ =	sdelay $0x1  }
0x7f: {  	[tilespmem:v14+s31+$0x0] =	vst.idx.msk $0xffff, v11  }
0x80: {  	v11 =	vld.idx.msk [tilespmem:v12+s31+$0x0], $0xffff;
	_ =	sdelay $0x2  }
0x81: {  	v14 =	vor.u32 v9, v13;
	_ =	sdelay $0x1  }
0x82: {  	v11 =	vmul.f32 v11, v15;
	_ =	sdelay $0x1  }
0x83: {  	[tilespmem:v12+s31+$0x0] =	vst.idx.msk $0xffff, v11  }
0x84: {  	v11 =	vld.idx.msk [tilespmem:v14+s31+$0x0], $0xffff;
	_ =	sdelay $0x2  }
0x85: {  	v12 =	vor.u32 v10, v13;
	_ =	sdelay $0x1  }
0x86: {  	v11 =	vmul.f32 v11, v15;
	_ =	sdelay $0x1  }
0x87: {  	[tilespmem:v14+s31+$0x0] =	vst.idx.msk $0xffff, v11  }
0x88: {  	v16 =	vld.idx.msk [tilespmem:v12+s31+$0x0], $0xffff  }
0x89: {  	s14 =	simm.s32 $0x1  }
0x8a: {  	v14 =	vmov s14  }
0x8b: {  	v11 =	vshll.u32 v14, $0x7  }
0x8c: {  	v13 =	vor.u32 v1, v11  }
0x8d: {  	s14 =	simm.s32 $0x2;
	v15 =	vmul.f32 v16, v15  }
.LBB2_3:
0x8e: {  	_ = 	snop  }
0x8f: {  	p1 =	sne.s32 s14, $0xF;
	s10 =	smov.u32 s14;
	s14 =	sadd.s32 $0x1, s14;
	[tilespmem:v12+s31+$0x0] =	vst.idx.msk $0xffff, v15  }
0x90: {  	v15 =	vld.idx.msk [tilespmem:v14+s8+$0x0], $0xffff  }
0x91: {  	v12 =	vld.idx.msk [tilespmem:v13+s31+$0x0], $0xffff;
	_ =	sdelay $0x3  }
0x92: {  	v14 =	vor.u32 v4, v11;
	_ =	sdelay $0x1  }
0x93: {  	v12 =	vmul.f32 v12, v15;
	_ =	sdelay $0x1  }
0x94: {  	[tilespmem:v13+s31+$0x0] =	vst.idx.msk $0xffff, v12  }
0x95: {  	v12 =	vld.idx.msk [tilespmem:v14+s31+$0x0], $0xffff;
	_ =	sdelay $0x3  }
0x96: {  	v13 =	vor.u32 v5, v11;
	_ =	sdelay $0x1  }
0x97: {  	v12 =	vmul.f32 v12, v15;
	_ =	sdelay $0x1  }
0x98: {  	[tilespmem:v14+s31+$0x0] =	vst.idx.msk $0xffff, v12  }
0x99: {  	v12 =	vld.idx.msk [tilespmem:v13+s31+$0x0], $0xffff;
	_ =	sdelay $0x3  }
0x9a: {  	v14 =	vor.u32 v6, v11;
	_ =	sdelay $0x1  }
0x9b: {  	v12 =	vmul.f32 v12, v15;
	_ =	sdelay $0x1  }
0x9c: {  	[tilespmem:v13+s31+$0x0] =	vst.idx.msk $0xffff, v12  }
0x9d: {  	v12 =	vld.idx.msk [tilespmem:v14+s31+$0x0], $0xffff;
	_ =	sdelay $0x3  }
0x9e: {  	v13 =	vor.u32 v7, v11;
	_ =	sdelay $0x1  }
0x9f: {  	v12 =	vmul.f32 v12, v15;
	_ =	sdelay $0x1  }
0xa0: {  	[tilespmem:v14+s31+$0x0] =	vst.idx.msk $0xffff, v12  }
0xa1: {  	v12 =	vld.idx.msk [tilespmem:v13+s31+$0x0], $0xffff;
	_ =	sdelay $0x3  }
0xa2: {  	v14 =	vor.u32 v8, v11;
	_ =	sdelay $0x1  }
0xa3: {  	v12 =	vmul.f32 v12, v15;
	_ =	sdelay $0x1  }
0xa4: {  	[tilespmem:v13+s31+$0x0] =	vst.idx.msk $0xffff, v12  }
0xa5: {  	v12 =	vld.idx.msk [tilespmem:v14+s31+$0x0], $0xffff;
	_ =	sdelay $0x3  }
0xa6: {  	v13 =	vor.u32 v9, v11;
	_ =	sdelay $0x1  }
0xa7: {  	v12 =	vmul.f32 v12, v15;
	_ =	sdelay $0x1  }
0xa8: {  	[tilespmem:v14+s31+$0x0] =	vst.idx.msk $0xffff, v12  }
0xa9: {  	v14 =	vld.idx.msk [tilespmem:v13+s31+$0x0], $0xffff;
	_ =	sdelay $0x3  }
0xaa: {  	v12 =	vor.u32 v10, v11;
	_ =	sdelay $0x1  }
0xab: {  	v11 =	vmul.f32 v14, v15;
	_ =	sdelay $0x1  }
0xac: {  	[tilespmem:v13+s31+$0x0] =	vst.idx.msk $0xffff, v11  }
0xad: {  	v16 =	vld.idx.msk [tilespmem:v12+s31+$0x0], $0xffff;
	_ =	sdelay $0x1  }
.Ltmp0:
0xae: {  	(pc) =	sbr.rel @p1 .LBB2_3-.Ltmp0, $4  }
0xaf: {  	v14 =	vmov s10  }
0xb0: {  	v11 =	vshll.u32 v14, $0x7  }
0xb1: {  	v13 =	vor.u32 v1, v11  }
0xb2: {  	v15 =	vmul.f32 v16, v15  }
0xb3: {  	_ =	sdelay $0x3  }
0xb4: {  	[tilespmem:v12+s31+$0x0] =	vst.idx.msk $0xffff, v15  }
0xb5: {  	v12 =	vld.idx.msk [tilespmem:v14+s8+$0x0], $0xffff  }
0xb6: {  	v57 =	vld.idx.msk [tilespmem:v13+s31+$0x0], $0xffff;
	_ =	sdelay $0x2  }
0xb7: {  	v58 =	vor.u32 v4, v11;
	_ =	sdelay $0x1  }
0xb8: {  	v14 =	vmul.f32 v57, v12;
	_ =	sdelay $0x1  }
0xb9: {  	[tilespmem:v13+s31+$0x0] =	vst.idx.msk $0xffff, v14  }
0xba: {  	v13 =	vld.idx.msk [tilespmem:v58+s31+$0x0], $0xffff;
	_ =	sdelay $0x2  }
0xbb: {  	v59 =	vor.u32 v5, v11;
	_ =	sdelay $0x1  }
0xbc: {  	v13 =	vmul.f32 v13, v12;
	_ =	sdelay $0x1  }
0xbd: {  	[tilespmem:v58+s31+$0x0] =	vst.idx.msk $0xffff, v13  }
0xbe: {  	v13 =	vld.idx.msk [tilespmem:v59+s31+$0x0], $0xffff;
	_ =	sdelay $0x2  }
0xbf: {  	v60 =	vor.u32 v6, v11;
	_ =	sdelay $0x1  }
0xc0: {  	v13 =	vmul.f32 v13, v12;
	_ =	sdelay $0x1  }
0xc1: {  	[tilespmem:v59+s31+$0x0] =	vst.idx.msk $0xffff, v13  }
0xc2: {  	v13 =	vld.idx.msk [tilespmem:v60+s31+$0x0], $0xffff;
	_ =	sdelay $0x2  }
0xc3: {  	v61 =	vor.u32 v7, v11;
	_ =	sdelay $0x1  }
0xc4: {  	v13 =	vmul.f32 v13, v12;
	_ =	sdelay $0x1  }
0xc5: {  	[tilespmem:v60+s31+$0x0] =	vst.idx.msk $0xffff, v13  }
0xc6: {  	v13 =	vld.idx.msk [tilespmem:v61+s31+$0x0], $0xffff;
	_ =	sdelay $0x2  }
0xc7: {  	v62 =	vor.u32 v8, v11;
	_ =	sdelay $0x1  }
0xc8: {  	v13 =	vmul.f32 v13, v12;
	_ =	sdelay $0x1  }
0xc9: {  	[tilespmem:v61+s31+$0x0] =	vst.idx.msk $0xffff, v13  }
0xca: {  	v13 =	vld.idx.msk [tilespmem:v62+s31+$0x0], $0xffff;
	_ =	sdelay $0x2  }
0xcb: {  	v63 =	vor.u32 v9, v11;
	_ =	sdelay $0x1  }
0xcc: {  	v13 =	vmul.f32 v13, v12;
	_ =	sdelay $0x1  }
0xcd: {  	[tilespmem:v62+s31+$0x0] =	vst.idx.msk $0xffff, v13  }
0xce: {  	v13 =	vld.idx.msk [tilespmem:v63+s31+$0x0], $0xffff;
	_ =	sdelay $0x2  }
0xcf: {  	v11 =	vor.u32 v10, v11;
	_ =	sdelay $0x1  }
0xd0: {  	v13 =	vmul.f32 v13, v12;
	_ =	sdelay $0x1  }
0xd1: {  	[tilespmem:v63+s31+$0x0] =	vst.idx.msk $0xffff, v13  }
0xd2: {  	v13 =	vld.idx.msk [tilespmem:v11+s31+$0x0], $0xffff;
	_ =	sdelay $0x4  }
0xd3: {  	s13 =	sadd.s32 $0x1, s13;
	v12 =	vmul.f32 v13, v12  }
0xd4: {  	p1 =	sne.s32 s13, $0x271  }
.Ltmp1:
0xd5: {  	[tilespmem:v11+s31+$0x0] =	vst.idx.msk $0xffff, v12;
	(pc) =	sbr.rel @p1 .LBB2_2-.Ltmp1, $4  }
0xd6: {  	[spmem:s3] =	stream.indirect.scatter.add.f32 [tilespmem:s31], [sflag:$0x2], $0x80, s29, s30, $0xb8;
	[tilespmem:$0x1C180] =	vst v63  }
0xd7: {  	_ =	swait.ge [sflag:s23], $0x800  }
0xd8: {  	[sflag:s23] =	ssyncset.done $0x0  }
0xd9: {  	[sflag:s23] =	ssyncadd.s32 $0xFFFFF800  }
0xda: {  	[bflag:$0x0] =	sbarrier.arrive $0xFFFF;
	s10 =	simm.s32 @p0 $0x2  }
0xdb: {  	[hbm:s17], [sflag:s11] =	dma.local @p0 [spmem:s20], $0x1900  }
0xdc: {  	_ =	swait.ge @p0 [sflag:s10], $0x1900  }
0xdd: {  	[sflag:s10] =	ssyncset.done @p0 $0x0  }
0xde: {  	[sflag:s10] =	ssyncadd.s32 @p0 $0xFFFFE700;
	s10 =	rddreg [dreg:$0xd]  }
0xdf: {  	[hbm:s10], [sflag:s11] =	dma.local @!p0 [spmem:s22], $0x2800  }
0xe0: {  	s10 =	simm.s32 @!p0 $0x2  }
0xe1: {  	s9 =	sadd.s32 $0x1, s9;
	_ =	swait.ge @!p0 [sflag:s10], $0x2800  }
0xe2: {  	p1 =	sne.s32 s9, s19;
	[sflag:s10] =	ssyncset.done @!p0 $0x0  }
.Ltmp2:
0xe3: {  	[sflag:s10] =	ssyncadd.s32 @!p0 $0xFFFFD800;
	(pc) =	sbr.rel @p1 .LBB2_1-.Ltmp2, $4  }
0xe4: {  	[hbm:s18], [sflag:s11] =	dma.local [spmem:s12], $0x500  }
0xe5: {  	_ =	swait.ge [sflag:s23], $0x500  }
0xe6: {  	[sflag:s23] =	ssyncset.done $0x0  }
0xe7: {  	[sflag:s23] =	ssyncadd.s32 $0xFFFFFB00  }
0xe8: {  	_ =	sfence.sel $0x180000  }
0xe9: {  	[bflag:$0x0] =	sbarrier.arrive $0xFFFF  }
0xea: {  	_ =	strace $0x9000004A  }
0xeb: {  	s0 =	stileid.u32;
	[bflag:$0x2] =	sbarrier.arrive $0xFFFF  }
0xec: {  	p0 =	sne.s32 s0, $0x0;
	s0 =	rddreg [dreg:$0x5]  }
0xed: {  	s0 =	sadd.s32 @!p0 $0x100000, s0  }
0xee: {  	[sflag:s0] =	ssyncadd.tile.s32 @!p0 $0x1;
	_ =	shalt  }
.Lfunc_end2:
_tile_overlayer_lowered:
.L_overlay_start_2:
0xef: {  	(tag) =	ssettag $0x2  }
0xf0: {  	s0 =	rddreg [dreg:$0x0];
	s2 =	stileid.u32  }
0xf1: {  	s1 =	rddreg [dreg:$0x1];
	p0 =	sne.s32 s2, $0x0  }
0xf2: {  	s3 =	rddreg [dreg:$0x2];
	[bflag:$0x3] =	sbarrier.arrive $0xFFFF;
	s2 =	simm.s32 @!p0 $0x1C02  }
0xf3: {  	[timem:s3], [sflag:s2] =	dma.local @!p0 [hbm:s0], s1  }
0xf4: {  	s0 =	simm.s32 @!p0 $0x2  }
0xf5: {  	_ =	swait.ge @!p0 [sflag:s0], s1  }
0xf6: {  	s1 =	ssub.s32 @!p0 $0x0, s1;
	[sflag:s0] =	ssyncset.done @!p0 $0x0  }
0xf7: {  	[sflag:s0] =	ssyncadd.s32 @!p0 s1  }
0xf8: {  	[bflag:$0x3] =	sbarrier.arrive $0xFFFF  }
0xf9: {  	_ =	shalt  }

// kernel: kernel.15.cloned.1.call-start
scs
__scs_entry_jumppad:
0x0: {  	(pc) =	sbr.rel $0x88, $3  }
0x1: {  	(tag) =	ssettag $0x0;
	lr =	simm.s32 $0x1  }
0x2: {  	[smem:$0x3F8B] =	sst lr;
	_ =	strace $0xD0000000  }
0x3: {  	_ = 	snop  }
0x4: {  	_ = 	snop  }
0x5: {  	_ = 	snop  }
0x6: {  	_ = 	snop  }
0x7: {  	_ = 	snop  }
__scs_overlays_trampoline_lowered:
0x8: {  	[smem:$0x3F9A] =	sst s0  }
0x9: {  	[smem:$0x3F9B] =	sst s1  }
0xa: {  	[smem:$0x3F9C] =	sst s2  }
0xb: {  	[smem:$0x3F9D] =	sst s3  }
0xc: {  	[smem:$0x3F9E] =	sst s4  }
0xd: {  	[smem:$0x3F9F] =	sst s5  }
0xe: {  	[smem:$0x3FA0] =	sst s6  }
0xf: {  	[smem:$0x3FA1] =	sst s7  }
0x10: {  	[smem:$0x3FA2] =	sst s8  }
0x11: {  	[smem:$0x3FA3] =	sst s9;
	s0 =	simm.s32 @!p0 $0x0  }
0x12: {  	s1 =	sld [smem:$0x3F89];
	s0 =	simm.s32 @p0 $0x1  }
0x13: {  	[smem:$0x3FA4] =	sst s0;
	s0 =	simm.s32 @!p1 $0x0  }
0x14: {  	s2 =	sld [smem:$0x3F88];
	s0 =	simm.s32 @p1 $0x1  }
0x15: {  	[smem:$0x3FA5] =	sst s0;
	s0 =	simm.s32 @!p2 $0x0  }
0x16: {  	s3 =	sld [smem:$0x3FDB];
	s0 =	simm.s32 @p2 $0x1  }
0x17: {  	s4 =	simm.s32 $0x1BF5;
	[smem:$0x3FA7] =	sst s0  }
0x18: {  	s0 =	sld [smem:$0x3F8A];
	_ =	swait.ge [sflag:s4], $0x0  }
0x19: {  	s7 =	sld [smem:$0x3F8B]  }
0x1a: {  	s8 =	sadd.s32 $0xFFFFE003, lr  }
0x1b: {  	s9 =	sadd.s32 $0xFFFFFEF7, lr;
	s5 =	simm.s32 $0xFFFFFFFF;
	p2 =	slt.u32 s8, $0xFFFFF086  }
0x1c: {  	p1 =	slt.u32 s9, $0xF7A;
	s5 =	simm.s32 @!p2 $0x0  }
0x1d: {  	s5 =	simm.s32 @p1 $0x1;
	p0 =	seq.s32 s7, s2  }
0x1e: {  	s7 =	smul.u32 @!p0 $0xF7A, s2;
	p2 =	seq.s32 @!p0 s5, $0x0  }
0x1f: {  	s9 =	smul.u32 $0xF7A, s1;
	s8 =	simm.s32 @!p0 $0x1BF5;
	p2 =	por !p2, p0  }
0x20: {  	[sflag:s8] =	ssyncset.s32 @!p0 $0xFFFFF086;
	s6 =	sadd.s32 @!p0 s3, s7;
	s7 =	simm.s32 @!p0 $0x108  }
0x21: {  	s3 =	sadd.s32 s3, s9;
	s6 =	sadd.s32 @!p0 $0x88, s6;
	s7 =	simm.s32 @p2 $0x1082  }
0x22: {  	[simem:s7], [sflag:s8] =	dma.local @!p0 [hbm:s6], $0xF7A  }
0x23: {  	s9 =	sor.u32 $0xD0000000, s2;
	s6 =	simm.s32 $0x108;
	_ =	swait.ge @!p0 [sflag:s8], $0x0  }
0x24: {  	s3 =	sadd.s32 $0x88, s3;
	s6 =	simm.s32 @!p1 $0x1082;
	[sflag:s4] =	ssyncset.s32 $0xFFFFF086  }
0x25: {  	[simem:s6], [sflag:s4] =	dma.local [hbm:s3], $0xF7A  }
0x26: {  	[smem:$0x3F8B] =	sst s1;
	(tag) =	ssettag s2;
	_ =	strace s9  }
0x27: {  	s1 =	sld [smem:$0x3F9B]  }
0x28: {  	s2 =	sld [smem:$0x3F9C]  }
0x29: {  	s4 =	sld [smem:$0x3F9E]  }
0x2a: {  	p0 =	seq.s32 s5, $0x0;
	s5 =	sld [smem:$0x3F9F]  }
0x2b: {  	s6 =	sld [smem:$0x3FA0]  }
0x2c: {  	s7 =	sld [smem:$0x3FA1]  }
0x2d: {  	s3 =	simm.s32 $0x108;
	s8 =	sld [smem:$0x3FA2]  }
0x2e: {  	s3 =	simm.s32 @!p0 $0x1082;
	s9 =	sld [smem:$0x3FA3]  }
0x2f: {  	lr =	sadd.s32 s0, s3;
	s0 =	sld [smem:$0x3F9A]  }
0x30: {  	s3 =	sld [smem:$0x3F9D]  }
0x31: {  	[smem:$0x3FA6] =	sst s10  }
0x32: {  	s10 =	sld [smem:$0x3FA4];
	_ =	sdelay $0x3  }
0x33: {  	p0 =	seq.s32 s10, $0x1;
	s10 =	sld [smem:$0x3FA6];
	_ =	sdelay $0x3  }
0x34: {  	[smem:$0x3FA6] =	sst s10  }
0x35: {  	s10 =	sld [smem:$0x3FA5];
	_ =	sdelay $0x3  }
0x36: {  	p1 =	seq.s32 s10, $0x1;
	s10 =	sld [smem:$0x3FA6];
	_ =	sdelay $0x3  }
0x37: {  	[smem:$0x3FA6] =	sst s10  }
0x38: {  	s10 =	sld [smem:$0x3FA7]  }
0x39: {  	_ = 	snop;
	(pc) =	sbr.ind lr, $3  }
0x3a: {  	_ = 	snop  }
0x3b: {  	_ = 	snop  }
0x3c: {  	p2 =	seq.s32 s10, $0x1;
	s10 =	sld [smem:$0x3FA6]  }
0x3d: {  	_ =	shalt  }
0x3e: {  	_ =	shalt  }
0x3f: {  	_ =	shalt  }
0x40: {  	_ =	shalt  }
0x41: {  	_ =	shalt  }
0x42: {  	_ =	shalt  }
0x43: {  	_ =	shalt  }
0x44: {  	_ =	shalt  }
0x45: {  	_ =	shalt  }
0x46: {  	_ =	shalt  }
0x47: {  	_ =	shalt  }
0x48: {  	_ =	shalt  }
0x49: {  	_ =	shalt  }
0x4a: {  	_ =	shalt  }
0x4b: {  	_ =	shalt  }
0x4c: {  	_ =	shalt  }
0x4d: {  	_ =	shalt  }
0x4e: {  	_ =	shalt  }
0x4f: {  	_ =	shalt  }
0x50: {  	_ =	shalt  }
0x51: {  	_ =	shalt  }
0x52: {  	_ =	shalt  }
0x53: {  	_ =	shalt  }
0x54: {  	_ =	shalt  }
0x55: {  	_ =	shalt  }
0x56: {  	_ =	shalt  }
0x57: {  	_ =	shalt  }
0x58: {  	_ =	shalt  }
0x59: {  	_ =	shalt  }
0x5a: {  	_ =	shalt  }
0x5b: {  	_ =	shalt  }
0x5c: {  	_ =	shalt  }
0x5d: {  	_ =	shalt  }
0x5e: {  	_ =	shalt  }
0x5f: {  	_ =	shalt  }
0x60: {  	_ =	shalt  }
0x61: {  	_ =	shalt  }
0x62: {  	_ =	shalt  }
0x63: {  	_ =	shalt  }
0x64: {  	_ =	shalt  }
0x65: {  	_ =	shalt  }
0x66: {  	_ =	shalt  }
0x67: {  	_ =	shalt  }
0x68: {  	_ =	shalt  }
0x69: {  	_ =	shalt  }
0x6a: {  	_ =	shalt  }
0x6b: {  	_ =	shalt  }
0x6c: {  	_ =	shalt  }
0x6d: {  	_ =	shalt  }
0x6e: {  	_ =	shalt  }
0x6f: {  	_ =	shalt  }
0x70: {  	_ =	shalt  }
0x71: {  	_ =	shalt  }
0x72: {  	_ =	shalt  }
0x73: {  	_ =	shalt  }
0x74: {  	_ =	shalt  }
0x75: {  	_ =	shalt  }
0x76: {  	_ =	shalt  }
0x77: {  	_ =	shalt  }
0x78: {  	_ =	shalt  }
0x79: {  	_ =	shalt  }
0x7a: {  	_ =	shalt  }
0x7b: {  	_ =	shalt  }
0x7c: {  	_ =	shalt  }
0x7d: {  	_ =	shalt  }
0x7e: {  	_ =	shalt  }
0x7f: {  	_ =	shalt  }
0x80: {  	_ =	shalt  }
0x81: {  	_ =	shalt  }
0x82: {  	_ =	shalt  }
0x83: {  	_ =	shalt  }
0x84: {  	_ =	shalt  }
0x85: {  	_ =	shalt  }
0x86: {  	_ =	shalt  }
0x87: {  	_ =	shalt  }
.Lfunc_end0:
.L_simem_size_0:
called_computation.1_lowered:
.L_overlay_start_0:
0x88: {  	s2 =	sld [smem:$0x3FD9]  }
0x89: {  	s3 =	sld [smem:$0x3FFE];
	_ =	sdelay $0x1  }
0x8a: {  	s1 =	srdreg.scid  }
0x8b: {  	s0 =	sand.u32 $0x1, s1  }
0x8c: {  	s17 =	sshll.u32 s0, $0xA;
	s2 =	sadd.s32 s3, s2  }
0x8d: {  	s2 =	sadd.s32 s2, s17  }
0x8e: {  	[smem:$0x3FB2] =	sst s2  }
0x8f: {  	_ = 	snop  }
0x90: {  	s18 =	sld [smem:$0x3FC5]  }
0x91: {  	s4 =	sld [smem:$0x3FC4]  }
0x92: {  	s5 =	sld [smem:$0x3FD0];
	(tm) =	ssettm $0x1  }
0x93: {  	s19 =	sld [smem:$0x3FFB];
	_ =	sdelay $0x3  }
0x94: {  	_ =	strace s19  }
0x95: {  	s2 =	sld [smem:$0x3FFC];
	_ =	sdelay $0x3  }
0x96: {  	_ =	strace s2  }
0x97: {  	s2 =	sld [smem:$0x3FFD];
	_ =	sdelay $0x3  }
0x98: {  	_ =	strace s2  }
0x99: {  	_ =	strace $0x8FFFFFFF  }
0x9a: {  	s20 =	sld [smem:$0x3FDB];
	_ =	sdelay $0x1  }
0x9b: {  	s6 =	simm.s32 $_scs_section_size  }
0x9c: {  	s7 =	simm.s32 $_size__tile_overlayer_lowered;
	s8 =	simm.s32 $_tile_overlayer_lowered  }
0x9d: {  	s9 =	simm.s32 $0x1BFF;
	s21 =	sshll.u32 s8, $0x1;
	s6 =	sadd.s32 s6, s20  }
0x9e: {  	s22 =	simm.s32 $0x0;
	s7 =	sshll.u32 s7, $0x1;
	s8 =	sadd.s32 s21, s6  }
0x9f: {  	[timem:s22], [sflag:s9] =	dma.local [hbm:s8], s7  }
0xa0: {  	_ =	swait.ge [sflag:s9], s7  }
0xa1: {  	s7 =	ssub.s32 $0x0, s7;
	[sflag:s9] =	ssyncset.done $0x0  }
0xa2: {  	[sflag:s9] =	ssyncadd.s32 s7;
	_ =	sdelay $0x1  }
0xa3: {  	s23 =	simm.s32 $0x1B8B  }
0xa4: {  	_ =	swait.ge [sflag:s23], $0x1  }
0xa5: {  	[sflag:s23] =	ssyncset.done $0x0  }
0xa6: {  	[sflag:s23] =	ssyncadd.s32 $0xFFFFFFFF  }
0xa7: {  	s7 =	sld [smem:$0x0]  }
0xa8: {  	s8 =	sand.u32 $0xFFFFFFFE, s1  }
0xa9: {  	p0 =	sne.s32 s1, s8  }
0xaa: {  	s8 =	sshll.u32 @p0 s8, $0xE  }
0xab: {  	s8 =	sadd.s32 @p0 $0x11B8D, s8;
	s9 =	sshll.u32 @p0 s7, $0x11  }
0xac: {  	s8 =	sor.u32 @p0 s9, s8  }
0xad: {  	[sflag:s8] =	ssyncadd.remote.s32 @p0 $0x1;
	_ =	sdelay $0x1  }
0xae: {  	s8 =	simm.s32 @p0 $0x1B8D  }
0xaf: {  	_ =	swait.eq @p0 [sflag:s8], $0x1  }
0xb0: {  	[sflag:s8] =	ssyncadd.s32 @p0 $0xFFFFFFFF  }
0xb1: {  	s9 =	sshll.u32 @!p0 s1, $0xE  }
0xb2: {  	s9 =	sor.u32 @!p0 $0x4000, s9;
	s8 =	simm.s32 @!p0 $0x1B8D  }
0xb3: {  	s7 =	sshll.u32 @!p0 s7, $0x11;
	s9 =	sadd.s32 @!p0 $0x11B8D, s9;
	_ =	swait.eq @!p0 [sflag:s8], $0x1  }
0xb4: {  	s7 =	sor.u32 @!p0 s7, s9;
	[sflag:s8] =	ssyncadd.s32 @!p0 $0xFFFFFFFF  }
0xb5: {  	s25 =	simm.s32 $0x1B8E;
	s24 =	sld [smem:$0x3FFE];
	[sflag:s7] =	ssyncadd.remote.s32 @!p0 $0x1  }
0xb6: {  	s26 =	simm.s32 $execute0_lowered;
	[smem:$0x3FD2] =	sst s25  }
0xb7: {  	s8 =	sshll.u32 s26, $0x1;
	_ =	strace $0x8000004F;
	[dreg:$0x1] =	wrdreg $0xFFFFFFFF  }
0xb8: {  	s28 =	simm.s32 $_size_execute0_lowered;
	s6 =	sadd.s32 s6, s8;
	[dreg:$0x0] =	wrdreg $0x0  }
0xb9: {  	s8 =	sshll.u32 s28, $0x1;
	[dreg:$0x2] =	wrdreg s6  }
0xba: {  	[dreg:$0x3] =	wrdreg s8  }
0xbb: {  	[dreg:$0x4] =	wrdreg $0xC0  }
0xbc: {  	_ =	task [dreg:s22], $0x5FFFF  }
0xbd: {  	[dreg:$0x1] =	wrdreg $0xFFFFFFFF  }
0xbe: {  	[dreg:$0x0] =	wrdreg $0x60  }
0xbf: {  	[dreg:$0x2] =	wrdreg s24  }
0xc0: {  	[dreg:$0x3] =	wrdreg s18  }
0xc1: {  	[dreg:$0x4] =	wrdreg s4  }
0xc2: {  	[dreg:$0x5] =	wrdreg s5  }
0xc3: {  	[dreg:$0x6] =	wrdreg $0x0  }
0xc4: {  	[dreg:$0x7] =	wrdreg $0x138800  }
0xc5: {  	[dreg:$0x8] =	wrdreg $0xA  }
0xc6: {  	_ =	task.clear_ibuf [dreg:s22], $0x9FFFF;
	_ =	strace $0x9000004F  }
0xc7: {  	s29 =	simm.s32 $0xA;
	_ =	strace $0x80000051  }
0xc8: {  	_ =	swait.ge [sflag:s29], $0x1  }
0xc9: {  	[sflag:s29] =	ssyncadd.s32 $0xFFFFFFFF  }
0xca: {  	_ =	strace $0x90000051  }
0xcb: {  	_ =	sfence  }
0xcc: {  	s30 =	sld [smem:$0x0];
	_ =	sdelay $0x2  }
0xcd: {  	s31 =	sshll.u32 s1, $0xD;
	s1 =	sshrl.u32 s1, $0x2  }
0xce: {  	s4 =	sand.u32 $0x4000, s31;
	s1 =	sadd.s32 s1, s30  }
0xcf: {  	s0 =	sor.u32 s4, s0;
	s1 =	sshll.u32 s1, $0x11  }
0xd0: {  	s0 =	sor.u32 s1, s0  }
0xd1: {  	s0 =	sadd.s32 $0x8F2B, s0  }
0xd2: {  	[sflag:s0] =	ssyncadd.remote.s32 $0x1  }
0xd3: {  	_ =	sfence.sel $0xFFFF  }
0xd4: {  	[dreg:$0x0] =	wrdreg $0xFFFFFFFF;
	(pc) =	sbr.abs _section_cstart, $3  }
0xd5: {  	[dreg:$0x1] =	wrdreg $0xFFFFFFFF  }
0xd6: {  	_ =	task.clear_ibuf [dreg:s22], $0x2FFFF;
	_ =	strace $0x9FFFFFFF  }
0xd7: {  	(tm) =	ssettm $0x7FFFFFFF  }
tec
execute0_lowered:
.L_overlay_start_1:
0x0: {  	(tag) =	ssettag $0x1  }
0x1: {  	s0 =	rddreg [dreg:$0x0]  }
0x2: {  	s1 =	rddreg [dreg:$0x1]  }
0x3: {  	s2 =	rddreg [dreg:$0x2]  }
0x4: {  	s5 =	rddreg [dreg:$0x3]  }
0x5: {  	s3 =	rddreg [dreg:$0x4]  }
0x6: {  	s4 =	rddreg [dreg:$0x5];
	s6 =	simm.s32 $0x0;
	s7 =	srdreg.scid  }
0x7: {  	s16 =	stileid.u32;
	s28 =	simm.s32 $0x1AF80;
	s29 =	simm.s32 $0x1B000  }
0x8: {  	s30 =	simm.s32 $0x10;
	s31 =	simm.s32 $0x1B180;
	s9 =	smul.u32 $0x2800, s16  }
0x9: {  	s8 =	sand.u32 $0x1, s7;
	s7 =	sadd.s32 $0x1AAC00, s0;
	s11 =	sadd.s32 $0x1D2400, s0  }
0xa: {  	[smem:$0x7FF] =	sst s6;
	s20 =	sadd.s32 $0x1D1E00, s0;
	s13 =	smul.u32 $0x50000, s16  }
0xb: {  	s17 =	sadd.s32 $0x53600, s0;
	s22 =	sshll.u32 s16, $0x1;
	s14 =	smul.u32 $0xA000, s16  }
0xc: {  	s23 =	smul.u32 $0x14000, s16;
	_ =	strace $0x80000050;
	[dreg:$0x7] =	wrdreg s11  }
0xd: {  	p0 =	seq.s32 s16, $0xF;
	s10 =	smul.u32 $0x28000, s8;
	[dreg:$0x8] =	wrdreg s20  }
0xe: {  	s21 =	ssub.s32 $0x2, s8;
	s20 =	sadd.s32 $0x12C000, s3;
	[dreg:$0x9] =	wrdreg s17  }
0xf: {  	s12 =	sshrl.u32 s21, $0x1;
	s13 =	sshrl.u32 s13, $0x2;
	s15 =	sadd.s32 s17, s9  }
0x10: {  	s14 =	sshrl.u32 s14, $0x2;
	s25 =	sshrl.u32 s9, $0x3;
	s20 =	sshrl.u32 @p0 s20, $0x3  }
0x11: {  	s10 =	sadd.s32 s9, s10;
	s11 =	ssub.s32 s21, s12;
	s12 =	sor.u32 s8, s22  }
0x12: {  	s13 =	sadd.s32 s13, s3;
	[dreg:$0xa] =	wrdreg s15;
	s8 =	smul.u32 $0x138800, s8  }
0x13: {  	s24 =	sadd.s32 s14, s4;
	s9 =	simm.s32 $0x0;
	s10 =	sshrl.u32 s10, $0x3  }
0x14: {  	[dreg:$0xc] =	wrdreg s24;
	s15 =	smul.u32 $0x2710, s12;
	s19 =	smax.u32 s11, $0x1  }
0x15: {  	s22 =	sshrl.u32 @!p0 s13, $0x3;
	s24 =	simm.s32 $0x1B980;
	s10 =	sadd.s32 s10, s0  }
0x16: {  	s0 =	sadd.s32 $0x78E00, s0;
	s26 =	sadd.s32 s23, s8;
	s8 =	sshrl.u32 s8, $0x3  }
0x17: {  	s23 =	simm.s32 $0x2;
	[dreg:$0xb] =	wrdreg s0;
	s0 =	sadd.s32 s17, s25  }
0x18: {  	s8 =	sadd.s32 s5, s8;
	s18 =	sadd.s32 $0x1D2A00, s10;
	s25 =	simm.s32 $0x16080  }
0x19: {  	v0 =	vimm.f32 $0.0e+00;
	v1 =	vlaneseq.u32;
	[dreg:$0xd] =	wrdreg s0;
	s0 =	sshrl.u32 s26, $0x3;
	s17 =	sadd.s32 $0x25800, s8  }
0x1a: {  	v2 =	vimm.s32 $0x0;
	v3 =	vmul.u32 $0x81, v1;
	v4 =	vor.u32 $0x10, v1;
	s26 =	simm.s32 $0x18800;
	s8 =	simm.s32 $0x1B100;
	s0 =	sadd.s32 s5, s0  }
0x1b: {  	v5 =	vor.u32 $0x20, v1;
	v6 =	vor.u32 $0x30, v1;
	v7 =	vor.u32 $0x40, v1;
	s5 =	simm.s32 $0x1B080;
	[dreg:$0xe] =	wrdreg s0;
	s0 =	sshll.u32 @!p0 s16, $0x6  }
0x1c: {  	v8 =	vor.u32 $0x50, v1;
	v9 =	vor.u32 $0x60, v1;
	v10 =	vor.u32 $0x70, v1;
	s16 =	simm.s32 $0x0;
	s21 =	sor.u32 @!p0 $0x1C02, s0;
	s0 =	simm.s32 $0x1  }
.LBB2_1:
0x1d: {  	s10 =	simm.s32 @p0 $0x1FC2;
	s11 =	rddreg [dreg:$0xb]  }
0x1e: {  	[spmem:s20], [sflag:s10] =	dma.local @p0 [hbm:s11], $0x1900  }
0x1f: {  	s10 =	simm.s32 @p0 $0x2  }
0x20: {  	_ =	swait.ge @p0 [sflag:s10], $0x1900  }
0x21: {  	[sflag:s10] =	ssyncset.done @p0 $0x0  }
0x22: {  	[sflag:s10] =	ssyncadd.s32 @p0 $0xFFFFE700;
	s10 =	rddreg [dreg:$0xa]  }
0x23: {  	[spmem:s22], [sflag:s21] =	dma.local @!p0 [hbm:s10], $0x2800  }
0x24: {  	s14 =	stileid.u32;
	s10 =	simm.s32 @!p0 $0x2  }
0x25: {  	s11 =	sshll.u32 s14, $0x6;
	_ =	swait.ge @!p0 [sflag:s10], $0x2800  }
0x26: {  	s11 =	sor.u32 $0x1C02, s11;
	[sflag:s10] =	ssyncset.done @!p0 $0x0;
	s12 =	rddreg [dreg:$0xc]  }
0x27: {  	s13 =	rddreg [dreg:$0xd];
	[sflag:s10] =	ssyncadd.s32 @!p0 $0xFFFFD800;
	s12 =	sshrl.u32 s12, $0x3  }
0x28: {  	[spmem:s12], [sflag:s11] =	dma.local [hbm:s13], $0x500  }
0x29: {  	_ =	swait.ge [sflag:s23], $0x500  }
0x2a: {  	[sflag:s23] =	ssyncset.done $0x0  }
0x2b: {  	s14 =	rddreg [dreg:$0x9];
	[sflag:s23] =	ssyncadd.s32 $0xFFFFFB00  }
0x2c: {  	[tilespmem:s24], [sflag:$0x2] =	stream.linear.gather [hbm4b:s14+s6], $0x800, $0x38;
	[tilespmem:$0x1C180] =	vst v63  }
0x2d: {  	_ =	swait.ge [sflag:s23], $0x800  }
0x2e: {  	[sflag:s23] =	ssyncset.done $0x0  }
0x2f: {  	s13 =	rddreg [dreg:$0x7];
	[sflag:s23] =	ssyncadd.s32 $0xFFFFF800  }
0x30: {  	[tilespmem:s25], [sflag:$0x2] =	stream.linear.gather [hbm4b:s13+s6], $0x2780, $0x38;
	[tilespmem:$0x1C180] =	vst v63  }
0x31: {  	_ =	swait.ge [sflag:s23], $0x2780  }
0x32: {  	[sflag:s23] =	ssyncset.done $0x0  }
0x33: {  	s14 =	rddreg [dreg:$0x8];
	[sflag:s23] =	ssyncadd.s32 $0xFFFFD880  }
0x34: {  	[tilespmem:s26], [sflag:$0x2] =	stream.linear.gather [hbm4b:s14+s6], $0x2780, $0x38;
	[tilespmem:$0x1C180] =	vst v63  }
0x35: {  	_ =	swait.ge [sflag:s23], $0x2780  }
0x36: {  	[sflag:s23] =	ssyncset.done $0x0  }
0x37: {  	[sflag:s23] =	ssyncadd.s32 $0xFFFFD880  }
0x38: {  	s13 =	simm.s32 $0x0;
	[bflag:$0x0] =	sbarrier.arrive $0xFFFF  }
.LBB2_2:
0x39: {  	s10 =	sshll.u32 s13, $0x4  }
0x3a: {  	s10 =	sadd.s32 s15, s10  }
0x3b: {  	s10 =	sshrl.u32 s10, $0x3  }
0x3c: {  	s14 =	sadd.s32 s1, s10  }
0x3d: {  	[tilespmem:s28], [sflag:$0x2] =	stream.linear.gather [hbm4b:s14+s16], $0x10, $0x38;
	[tilespmem:$0x1C180] =	vst v63  }
0x3e: {  	_ =	swait.ge [sflag:s23], $0x10  }
0x3f: {  	[sflag:s23] =	ssyncset.done $0x0  }
0x40: {  	s10 =	sadd.s32 s2, s10;
	[sflag:s23] =	ssyncadd.s32 $0xFFFFFFF0  }
0x41: {  	[tilespmem:s29], [sflag:$0x2] =	stream.linear.gather [hbm4b:s10+s16], $0x10, $0x38;
	[tilespmem:$0x1C180] =	vst v63  }
0x42: {  	_ =	swait.ge [sflag:s23], $0x10  }
0x43: {  	[sflag:s23] =	ssyncset.done $0x0  }
0x44: {  	[sflag:s23] =	ssyncadd.s32 $0xFFFFFFF0  }
0x45: {  	[tilespmem:s31], [sflag:$0x1] =	stream.indirect.gather [hbm4b:s7+s30], $0x80, s28, s30, $0xb8;
	[tilespmem:$0x1C180] =	vst v63  }
0x46: {  	_ =	swait.ge [sflag:s0], $0x800  }
0x47: {  	[sflag:s0] =	ssyncset.done $0x0  }
0x48: {  	[sflag:s0] =	ssyncadd.s32 $0xFFFFF800  }
0x49: {  	v11 =	vld [tilespmem:$0x1B000]  }
0x4a: {  	v12 =	vld [tilespmem:$0x1AF80];
	_ =	sdelay $0x6  }
0x4b: {  	v13 =	vld.idx.msk [tilespmem:v11+s25+$0x0], $0xffff  }
0x4c: {  	v12 =	vld.idx.msk [tilespmem:v12+s26+$0x0], $0xffff;
	_ =	sdelay $0x4  }
0x4d: {  	v12 =	vadd.f32 v12, v13;
	_ =	sdelay $0x1  }
0x4e: {  	v13 =	vmul.f32 $2.000000030e-01, v12  }
0x4f: {  	vm0 =	vgt.f32 v12, $0.0e+00  }
0x50: {  	v12 =	vsel vm0, v12, v13  }
0x51: {  	v12 =	vmul.f32 $1.442695020e+00, v12  }
0x52: {  	v13 =	vshra.s32 v11, $0x1F  }
0x53: {  	(erf) = vpow2.f32 v12;
	v12 =	vshrl.u32 v13, $0x1D  }
0x54: {  	v12 =	vadd.s32 v12, v11  }
0x55: {  	v12 =	vshra.s32 v12, $0x3  }
0x56: {  	v13 =	vshll.u32 v12, $0x3  }
0x57: {  	v14 =	vsub.s32 v11, v13  }
0x58: {  	v14 =	vshll.u32 v14, $0x4  }
0x59: {  	vm15 =	vlt.s32 v11, $0x1;
	vm1 =	vne.s32 v11, v13;
	v14 =	vand.u32 $0x70, v14  }
0x5a: {  	vm0 =	vmand vm15, vm1;
	v11 =	vor.u32 v3, v14  }
0x5b: {  	v14 =	vsel vm0, $0xFFFFFFFF, v2  }
0x5c: {  	v12 =	vadd.s32 v14, v12  }
0x5d: {  	v13 =	vpop (erf);
	[tilespmem:$0x1B080] =	vst v12  }
0x5e: {  	[tilespmem:$0x1B100] =	vst v13  }
0x5f: {  	[tilespmem:v11+s24+$0x0] =	vst.idx.msk $0xffff, v13  }
0x60: {  	[spmem:s4] =	stream.indirect.scatter.add.f32 [tilespmem:s24], [sflag:$0x2], $0x80, s5, s30, $0xb8;
	[tilespmem:$0x1C180] =	vst v63  }
0x61: {  	_ =	swait.ge [sflag:s23], $0x800  }
0x62: {  	[sflag:s23] =	ssyncset.done $0x0  }
0x63: {  	[sflag:s23] =	ssyncadd.s32 $0xFFFFF800  }
0x64: {  	v11 =	vld [tilespmem:$0x1B000];
	_ =	sdelay $0x4  }
0x65: {  	v11 =	vshll.u32 v11, $0x4  }
0x66: {  	v11 =	vand.u32 $0x70, v11  }
0x67: {  	v12 =	vmov s16;
	v11 =	vor.u32 v3, v11  }
0x68: {  	v13 =	vshll.u32 v12, $0x7  }
0x69: {  	v14 =	vor.u32 v1, v13;
	_ =	sdelay $0x2  }
0x6a: {  	[tilespmem:v11+s24+$0x0] =	vst.idx.msk $0xffff, v0  }
0x6b: {  	v15 =	vld.idx.msk [tilespmem:v12+s8+$0x0], $0xffff  }
0x6c: {  	v11 =	vld.idx.msk [tilespmem:v14+s31+$0x0], $0xffff;
	_ =	sdelay $0x2  }
0x6d: {  	v12 =	vor.u32 v4, v13;
	_ =	sdelay $0x1  }
0x6e: {  	v11 =	vmul.f32 v11, v15;
	_ =	sdelay $0x1  }
0x6f: {  	[tilespmem:v14+s31+$0x0] =	vst.idx.msk $0xffff, v11  }
0x70: {  	v11 =	vld.idx.msk [tilespmem:v12+s31+$0x0], $0xffff;
	_ =	sdelay $0x2  }
0x71: {  	v14 =	vor.u32 v5, v13;
	_ =	sdelay $0x1  }
0x72: {  	v11 =	vmul.f32 v11, v15;
	_ =	sdelay $0x1  }
0x73: {  	[tilespmem:v12+s31+$0x0] =	vst.idx.msk $0xffff, v11  }
0x74: {  	v11 =	vld.idx.msk [tilespmem:v14+s31+$0x0], $0xffff;
	_ =	sdelay $0x2  }
0x75: {  	v12 =	vor.u32 v6, v13;
	_ =	sdelay $0x1  }
0x76: {  	v11 =	vmul.f32 v11, v15;
	_ =	sdelay $0x1  }
0x77: {  	[tilespmem:v14+s31+$0x0] =	vst.idx.msk $0xffff, v11  }
0x78: {  	v11 =	vld.idx.msk [tilespmem:v12+s31+$0x0], $0xffff;
	_ =	sdelay $0x2  }
0x79: {  	v14 =	vor.u32 v7, v13;
	_ =	sdelay $0x1  }
0x7a: {  	v11 =	vmul.f32 v11, v15;
	_ =	sdelay $0x1  }
0x7b: {  	[tilespmem:v12+s31+$0x0] =	vst.idx.msk $0xffff, v11  }
0x7c: {  	v11 =	vld.idx.msk [tilespmem:v14+s31+$0x0], $0xffff;
	_ =	sdelay $0x2  }
0x7d: {  	v12 =	vor.u32 v8, v13;
	_ =	sdelay $0x1  }
0x7e: {  	v11 =	vmul.f32 v11, v15;
	_ =	sdelay $0x1  }
0x7f: {  	[tilespmem:v14+s31+$0x0] =	vst.idx.msk $0xffff, v11  }
0x80: {  	v11 =	vld.idx.msk [tilespmem:v12+s31+$0x0], $0xffff;
	_ =	sdelay $0x2  }
0x81: {  	v14 =	vor.u32 v9, v13;
	_ =	sdelay $0x1  }
0x82: {  	v11 =	vmul.f32 v11, v15;
	_ =	sdelay $0x1  }
0x83: {  	[tilespmem:v12+s31+$0x0] =	vst.idx.msk $0xffff, v11  }
0x84: {  	v11 =	vld.idx.msk [tilespmem:v14+s31+$0x0], $0xffff;
	_ =	sdelay $0x2  }
0x85: {  	v12 =	vor.u32 v10, v13;
	_ =	sdelay $0x1  }
0x86: {  	v11 =	vmul.f32 v11, v15;
	_ =	sdelay $0x1  }
0x87: {  	[tilespmem:v14+s31+$0x0] =	vst.idx.msk $0xffff, v11  }
0x88: {  	v16 =	vld.idx.msk [tilespmem:v12+s31+$0x0], $0xffff  }
0x89: {  	s14 =	simm.s32 $0x1  }
0x8a: {  	v14 =	vmov s14  }
0x8b: {  	v11 =	vshll.u32 v14, $0x7  }
0x8c: {  	v13 =	vor.u32 v1, v11  }
0x8d: {  	s14 =	simm.s32 $0x2;
	v15 =	vmul.f32 v16, v15  }
.LBB2_3:
0x8e: {  	_ = 	snop  }
0x8f: {  	p1 =	sne.s32 s14, $0xF;
	s10 =	smov.u32 s14;
	s14 =	sadd.s32 $0x1, s14;
	[tilespmem:v12+s31+$0x0] =	vst.idx.msk $0xffff, v15  }
0x90: {  	v15 =	vld.idx.msk [tilespmem:v14+s8+$0x0], $0xffff  }
0x91: {  	v12 =	vld.idx.msk [tilespmem:v13+s31+$0x0], $0xffff;
	_ =	sdelay $0x3  }
0x92: {  	v14 =	vor.u32 v4, v11;
	_ =	sdelay $0x1  }
0x93: {  	v12 =	vmul.f32 v12, v15;
	_ =	sdelay $0x1  }
0x94: {  	[tilespmem:v13+s31+$0x0] =	vst.idx.msk $0xffff, v12  }
0x95: {  	v12 =	vld.idx.msk [tilespmem:v14+s31+$0x0], $0xffff;
	_ =	sdelay $0x3  }
0x96: {  	v13 =	vor.u32 v5, v11;
	_ =	sdelay $0x1  }
0x97: {  	v12 =	vmul.f32 v12, v15;
	_ =	sdelay $0x1  }
0x98: {  	[tilespmem:v14+s31+$0x0] =	vst.idx.msk $0xffff, v12  }
0x99: {  	v12 =	vld.idx.msk [tilespmem:v13+s31+$0x0], $0xffff;
	_ =	sdelay $0x3  }
0x9a: {  	v14 =	vor.u32 v6, v11;
	_ =	sdelay $0x1  }
0x9b: {  	v12 =	vmul.f32 v12, v15;
	_ =	sdelay $0x1  }
0x9c: {  	[tilespmem:v13+s31+$0x0] =	vst.idx.msk $0xffff, v12  }
0x9d: {  	v12 =	vld.idx.msk [tilespmem:v14+s31+$0x0], $0xffff;
	_ =	sdelay $0x3  }
0x9e: {  	v13 =	vor.u32 v7, v11;
	_ =	sdelay $0x1  }
0x9f: {  	v12 =	vmul.f32 v12, v15;
	_ =	sdelay $0x1  }
0xa0: {  	[tilespmem:v14+s31+$0x0] =	vst.idx.msk $0xffff, v12  }
0xa1: {  	v12 =	vld.idx.msk [tilespmem:v13+s31+$0x0], $0xffff;
	_ =	sdelay $0x3  }
0xa2: {  	v14 =	vor.u32 v8, v11;
	_ =	sdelay $0x1  }
0xa3: {  	v12 =	vmul.f32 v12, v15;
	_ =	sdelay $0x1  }
0xa4: {  	[tilespmem:v13+s31+$0x0] =	vst.idx.msk $0xffff, v12  }
0xa5: {  	v12 =	vld.idx.msk [tilespmem:v14+s31+$0x0], $0xffff;
	_ =	sdelay $0x3  }
0xa6: {  	v13 =	vor.u32 v9, v11;
	_ =	sdelay $0x1  }
0xa7: {  	v12 =	vmul.f32 v12, v15;
	_ =	sdelay $0x1  }
0xa8: {  	[tilespmem:v14+s31+$0x0] =	vst.idx.msk $0xffff, v12  }
0xa9: {  	v14 =	vld.idx.msk [tilespmem:v13+s31+$0x0], $0xffff;
	_ =	sdelay $0x3  }
0xaa: {  	v12 =	vor.u32 v10, v11;
	_ =	sdelay $0x1  }
0xab: {  	v11 =	vmul.f32 v14, v15;
	_ =	sdelay $0x1  }
0xac: {  	[tilespmem:v13+s31+$0x0] =	vst.idx.msk $0xffff, v11  }
0xad: {  	v16 =	vld.idx.msk [tilespmem:v12+s31+$0x0], $0xffff;
	_ =	sdelay $0x1  }
.Ltmp0:
0xae: {  	(pc) =	sbr.rel @p1 .LBB2_3-.Ltmp0, $4  }
0xaf: {  	v14 =	vmov s10  }
0xb0: {  	v11 =	vshll.u32 v14, $0x7  }
0xb1: {  	v13 =	vor.u32 v1, v11  }
0xb2: {  	v15 =	vmul.f32 v16, v15  }
0xb3: {  	_ =	sdelay $0x3  }
0xb4: {  	[tilespmem:v12+s31+$0x0] =	vst.idx.msk $0xffff, v15  }
0xb5: {  	v12 =	vld.idx.msk [tilespmem:v14+s8+$0x0], $0xffff  }
0xb6: {  	v57 =	vld.idx.msk [tilespmem:v13+s31+$0x0], $0xffff;
	_ =	sdelay $0x2  }
0xb7: {  	v58 =	vor.u32 v4, v11;
	_ =	sdelay $0x1  }
0xb8: {  	v14 =	vmul.f32 v57, v12;
	_ =	sdelay $0x1  }
0xb9: {  	[tilespmem:v13+s31+$0x0] =	vst.idx.msk $0xffff, v14  }
0xba: {  	v13 =	vld.idx.msk [tilespmem:v58+s31+$0x0], $0xffff;
	_ =	sdelay $0x2  }
0xbb: {  	v59 =	vor.u32 v5, v11;
	_ =	sdelay $0x1  }
0xbc: {  	v13 =	vmul.f32 v13, v12;
	_ =	sdelay $0x1  }
0xbd: {  	[tilespmem:v58+s31+$0x0] =	vst.idx.msk $0xffff, v13  }
0xbe: {  	v13 =	vld.idx.msk [tilespmem:v59+s31+$0x0], $0xffff;
	_ =	sdelay $0x2  }
0xbf: {  	v60 =	vor.u32 v6, v11;
	_ =	sdelay $0x1  }
0xc0: {  	v13 =	vmul.f32 v13, v12;
	_ =	sdelay $0x1  }
0xc1: {  	[tilespmem:v59+s31+$0x0] =	vst.idx.msk $0xffff, v13  }
0xc2: {  	v13 =	vld.idx.msk [tilespmem:v60+s31+$0x0], $0xffff;
	_ =	sdelay $0x2  }
0xc3: {  	v61 =	vor.u32 v7, v11;
	_ =	sdelay $0x1  }
0xc4: {  	v13 =	vmul.f32 v13, v12;
	_ =	sdelay $0x1  }
0xc5: {  	[tilespmem:v60+s31+$0x0] =	vst.idx.msk $0xffff, v13  }
0xc6: {  	v13 =	vld.idx.msk [tilespmem:v61+s31+$0x0], $0xffff;
	_ =	sdelay $0x2  }
0xc7: {  	v62 =	vor.u32 v8, v11;
	_ =	sdelay $0x1  }
0xc8: {  	v13 =	vmul.f32 v13, v12;
	_ =	sdelay $0x1  }
0xc9: {  	[tilespmem:v61+s31+$0x0] =	vst.idx.msk $0xffff, v13  }
0xca: {  	v13 =	vld.idx.msk [tilespmem:v62+s31+$0x0], $0xffff;
	_ =	sdelay $0x2  }
0xcb: {  	v63 =	vor.u32 v9, v11;
	_ =	sdelay $0x1  }
0xcc: {  	v13 =	vmul.f32 v13, v12;
	_ =	sdelay $0x1  }
0xcd: {  	[tilespmem:v62+s31+$0x0] =	vst.idx.msk $0xffff, v13  }
0xce: {  	v13 =	vld.idx.msk [tilespmem:v63+s31+$0x0], $0xffff;
	_ =	sdelay $0x2  }
0xcf: {  	v11 =	vor.u32 v10, v11;
	_ =	sdelay $0x1  }
0xd0: {  	v13 =	vmul.f32 v13, v12;
	_ =	sdelay $0x1  }
0xd1: {  	[tilespmem:v63+s31+$0x0] =	vst.idx.msk $0xffff, v13  }
0xd2: {  	v13 =	vld.idx.msk [tilespmem:v11+s31+$0x0], $0xffff;
	_ =	sdelay $0x4  }
0xd3: {  	s13 =	sadd.s32 $0x1, s13;
	v12 =	vmul.f32 v13, v12  }
0xd4: {  	p1 =	sne.s32 s13, $0x271  }
.Ltmp1:
0xd5: {  	[tilespmem:v11+s31+$0x0] =	vst.idx.msk $0xffff, v12;
	(pc) =	sbr.rel @p1 .LBB2_2-.Ltmp1, $4  }
0xd6: {  	[spmem:s3] =	stream.indirect.scatter.add.f32 [tilespmem:s31], [sflag:$0x2], $0x80, s29, s30, $0xb8;
	[tilespmem:$0x1C180] =	vst v63  }
0xd7: {  	_ =	swait.ge [sflag:s23], $0x800  }
0xd8: {  	[sflag:s23] =	ssyncset.done $0x0  }
0xd9: {  	[sflag:s23] =	ssyncadd.s32 $0xFFFFF800  }
0xda: {  	[bflag:$0x0] =	sbarrier.arrive $0xFFFF;
	s10 =	simm.s32 @p0 $0x2  }
0xdb: {  	[hbm:s17], [sflag:s11] =	dma.local @p0 [spmem:s20], $0x1900  }
0xdc: {  	_ =	swait.ge @p0 [sflag:s10], $0x1900  }
0xdd: {  	[sflag:s10] =	ssyncset.done @p0 $0x0  }
0xde: {  	[sflag:s10] =	ssyncadd.s32 @p0 $0xFFFFE700;
	s10 =	rddreg [dreg:$0xe]  }
0xdf: {  	[hbm:s10], [sflag:s11] =	dma.local @!p0 [spmem:s22], $0x2800  }
0xe0: {  	s10 =	simm.s32 @!p0 $0x2  }
0xe1: {  	s9 =	sadd.s32 $0x1, s9;
	_ =	swait.ge @!p0 [sflag:s10], $0x2800  }
0xe2: {  	p1 =	sne.s32 s9, s19;
	[sflag:s10] =	ssyncset.done @!p0 $0x0  }
.Ltmp2:
0xe3: {  	[sflag:s10] =	ssyncadd.s32 @!p0 $0xFFFFD800;
	(pc) =	sbr.rel @p1 .LBB2_1-.Ltmp2, $4  }
0xe4: {  	[hbm:s18], [sflag:s11] =	dma.local [spmem:s12], $0x500  }
0xe5: {  	_ =	swait.ge [sflag:s23], $0x500  }
0xe6: {  	[sflag:s23] =	ssyncset.done $0x0  }
0xe7: {  	[sflag:s23] =	ssyncadd.s32 $0xFFFFFB00  }
0xe8: {  	_ =	sfence.sel $0x180000  }
0xe9: {  	[bflag:$0x0] =	sbarrier.arrive $0xFFFF  }
0xea: {  	_ =	strace $0x90000050  }
0xeb: {  	s0 =	stileid.u32;
	[bflag:$0x2] =	sbarrier.arrive $0xFFFF  }
0xec: {  	p0 =	sne.s32 s0, $0x0;
	s0 =	rddreg [dreg:$0x6]  }
0xed: {  	s0 =	sadd.s32 @!p0 $0x100000, s0  }
0xee: {  	[sflag:s0] =	ssyncadd.tile.s32 @!p0 $0x1;
	_ =	shalt  }
.Lfunc_end2:
_tile_overlayer_lowered:
.L_overlay_start_2:
0xef: {  	(tag) =	ssettag $0x2  }
0xf0: {  	s0 =	rddreg [dreg:$0x0];
	s2 =	stileid.u32  }
0xf1: {  	s1 =	rddreg [dreg:$0x1];
	p0 =	sne.s32 s2, $0x0  }
0xf2: {  	s3 =	rddreg [dreg:$0x2];
	[bflag:$0x3] =	sbarrier.arrive $0xFFFF;
	s2 =	simm.s32 @!p0 $0x1C02  }
0xf3: {  	[timem:s3], [sflag:s2] =	dma.local @!p0 [hbm:s0], s1  }
0xf4: {  	s0 =	simm.s32 @!p0 $0x2  }
0xf5: {  	_ =	swait.ge @!p0 [sflag:s0], s1  }
0xf6: {  	s1 =	ssub.s32 @!p0 $0x0, s1;
	[sflag:s0] =	ssyncset.done @!p0 $0x0  }
0xf7: {  	[sflag:s0] =	ssyncadd.s32 @!p0 s1  }
0xf8: {  	[bflag:$0x3] =	sbarrier.arrive $0xFFFF  }
0xf9: {  	_ =	shalt  }

// kernel: kernel.18.cloned.1.call-start
scs
__scs_entry_jumppad:
0x0: {  	(pc) =	sbr.rel $0x88, $3  }
0x1: {  	(tag) =	ssettag $0x0;
	lr =	simm.s32 $0x1  }
0x2: {  	[smem:$0x3F8B] =	sst lr;
	_ =	strace $0xD0000000  }
0x3: {  	_ = 	snop  }
0x4: {  	_ = 	snop  }
0x5: {  	_ = 	snop  }
0x6: {  	_ = 	snop  }
0x7: {  	_ = 	snop  }
__scs_overlays_trampoline_lowered:
0x8: {  	[smem:$0x3F9A] =	sst s0  }
0x9: {  	[smem:$0x3F9B] =	sst s1  }
0xa: {  	[smem:$0x3F9C] =	sst s2  }
0xb: {  	[smem:$0x3F9D] =	sst s3  }
0xc: {  	[smem:$0x3F9E] =	sst s4  }
0xd: {  	[smem:$0x3F9F] =	sst s5  }
0xe: {  	[smem:$0x3FA0] =	sst s6  }
0xf: {  	[smem:$0x3FA1] =	sst s7  }
0x10: {  	[smem:$0x3FA2] =	sst s8  }
0x11: {  	[smem:$0x3FA3] =	sst s9;
	s0 =	simm.s32 @!p0 $0x0  }
0x12: {  	s1 =	sld [smem:$0x3F89];
	s0 =	simm.s32 @p0 $0x1  }
0x13: {  	[smem:$0x3FA4] =	sst s0;
	s0 =	simm.s32 @!p1 $0x0  }
0x14: {  	s2 =	sld [smem:$0x3F88];
	s0 =	simm.s32 @p1 $0x1  }
0x15: {  	[smem:$0x3FA5] =	sst s0;
	s0 =	simm.s32 @!p2 $0x0  }
0x16: {  	s3 =	sld [smem:$0x3FDB];
	s0 =	simm.s32 @p2 $0x1  }
0x17: {  	s4 =	simm.s32 $0x1BF5;
	[smem:$0x3FA7] =	sst s0  }
0x18: {  	s0 =	sld [smem:$0x3F8A];
	_ =	swait.ge [sflag:s4], $0x0  }
0x19: {  	s7 =	sld [smem:$0x3F8B]  }
0x1a: {  	s8 =	sadd.s32 $0xFFFFE003, lr  }
0x1b: {  	s9 =	sadd.s32 $0xFFFFFEF7, lr;
	s5 =	simm.s32 $0xFFFFFFFF;
	p2 =	slt.u32 s8, $0xFFFFF086  }
0x1c: {  	p1 =	slt.u32 s9, $0xF7A;
	s5 =	simm.s32 @!p2 $0x0  }
0x1d: {  	s5 =	simm.s32 @p1 $0x1;
	p0 =	seq.s32 s7, s2  }
0x1e: {  	s7 =	smul.u32 @!p0 $0xF7A, s2;
	p2 =	seq.s32 @!p0 s5, $0x0  }
0x1f: {  	s9 =	smul.u32 $0xF7A, s1;
	s8 =	simm.s32 @!p0 $0x1BF5;
	p2 =	por !p2, p0  }
0x20: {  	[sflag:s8] =	ssyncset.s32 @!p0 $0xFFFFF086;
	s6 =	sadd.s32 @!p0 s3, s7;
	s7 =	simm.s32 @!p0 $0x108  }
0x21: {  	s3 =	sadd.s32 s3, s9;
	s6 =	sadd.s32 @!p0 $0x88, s6;
	s7 =	simm.s32 @p2 $0x1082  }
0x22: {  	[simem:s7], [sflag:s8] =	dma.local @!p0 [hbm:s6], $0xF7A  }
0x23: {  	s9 =	sor.u32 $0xD0000000, s2;
	s6 =	simm.s32 $0x108;
	_ =	swait.ge @!p0 [sflag:s8], $0x0  }
0x24: {  	s3 =	sadd.s32 $0x88, s3;
	s6 =	simm.s32 @!p1 $0x1082;
	[sflag:s4] =	ssyncset.s32 $0xFFFFF086  }
0x25: {  	[simem:s6], [sflag:s4] =	dma.local [hbm:s3], $0xF7A  }
0x26: {  	[smem:$0x3F8B] =	sst s1;
	(tag) =	ssettag s2;
	_ =	strace s9  }
0x27: {  	s1 =	sld [smem:$0x3F9B]  }
0x28: {  	s2 =	sld [smem:$0x3F9C]  }
0x29: {  	s4 =	sld [smem:$0x3F9E]  }
0x2a: {  	p0 =	seq.s32 s5, $0x0;
	s5 =	sld [smem:$0x3F9F]  }
0x2b: {  	s6 =	sld [smem:$0x3FA0]  }
0x2c: {  	s7 =	sld [smem:$0x3FA1]  }
0x2d: {  	s3 =	simm.s32 $0x108;
	s8 =	sld [smem:$0x3FA2]  }
0x2e: {  	s3 =	simm.s32 @!p0 $0x1082;
	s9 =	sld [smem:$0x3FA3]  }
0x2f: {  	lr =	sadd.s32 s0, s3;
	s0 =	sld [smem:$0x3F9A]  }
0x30: {  	s3 =	sld [smem:$0x3F9D]  }
0x31: {  	[smem:$0x3FA6] =	sst s10  }
0x32: {  	s10 =	sld [smem:$0x3FA4];
	_ =	sdelay $0x3  }
0x33: {  	p0 =	seq.s32 s10, $0x1;
	s10 =	sld [smem:$0x3FA6];
	_ =	sdelay $0x3  }
0x34: {  	[smem:$0x3FA6] =	sst s10  }
0x35: {  	s10 =	sld [smem:$0x3FA5];
	_ =	sdelay $0x3  }
0x36: {  	p1 =	seq.s32 s10, $0x1;
	s10 =	sld [smem:$0x3FA6];
	_ =	sdelay $0x3  }
0x37: {  	[smem:$0x3FA6] =	sst s10  }
0x38: {  	s10 =	sld [smem:$0x3FA7]  }
0x39: {  	_ = 	snop;
	(pc) =	sbr.ind lr, $3  }
0x3a: {  	_ = 	snop  }
0x3b: {  	_ = 	snop  }
0x3c: {  	p2 =	seq.s32 s10, $0x1;
	s10 =	sld [smem:$0x3FA6]  }
0x3d: {  	_ =	shalt  }
0x3e: {  	_ =	shalt  }
0x3f: {  	_ =	shalt  }
0x40: {  	_ =	shalt  }
0x41: {  	_ =	shalt  }
0x42: {  	_ =	shalt  }
0x43: {  	_ =	shalt  }
0x44: {  	_ =	shalt  }
0x45: {  	_ =	shalt  }
0x46: {  	_ =	shalt  }
0x47: {  	_ =	shalt  }
0x48: {  	_ =	shalt  }
0x49: {  	_ =	shalt  }
0x4a: {  	_ =	shalt  }
0x4b: {  	_ =	shalt  }
0x4c: {  	_ =	shalt  }
0x4d: {  	_ =	shalt  }
0x4e: {  	_ =	shalt  }
0x4f: {  	_ =	shalt  }
0x50: {  	_ =	shalt  }
0x51: {  	_ =	shalt  }
0x52: {  	_ =	shalt  }
0x53: {  	_ =	shalt  }
0x54: {  	_ =	shalt  }
0x55: {  	_ =	shalt  }
0x56: {  	_ =	shalt  }
0x57: {  	_ =	shalt  }
0x58: {  	_ =	shalt  }
0x59: {  	_ =	shalt  }
0x5a: {  	_ =	shalt  }
0x5b: {  	_ =	shalt  }
0x5c: {  	_ =	shalt  }
0x5d: {  	_ =	shalt  }
0x5e: {  	_ =	shalt  }
0x5f: {  	_ =	shalt  }
0x60: {  	_ =	shalt  }
0x61: {  	_ =	shalt  }
0x62: {  	_ =	shalt  }
0x63: {  	_ =	shalt  }
0x64: {  	_ =	shalt  }
0x65: {  	_ =	shalt  }
0x66: {  	_ =	shalt  }
0x67: {  	_ =	shalt  }
0x68: {  	_ =	shalt  }
0x69: {  	_ =	shalt  }
0x6a: {  	_ =	shalt  }
0x6b: {  	_ =	shalt  }
0x6c: {  	_ =	shalt  }
0x6d: {  	_ =	shalt  }
0x6e: {  	_ =	shalt  }
0x6f: {  	_ =	shalt  }
0x70: {  	_ =	shalt  }
0x71: {  	_ =	shalt  }
0x72: {  	_ =	shalt  }
0x73: {  	_ =	shalt  }
0x74: {  	_ =	shalt  }
0x75: {  	_ =	shalt  }
0x76: {  	_ =	shalt  }
0x77: {  	_ =	shalt  }
0x78: {  	_ =	shalt  }
0x79: {  	_ =	shalt  }
0x7a: {  	_ =	shalt  }
0x7b: {  	_ =	shalt  }
0x7c: {  	_ =	shalt  }
0x7d: {  	_ =	shalt  }
0x7e: {  	_ =	shalt  }
0x7f: {  	_ =	shalt  }
0x80: {  	_ =	shalt  }
0x81: {  	_ =	shalt  }
0x82: {  	_ =	shalt  }
0x83: {  	_ =	shalt  }
0x84: {  	_ =	shalt  }
0x85: {  	_ =	shalt  }
0x86: {  	_ =	shalt  }
0x87: {  	_ =	shalt  }
.Lfunc_end0:
.L_simem_size_0:
called_computation.2_lowered:
.L_overlay_start_0:
0x88: {  	s2 =	sld [smem:$0x3FD9]  }
0x89: {  	s3 =	sld [smem:$0x3FFE];
	_ =	sdelay $0x1  }
0x8a: {  	s1 =	srdreg.scid  }
0x8b: {  	s0 =	sand.u32 $0x1, s1  }
0x8c: {  	s17 =	sshll.u32 s0, $0xA;
	s2 =	sadd.s32 s3, s2  }
0x8d: {  	s2 =	sadd.s32 s2, s17  }
0x8e: {  	[smem:$0x3FB2] =	sst s2  }
0x8f: {  	_ = 	snop  }
0x90: {  	s2 =	sld [smem:$0x3FC3]  }
0x91: {  	s18 =	sld [smem:$0x3FC2];
	(tm) =	ssettm $0x1  }
0x92: {  	s4 =	sld [smem:$0x3FFB];
	_ =	sdelay $0x3  }
0x93: {  	_ =	strace s4  }
0x94: {  	s4 =	sld [smem:$0x3FFC];
	_ =	sdelay $0x3  }
0x95: {  	_ =	strace s4  }
0x96: {  	s4 =	sld [smem:$0x3FFD];
	_ =	sdelay $0x3  }
0x97: {  	_ =	strace s4  }
0x98: {  	_ =	strace $0x8FFFFFFF  }
0x99: {  	s19 =	sld [smem:$0x3FDB];
	_ =	sdelay $0x1  }
0x9a: {  	s5 =	simm.s32 $_scs_section_size  }
0x9b: {  	s6 =	simm.s32 $_size__tile_overlayer_lowered;
	s7 =	simm.s32 $_tile_overlayer_lowered  }
0x9c: {  	s22 =	simm.s32 $0x1BFF;
	s21 =	sshll.u32 s7, $0x1;
	s4 =	sadd.s32 s5, s19  }
0x9d: {  	s8 =	simm.s32 $0x0;
	s20 =	sshll.u32 s6, $0x1;
	s6 =	sadd.s32 s21, s4  }
0x9e: {  	[timem:s8], [sflag:s22] =	dma.local [hbm:s6], s20  }
0x9f: {  	_ =	swait.ge [sflag:s22], s20  }
0xa0: {  	s5 =	ssub.s32 $0x0, s20;
	[sflag:s22] =	ssyncset.done $0x0  }
0xa1: {  	[sflag:s22] =	ssyncadd.s32 s5;
	_ =	sdelay $0x1  }
0xa2: {  	s23 =	simm.s32 $0x1B8B  }
0xa3: {  	_ =	swait.ge [sflag:s23], $0x1  }
0xa4: {  	[sflag:s23] =	ssyncset.done $0x0  }
0xa5: {  	s25 =	simm.s32 $0x1B8E;
	s24 =	sld [smem:$0x3FFE];
	[sflag:s23] =	ssyncadd.s32 $0xFFFFFFFF  }
0xa6: {  	s26 =	simm.s32 $execute0_lowered;
	[smem:$0x3FD2] =	sst s25  }
0xa7: {  	s6 =	sshll.u32 s26, $0x1;
	_ =	strace $0x80000046;
	[dreg:$0x1] =	wrdreg $0xFFFFFFFF  }
0xa8: {  	s28 =	simm.s32 $_size_execute0_lowered;
	s4 =	sadd.s32 s4, s6;
	[dreg:$0x0] =	wrdreg $0x0  }
0xa9: {  	s6 =	sshll.u32 s28, $0x1;
	[dreg:$0x2] =	wrdreg s4  }
0xaa: {  	[dreg:$0x3] =	wrdreg s6  }
0xab: {  	[dreg:$0x4] =	wrdreg $0xC0  }
0xac: {  	_ =	task [dreg:s8], $0x5FFFF  }
0xad: {  	[dreg:$0x1] =	wrdreg $0xFFFFFFFF  }
0xae: {  	[dreg:$0x0] =	wrdreg $0x60  }
0xaf: {  	[dreg:$0x2] =	wrdreg s24  }
0xb0: {  	[dreg:$0x3] =	wrdreg s2  }
0xb1: {  	[dreg:$0x4] =	wrdreg s18  }
0xb2: {  	[dreg:$0x5] =	wrdreg $0x0  }
0xb3: {  	[dreg:$0x6] =	wrdreg $0x138800  }
0xb4: {  	[dreg:$0x7] =	wrdreg $0xB  }
0xb5: {  	_ =	task.clear_ibuf [dreg:s8], $0x8FFFF;
	_ =	strace $0x90000046  }
0xb6: {  	s29 =	simm.s32 $0xB;
	_ =	strace $0x80000048  }
0xb7: {  	_ =	swait.ge [sflag:s29], $0x1  }
0xb8: {  	[sflag:s29] =	ssyncadd.s32 $0xFFFFFFFF  }
0xb9: {  	_ =	strace $0x90000048  }
0xba: {  	_ =	sfence  }
0xbb: {  	s30 =	sld [smem:$0x0];
	_ =	sdelay $0x2  }
0xbc: {  	s31 =	sshll.u32 s1, $0xD;
	s1 =	sshrl.u32 s1, $0x2  }
0xbd: {  	s3 =	sand.u32 $0x4000, s31;
	s1 =	sadd.s32 s1, s30  }
0xbe: {  	s0 =	sor.u32 s3, s0;
	s1 =	sshll.u32 s1, $0x11  }
0xbf: {  	s0 =	sor.u32 s1, s0  }
0xc0: {  	s0 =	sadd.s32 $0x8F2B, s0  }
0xc1: {  	[sflag:s0] =	ssyncadd.remote.s32 $0x1  }
0xc2: {  	_ =	sfence.sel $0xFFFF  }
0xc3: {  	[dreg:$0x0] =	wrdreg $0xFFFFFFFF;
	(pc) =	sbr.abs _section_cstart, $3  }
0xc4: {  	[dreg:$0x1] =	wrdreg $0xFFFFFFFF  }
0xc5: {  	_ =	task.clear_ibuf [dreg:s8], $0x2FFFF;
	_ =	strace $0x9FFFFFFF  }
0xc6: {  	(tm) =	ssettm $0x7FFFFFFF  }
0xc7: {  	_ =	shalt  }
tec
execute0_lowered:
.L_overlay_start_1:
0x0: {  	(tag) =	ssettag $0x1  }
0x1: {  	s0 =	rddreg [dreg:$0x0]  }
0x2: {  	s1 =	rddreg [dreg:$0x1]  }
0x3: {  	s2 =	rddreg [dreg:$0x2]  }
0x4: {  	s3 =	rddreg [dreg:$0x3]  }
0x5: {  	s5 =	rddreg [dreg:$0x4]  }
0x6: {  	s6 =	simm.s32 $0x0;
	s4 =	srdreg.scid;
	s16 =	stileid.u32  }
0x7: {  	s28 =	simm.s32 $0x1AF80;
	s29 =	simm.s32 $0x1B000;
	s30 =	simm.s32 $0x10  }
0x8: {  	s31 =	simm.s32 $0x1B180;
	[smem:$0x7FF] =	sst s6;
	s4 =	sand.u32 $0x1, s4  }
0x9: {  	s8 =	smul.u32 $0x2800, s16;
	s7 =	sadd.s32 $0x3A00, s0;
	s10 =	sadd.s32 $0x52A00, s0  }
0xa: {  	s20 =	sadd.s32 $0x2AC00, s0;
	s17 =	sadd.s32 $0x53600, s0;
	s13 =	smul.u32 $0x50000, s16  }
0xb: {  	s21 =	sadd.s32 $0x84800, s0;
	s22 =	sshll.u32 s16, $0x1;
	s14 =	smul.u32 $0xA000, s16  }
0xc: {  	s23 =	smul.u32 $0x14000, s16;
	_ =	strace $0x80000047;
	[dreg:$0x6] =	wrdreg s10  }
0xd: {  	p0 =	seq.s32 s16, $0xF;
	s9 =	smul.u32 $0x28000, s4;
	[dreg:$0x7] =	wrdreg s20  }
0xe: {  	s11 =	ssub.s32 $0x2, s4;
	s20 =	sadd.s32 $0x12C000, s3;
	[dreg:$0x8] =	wrdreg s17  }
0xf: {  	s12 =	sshrl.u32 s11, $0x1;
	s13 =	sshrl.u32 s13, $0x2;
	s15 =	sadd.s32 s17, s8  }
0x10: {  	s14 =	sshrl.u32 s14, $0x2;
	s25 =	sshrl.u32 s8, $0x3;
	s20 =	sshrl.u32 @p0 s20, $0x3  }
0x11: {  	s9 =	sadd.s32 s8, s9;
	s11 =	ssub.s32 s11, s12;
	s12 =	sor.u32 s4, s22  }
0x12: {  	s13 =	sadd.s32 s13, s3;
	[dreg:$0x9] =	wrdreg s15;
	s4 =	smul.u32 $0x138800, s4  }
0x13: {  	s24 =	sadd.s32 s14, s5;
	s8 =	simm.s32 $0x1B100;
	s9 =	sshrl.u32 s9, $0x3  }
0x14: {  	[dreg:$0xb] =	wrdreg s24;
	s15 =	smul.u32 $0x2710, s12;
	s19 =	smax.u32 s11, $0x1  }
0x15: {  	s22 =	sshrl.u32 @!p0 s13, $0x3;
	s24 =	simm.s32 $0x1B980;
	s9 =	sadd.s32 s9, s0  }
0x16: {  	s0 =	sadd.s32 $0x78E00, s0;
	s26 =	sadd.s32 s23, s4;
	s4 =	sshrl.u32 s4, $0x3  }
0x17: {  	s23 =	simm.s32 $0x2;
	[dreg:$0xa] =	wrdreg s0;
	s0 =	sadd.s32 s17, s25  }
0x18: {  	s4 =	sadd.s32 s21, s4;
	s18 =	sadd.s32 $0x7A800, s9;
	s25 =	simm.s32 $0x16080  }
0x19: {  	v0 =	vimm.f32 $0.0e+00;
	v1 =	vlaneseq.u32;
	s9 =	simm.s32 $0x0;
	[dreg:$0xc] =	wrdreg s0;
	s0 =	sshrl.u32 s26, $0x3  }
0x1a: {  	v2 =	vimm.s32 $0x0;
	v3 =	vmul.u32 $0x81, v1;
	v4 =	vor.u32 $0x10, v1;
	s17 =	sadd.s32 $0x25800, s4;
	s26 =	simm.s32 $0x18800;
	s0 =	sadd.s32 s21, s0  }
0x1b: {  	v5 =	vor.u32 $0x20, v1;
	v6 =	vor.u32 $0x30, v1;
	v7 =	vor.u32 $0x40, v1;
	s4 =	simm.s32 $0x1B080;
	[dreg:$0xd] =	wrdreg s0;
	s0 =	sshll.u32 @!p0 s16, $0x6  }
0x1c: {  	v8 =	vor.u32 $0x50, v1;
	v9 =	vor.u32 $0x60, v1;
	v10 =	vor.u32 $0x70, v1;
	s16 =	simm.s32 $0x0;
	s21 =	sor.u32 @!p0 $0x1C02, s0;
	s0 =	simm.s32 $0x1  }
.LBB2_1:
0x1d: {  	s10 =	simm.s32 @p0 $0x1FC2;
	s11 =	rddreg [dreg:$0xa]  }
0x1e: {  	[spmem:s20], [sflag:s10] =	dma.local @p0 [hbm:s11], $0x1900  }
0x1f: {  	s10 =	simm.s32 @p0 $0x2  }
0x20: {  	_ =	swait.ge @p0 [sflag:s10], $0x1900  }
0x21: {  	[sflag:s10] =	ssyncset.done @p0 $0x0  }
0x22: {  	[sflag:s10] =	ssyncadd.s32 @p0 $0xFFFFE700;
	s10 =	rddreg [dreg:$0x9]  }
0x23: {  	[spmem:s22], [sflag:s21] =	dma.local @!p0 [hbm:s10], $0x2800  }
0x24: {  	s14 =	stileid.u32;
	s10 =	simm.s32 @!p0 $0x2  }
0x25: {  	s11 =	sshll.u32 s14, $0x6;
	_ =	swait.ge @!p0 [sflag:s10], $0x2800  }
0x26: {  	s11 =	sor.u32 $0x1C02, s11;
	[sflag:s10] =	ssyncset.done @!p0 $0x0;
	s12 =	rddreg [dreg:$0xb]  }
0x27: {  	s13 =	rddreg [dreg:$0xc];
	[sflag:s10] =	ssyncadd.s32 @!p0 $0xFFFFD800;
	s12 =	sshrl.u32 s12, $0x3  }
0x28: {  	[spmem:s12], [sflag:s11] =	dma.local [hbm:s13], $0x500  }
0x29: {  	_ =	swait.ge [sflag:s23], $0x500  }
0x2a: {  	[sflag:s23] =	ssyncset.done $0x0  }
0x2b: {  	s14 =	rddreg [dreg:$0x8];
	[sflag:s23] =	ssyncadd.s32 $0xFFFFFB00  }
0x2c: {  	[tilespmem:s24], [sflag:$0x2] =	stream.linear.gather [hbm4b:s14+s6], $0x800, $0x38;
	[tilespmem:$0x1C180] =	vst v63  }
0x2d: {  	_ =	swait.ge [sflag:s23], $0x800  }
0x2e: {  	[sflag:s23] =	ssyncset.done $0x0  }
0x2f: {  	s13 =	rddreg [dreg:$0x6];
	[sflag:s23] =	ssyncadd.s32 $0xFFFFF800  }
0x30: {  	[tilespmem:s25], [sflag:$0x2] =	stream.linear.gather [hbm4b:s13+s6], $0x2780, $0x38;
	[tilespmem:$0x1C180] =	vst v63  }
0x31: {  	_ =	swait.ge [sflag:s23], $0x2780  }
0x32: {  	[sflag:s23] =	ssyncset.done $0x0  }
0x33: {  	s14 =	rddreg [dreg:$0x7];
	[sflag:s23] =	ssyncadd.s32 $0xFFFFD880  }
0x34: {  	[tilespmem:s26], [sflag:$0x2] =	stream.linear.gather [hbm4b:s14+s6], $0x2780, $0x38;
	[tilespmem:$0x1C180] =	vst v63  }
0x35: {  	_ =	swait.ge [sflag:s23], $0x2780  }
0x36: {  	[sflag:s23] =	ssyncset.done $0x0  }
0x37: {  	[sflag:s23] =	ssyncadd.s32 $0xFFFFD880  }
0x38: {  	s13 =	simm.s32 $0x0;
	[bflag:$0x0] =	sbarrier.arrive $0xFFFF  }
.LBB2_2:
0x39: {  	s10 =	sshll.u32 s13, $0x4  }
0x3a: {  	s10 =	sadd.s32 s15, s10  }
0x3b: {  	s10 =	sshrl.u32 s10, $0x3  }
0x3c: {  	s14 =	sadd.s32 s1, s10  }
0x3d: {  	[tilespmem:s28], [sflag:$0x2] =	stream.linear.gather [hbm4b:s14+s16], $0x10, $0x38;
	[tilespmem:$0x1C180] =	vst v63  }
0x3e: {  	_ =	swait.ge [sflag:s23], $0x10  }
0x3f: {  	[sflag:s23] =	ssyncset.done $0x0  }
0x40: {  	s10 =	sadd.s32 s2, s10;
	[sflag:s23] =	ssyncadd.s32 $0xFFFFFFF0  }
0x41: {  	[tilespmem:s29], [sflag:$0x2] =	stream.linear.gather [hbm4b:s10+s16], $0x10, $0x38;
	[tilespmem:$0x1C180] =	vst v63  }
0x42: {  	_ =	swait.ge [sflag:s23], $0x10  }
0x43: {  	[sflag:s23] =	ssyncset.done $0x0  }
0x44: {  	[sflag:s23] =	ssyncadd.s32 $0xFFFFFFF0  }
0x45: {  	[tilespmem:s31], [sflag:$0x1] =	stream.indirect.gather [hbm4b:s7+s30], $0x80, s28, s30, $0xb8;
	[tilespmem:$0x1C180] =	vst v63  }
0x46: {  	_ =	swait.ge [sflag:s0], $0x800  }
0x47: {  	[sflag:s0] =	ssyncset.done $0x0  }
0x48: {  	[sflag:s0] =	ssyncadd.s32 $0xFFFFF800  }
0x49: {  	v11 =	vld [tilespmem:$0x1B000]  }
0x4a: {  	v12 =	vld [tilespmem:$0x1AF80];
	_ =	sdelay $0x6  }
0x4b: {  	v13 =	vld.idx.msk [tilespmem:v11+s25+$0x0], $0xffff  }
0x4c: {  	v12 =	vld.idx.msk [tilespmem:v12+s26+$0x0], $0xffff;
	_ =	sdelay $0x4  }
0x4d: {  	v12 =	vadd.f32 v12, v13;
	_ =	sdelay $0x1  }
0x4e: {  	v13 =	vmul.f32 $2.000000030e-01, v12  }
0x4f: {  	vm0 =	vgt.f32 v12, $0.0e+00  }
0x50: {  	v12 =	vsel vm0, v12, v13  }
0x51: {  	v12 =	vmul.f32 $1.442695020e+00, v12  }
0x52: {  	v13 =	vshra.s32 v11, $0x1F  }
0x53: {  	(erf) = vpow2.f32 v12;
	v12 =	vshrl.u32 v13, $0x1D  }
0x54: {  	v12 =	vadd.s32 v12, v11  }
0x55: {  	v12 =	vshra.s32 v12, $0x3  }
0x56: {  	v13 =	vshll.u32 v12, $0x3  }
0x57: {  	v14 =	vsub.s32 v11, v13  }
0x58: {  	v14 =	vshll.u32 v14, $0x4  }
0x59: {  	vm15 =	vlt.s32 v11, $0x1;
	vm1 =	vne.s32 v11, v13;
	v14 =	vand.u32 $0x70, v14  }
0x5a: {  	vm0 =	vmand vm15, vm1;
	v11 =	vor.u32 v3, v14  }
0x5b: {  	v14 =	vsel vm0, $0xFFFFFFFF, v2  }
0x5c: {  	v12 =	vadd.s32 v14, v12  }
0x5d: {  	v13 =	vpop (erf);
	[tilespmem:$0x1B080] =	vst v12  }
0x5e: {  	[tilespmem:$0x1B100] =	vst v13  }
0x5f: {  	[tilespmem:v11+s24+$0x0] =	vst.idx.msk $0xffff, v13  }
0x60: {  	[spmem:s5] =	stream.indirect.scatter.add.f32 [tilespmem:s24], [sflag:$0x2], $0x80, s4, s30, $0xb8;
	[tilespmem:$0x1C180] =	vst v63  }
0x61: {  	_ =	swait.ge [sflag:s23], $0x800  }
0x62: {  	[sflag:s23] =	ssyncset.done $0x0  }
0x63: {  	[sflag:s23] =	ssyncadd.s32 $0xFFFFF800  }
0x64: {  	v11 =	vld [tilespmem:$0x1B000];
	_ =	sdelay $0x4  }
0x65: {  	v11 =	vshll.u32 v11, $0x4  }
0x66: {  	v11 =	vand.u32 $0x70, v11  }
0x67: {  	v12 =	vmov s16;
	v11 =	vor.u32 v3, v11  }
0x68: {  	v13 =	vshll.u32 v12, $0x7  }
0x69: {  	v14 =	vor.u32 v1, v13;
	_ =	sdelay $0x2  }
0x6a: {  	[tilespmem:v11+s24+$0x0] =	vst.idx.msk $0xffff, v0  }
0x6b: {  	v15 =	vld.idx.msk [tilespmem:v12+s8+$0x0], $0xffff  }
0x6c: {  	v11 =	vld.idx.msk [tilespmem:v14+s31+$0x0], $0xffff;
	_ =	sdelay $0x2  }
0x6d: {  	v12 =	vor.u32 v4, v13;
	_ =	sdelay $0x1  }
0x6e: {  	v11 =	vmul.f32 v11, v15;
	_ =	sdelay $0x1  }
0x6f: {  	[tilespmem:v14+s31+$0x0] =	vst.idx.msk $0xffff, v11  }
0x70: {  	v11 =	vld.idx.msk [tilespmem:v12+s31+$0x0], $0xffff;
	_ =	sdelay $0x2  }
0x71: {  	v14 =	vor.u32 v5, v13;
	_ =	sdelay $0x1  }
0x72: {  	v11 =	vmul.f32 v11, v15;
	_ =	sdelay $0x1  }
0x73: {  	[tilespmem:v12+s31+$0x0] =	vst.idx.msk $0xffff, v11  }
0x74: {  	v11 =	vld.idx.msk [tilespmem:v14+s31+$0x0], $0xffff;
	_ =	sdelay $0x2  }
0x75: {  	v12 =	vor.u32 v6, v13;
	_ =	sdelay $0x1  }
0x76: {  	v11 =	vmul.f32 v11, v15;
	_ =	sdelay $0x1  }
0x77: {  	[tilespmem:v14+s31+$0x0] =	vst.idx.msk $0xffff, v11  }
0x78: {  	v11 =	vld.idx.msk [tilespmem:v12+s31+$0x0], $0xffff;
	_ =	sdelay $0x2  }
0x79: {  	v14 =	vor.u32 v7, v13;
	_ =	sdelay $0x1  }
0x7a: {  	v11 =	vmul.f32 v11, v15;
	_ =	sdelay $0x1  }
0x7b: {  	[tilespmem:v12+s31+$0x0] =	vst.idx.msk $0xffff, v11  }
0x7c: {  	v11 =	vld.idx.msk [tilespmem:v14+s31+$0x0], $0xffff;
	_ =	sdelay $0x2  }
0x7d: {  	v12 =	vor.u32 v8, v13;
	_ =	sdelay $0x1  }
0x7e: {  	v11 =	vmul.f32 v11, v15;
	_ =	sdelay $0x1  }
0x7f: {  	[tilespmem:v14+s31+$0x0] =	vst.idx.msk $0xffff, v11  }
0x80: {  	v11 =	vld.idx.msk [tilespmem:v12+s31+$0x0], $0xffff;
	_ =	sdelay $0x2  }
0x81: {  	v14 =	vor.u32 v9, v13;
	_ =	sdelay $0x1  }
0x82: {  	v11 =	vmul.f32 v11, v15;
	_ =	sdelay $0x1  }
0x83: {  	[tilespmem:v12+s31+$0x0] =	vst.idx.msk $0xffff, v11  }
0x84: {  	v11 =	vld.idx.msk [tilespmem:v14+s31+$0x0], $0xffff;
	_ =	sdelay $0x2  }
0x85: {  	v12 =	vor.u32 v10, v13;
	_ =	sdelay $0x1  }
0x86: {  	v11 =	vmul.f32 v11, v15;
	_ =	sdelay $0x1  }
0x87: {  	[tilespmem:v14+s31+$0x0] =	vst.idx.msk $0xffff, v11  }
0x88: {  	v16 =	vld.idx.msk [tilespmem:v12+s31+$0x0], $0xffff  }
0x89: {  	s14 =	simm.s32 $0x1  }
0x8a: {  	v14 =	vmov s14  }
0x8b: {  	v11 =	vshll.u32 v14, $0x7  }
0x8c: {  	v13 =	vor.u32 v1, v11  }
0x8d: {  	s14 =	simm.s32 $0x2;
	v15 =	vmul.f32 v16, v15  }
.LBB2_3:
0x8e: {  	_ = 	snop  }
0x8f: {  	p1 =	sne.s32 s14, $0xF;
	s10 =	smov.u32 s14;
	s14 =	sadd.s32 $0x1, s14;
	[tilespmem:v12+s31+$0x0] =	vst.idx.msk $0xffff, v15  }
0x90: {  	v15 =	vld.idx.msk [tilespmem:v14+s8+$0x0], $0xffff  }
0x91: {  	v12 =	vld.idx.msk [tilespmem:v13+s31+$0x0], $0xffff;
	_ =	sdelay $0x3  }
0x92: {  	v14 =	vor.u32 v4, v11;
	_ =	sdelay $0x1  }
0x93: {  	v12 =	vmul.f32 v12, v15;
	_ =	sdelay $0x1  }
0x94: {  	[tilespmem:v13+s31+$0x0] =	vst.idx.msk $0xffff, v12  }
0x95: {  	v12 =	vld.idx.msk [tilespmem:v14+s31+$0x0], $0xffff;
	_ =	sdelay $0x3  }
0x96: {  	v13 =	vor.u32 v5, v11;
	_ =	sdelay $0x1  }
0x97: {  	v12 =	vmul.f32 v12, v15;
	_ =	sdelay $0x1  }
0x98: {  	[tilespmem:v14+s31+$0x0] =	vst.idx.msk $0xffff, v12  }
0x99: {  	v12 =	vld.idx.msk [tilespmem:v13+s31+$0x0], $0xffff;
	_ =	sdelay $0x3  }
0x9a: {  	v14 =	vor.u32 v6, v11;
	_ =	sdelay $0x1  }
0x9b: {  	v12 =	vmul.f32 v12, v15;
	_ =	sdelay $0x1  }
0x9c: {  	[tilespmem:v13+s31+$0x0] =	vst.idx.msk $0xffff, v12  }
0x9d: {  	v12 =	vld.idx.msk [tilespmem:v14+s31+$0x0], $0xffff;
	_ =	sdelay $0x3  }
0x9e: {  	v13 =	vor.u32 v7, v11;
	_ =	sdelay $0x1  }
0x9f: {  	v12 =	vmul.f32 v12, v15;
	_ =	sdelay $0x1  }
0xa0: {  	[tilespmem:v14+s31+$0x0] =	vst.idx.msk $0xffff, v12  }
0xa1: {  	v12 =	vld.idx.msk [tilespmem:v13+s31+$0x0], $0xffff;
	_ =	sdelay $0x3  }
0xa2: {  	v14 =	vor.u32 v8, v11;
	_ =	sdelay $0x1  }
0xa3: {  	v12 =	vmul.f32 v12, v15;
	_ =	sdelay $0x1  }
0xa4: {  	[tilespmem:v13+s31+$0x0] =	vst.idx.msk $0xffff, v12  }
0xa5: {  	v12 =	vld.idx.msk [tilespmem:v14+s31+$0x0], $0xffff;
	_ =	sdelay $0x3  }
0xa6: {  	v13 =	vor.u32 v9, v11;
	_ =	sdelay $0x1  }
0xa7: {  	v12 =	vmul.f32 v12, v15;
	_ =	sdelay $0x1  }
0xa8: {  	[tilespmem:v14+s31+$0x0] =	vst.idx.msk $0xffff, v12  }
0xa9: {  	v14 =	vld.idx.msk [tilespmem:v13+s31+$0x0], $0xffff;
	_ =	sdelay $0x3  }
0xaa: {  	v12 =	vor.u32 v10, v11;
	_ =	sdelay $0x1  }
0xab: {  	v11 =	vmul.f32 v14, v15;
	_ =	sdelay $0x1  }
0xac: {  	[tilespmem:v13+s31+$0x0] =	vst.idx.msk $0xffff, v11  }
0xad: {  	v16 =	vld.idx.msk [tilespmem:v12+s31+$0x0], $0xffff;
	_ =	sdelay $0x1  }
.Ltmp0:
0xae: {  	(pc) =	sbr.rel @p1 .LBB2_3-.Ltmp0, $4  }
0xaf: {  	v14 =	vmov s10  }
0xb0: {  	v11 =	vshll.u32 v14, $0x7  }
0xb1: {  	v13 =	vor.u32 v1, v11  }
0xb2: {  	v15 =	vmul.f32 v16, v15  }
0xb3: {  	_ =	sdelay $0x3  }
0xb4: {  	[tilespmem:v12+s31+$0x0] =	vst.idx.msk $0xffff, v15  }
0xb5: {  	v12 =	vld.idx.msk [tilespmem:v14+s8+$0x0], $0xffff  }
0xb6: {  	v57 =	vld.idx.msk [tilespmem:v13+s31+$0x0], $0xffff;
	_ =	sdelay $0x2  }
0xb7: {  	v58 =	vor.u32 v4, v11;
	_ =	sdelay $0x1  }
0xb8: {  	v14 =	vmul.f32 v57, v12;
	_ =	sdelay $0x1  }
0xb9: {  	[tilespmem:v13+s31+$0x0] =	vst.idx.msk $0xffff, v14  }
0xba: {  	v13 =	vld.idx.msk [tilespmem:v58+s31+$0x0], $0xffff;
	_ =	sdelay $0x2  }
0xbb: {  	v59 =	vor.u32 v5, v11;
	_ =	sdelay $0x1  }
0xbc: {  	v13 =	vmul.f32 v13, v12;
	_ =	sdelay $0x1  }
0xbd: {  	[tilespmem:v58+s31+$0x0] =	vst.idx.msk $0xffff, v13  }
0xbe: {  	v13 =	vld.idx.msk [tilespmem:v59+s31+$0x0], $0xffff;
	_ =	sdelay $0x2  }
0xbf: {  	v60 =	vor.u32 v6, v11;
	_ =	sdelay $0x1  }
0xc0: {  	v13 =	vmul.f32 v13, v12;
	_ =	sdelay $0x1  }
0xc1: {  	[tilespmem:v59+s31+$0x0] =	vst.idx.msk $0xffff, v13  }
0xc2: {  	v13 =	vld.idx.msk [tilespmem:v60+s31+$0x0], $0xffff;
	_ =	sdelay $0x2  }
0xc3: {  	v61 =	vor.u32 v7, v11;
	_ =	sdelay $0x1  }
0xc4: {  	v13 =	vmul.f32 v13, v12;
	_ =	sdelay $0x1  }
0xc5: {  	[tilespmem:v60+s31+$0x0] =	vst.idx.msk $0xffff, v13  }
0xc6: {  	v13 =	vld.idx.msk [tilespmem:v61+s31+$0x0], $0xffff;
	_ =	sdelay $0x2  }
0xc7: {  	v62 =	vor.u32 v8, v11;
	_ =	sdelay $0x1  }
0xc8: {  	v13 =	vmul.f32 v13, v12;
	_ =	sdelay $0x1  }
0xc9: {  	[tilespmem:v61+s31+$0x0] =	vst.idx.msk $0xffff, v13  }
0xca: {  	v13 =	vld.idx.msk [tilespmem:v62+s31+$0x0], $0xffff;
	_ =	sdelay $0x2  }
0xcb: {  	v63 =	vor.u32 v9, v11;
	_ =	sdelay $0x1  }
0xcc: {  	v13 =	vmul.f32 v13, v12;
	_ =	sdelay $0x1  }
0xcd: {  	[tilespmem:v62+s31+$0x0] =	vst.idx.msk $0xffff, v13  }
0xce: {  	v13 =	vld.idx.msk [tilespmem:v63+s31+$0x0], $0xffff;
	_ =	sdelay $0x2  }
0xcf: {  	v11 =	vor.u32 v10, v11;
	_ =	sdelay $0x1  }
0xd0: {  	v13 =	vmul.f32 v13, v12;
	_ =	sdelay $0x1  }
0xd1: {  	[tilespmem:v63+s31+$0x0] =	vst.idx.msk $0xffff, v13  }
0xd2: {  	v13 =	vld.idx.msk [tilespmem:v11+s31+$0x0], $0xffff;
	_ =	sdelay $0x4  }
0xd3: {  	s13 =	sadd.s32 $0x1, s13;
	v12 =	vmul.f32 v13, v12  }
0xd4: {  	p1 =	sne.s32 s13, $0x271  }
.Ltmp1:
0xd5: {  	[tilespmem:v11+s31+$0x0] =	vst.idx.msk $0xffff, v12;
	(pc) =	sbr.rel @p1 .LBB2_2-.Ltmp1, $4  }
0xd6: {  	[spmem:s3] =	stream.indirect.scatter.add.f32 [tilespmem:s31], [sflag:$0x2], $0x80, s29, s30, $0xb8;
	[tilespmem:$0x1C180] =	vst v63  }
0xd7: {  	_ =	swait.ge [sflag:s23], $0x800  }
0xd8: {  	[sflag:s23] =	ssyncset.done $0x0  }
0xd9: {  	[sflag:s23] =	ssyncadd.s32 $0xFFFFF800  }
0xda: {  	[bflag:$0x0] =	sbarrier.arrive $0xFFFF;
	s10 =	simm.s32 @p0 $0x2  }
0xdb: {  	[hbm:s17], [sflag:s11] =	dma.local @p0 [spmem:s20], $0x1900  }
0xdc: {  	_ =	swait.ge @p0 [sflag:s10], $0x1900  }
0xdd: {  	[sflag:s10] =	ssyncset.done @p0 $0x0  }
0xde: {  	[sflag:s10] =	ssyncadd.s32 @p0 $0xFFFFE700;
	s10 =	rddreg [dreg:$0xd]  }
0xdf: {  	[hbm:s10], [sflag:s11] =	dma.local @!p0 [spmem:s22], $0x2800  }
0xe0: {  	s10 =	simm.s32 @!p0 $0x2  }
0xe1: {  	s9 =	sadd.s32 $0x1, s9;
	_ =	swait.ge @!p0 [sflag:s10], $0x2800  }
0xe2: {  	p1 =	sne.s32 s9, s19;
	[sflag:s10] =	ssyncset.done @!p0 $0x0  }
.Ltmp2:
0xe3: {  	[sflag:s10] =	ssyncadd.s32 @!p0 $0xFFFFD800;
	(pc) =	sbr.rel @p1 .LBB2_1-.Ltmp2, $4  }
0xe4: {  	[hbm:s18], [sflag:s11] =	dma.local [spmem:s12], $0x500  }
0xe5: {  	_ =	swait.ge [sflag:s23], $0x500  }
0xe6: {  	[sflag:s23] =	ssyncset.done $0x0  }
0xe7: {  	[sflag:s23] =	ssyncadd.s32 $0xFFFFFB00  }
0xe8: {  	_ =	sfence.sel $0x180000  }
0xe9: {  	[bflag:$0x0] =	sbarrier.arrive $0xFFFF  }
0xea: {  	_ =	strace $0x90000047  }
0xeb: {  	s0 =	stileid.u32;
	[bflag:$0x2] =	sbarrier.arrive $0xFFFF  }
0xec: {  	p0 =	sne.s32 s0, $0x0;
	s0 =	rddreg [dreg:$0x5]  }
0xed: {  	s0 =	sadd.s32 @!p0 $0x100000, s0  }
0xee: {  	[sflag:s0] =	ssyncadd.tile.s32 @!p0 $0x1;
	_ =	shalt  }
.Lfunc_end2:
_tile_overlayer_lowered:
.L_overlay_start_2:
0xef: {  	(tag) =	ssettag $0x2  }
0xf0: {  	s0 =	rddreg [dreg:$0x0];
	s2 =	stileid.u32  }
0xf1: {  	s1 =	rddreg [dreg:$0x1];
	p0 =	sne.s32 s2, $0x0  }
0xf2: {  	s3 =	rddreg [dreg:$0x2];
	[bflag:$0x3] =	sbarrier.arrive $0xFFFF;
	s2 =	simm.s32 @!p0 $0x1C02  }
0xf3: {  	[timem:s3], [sflag:s2] =	dma.local @!p0 [hbm:s0], s1  }
0xf4: {  	s0 =	simm.s32 @!p0 $0x2  }
0xf5: {  	_ =	swait.ge @!p0 [sflag:s0], s1  }
0xf6: {  	s1 =	ssub.s32 @!p0 $0x0, s1;
	[sflag:s0] =	ssyncset.done @!p0 $0x0  }
0xf7: {  	[sflag:s0] =	ssyncadd.s32 @!p0 s1  }
0xf8: {  	[bflag:$0x3] =	sbarrier.arrive $0xFFFF  }
0xf9: {  	_ =	shalt  }

// kernel: kernel.21.cloned.1.call-start
scs
__scs_entry_jumppad:
0x0: {  	(pc) =	sbr.rel $0x88, $3  }
0x1: {  	(tag) =	ssettag $0x0;
	lr =	simm.s32 $0x1  }
0x2: {  	[smem:$0x3F8B] =	sst lr;
	_ =	strace $0xD0000000  }
0x3: {  	_ = 	snop  }
0x4: {  	_ = 	snop  }
0x5: {  	_ = 	snop  }
0x6: {  	_ = 	snop  }
0x7: {  	_ = 	snop  }
__scs_overlays_trampoline_lowered:
0x8: {  	[smem:$0x3F9A] =	sst s0  }
0x9: {  	[smem:$0x3F9B] =	sst s1  }
0xa: {  	[smem:$0x3F9C] =	sst s2  }
0xb: {  	[smem:$0x3F9D] =	sst s3  }
0xc: {  	[smem:$0x3F9E] =	sst s4  }
0xd: {  	[smem:$0x3F9F] =	sst s5  }
0xe: {  	[smem:$0x3FA0] =	sst s6  }
0xf: {  	[smem:$0x3FA1] =	sst s7  }
0x10: {  	[smem:$0x3FA2] =	sst s8  }
0x11: {  	[smem:$0x3FA3] =	sst s9;
	s0 =	simm.s32 @!p0 $0x0  }
0x12: {  	s1 =	sld [smem:$0x3F89];
	s0 =	simm.s32 @p0 $0x1  }
0x13: {  	[smem:$0x3FA4] =	sst s0;
	s0 =	simm.s32 @!p1 $0x0  }
0x14: {  	s2 =	sld [smem:$0x3F88];
	s0 =	simm.s32 @p1 $0x1  }
0x15: {  	[smem:$0x3FA5] =	sst s0;
	s0 =	simm.s32 @!p2 $0x0  }
0x16: {  	s3 =	sld [smem:$0x3FDB];
	s0 =	simm.s32 @p2 $0x1  }
0x17: {  	s4 =	simm.s32 $0x1BF5;
	[smem:$0x3FA7] =	sst s0  }
0x18: {  	s0 =	sld [smem:$0x3F8A];
	_ =	swait.ge [sflag:s4], $0x0  }
0x19: {  	s7 =	sld [smem:$0x3F8B]  }
0x1a: {  	s8 =	sadd.s32 $0xFFFFE003, lr  }
0x1b: {  	s9 =	sadd.s32 $0xFFFFFEF7, lr;
	s5 =	simm.s32 $0xFFFFFFFF;
	p2 =	slt.u32 s8, $0xFFFFF086  }
0x1c: {  	p1 =	slt.u32 s9, $0xF7A;
	s5 =	simm.s32 @!p2 $0x0  }
0x1d: {  	s5 =	simm.s32 @p1 $0x1;
	p0 =	seq.s32 s7, s2  }
0x1e: {  	s7 =	smul.u32 @!p0 $0xF7A, s2;
	p2 =	seq.s32 @!p0 s5, $0x0  }
0x1f: {  	s9 =	smul.u32 $0xF7A, s1;
	s8 =	simm.s32 @!p0 $0x1BF5;
	p2 =	por !p2, p0  }
0x20: {  	[sflag:s8] =	ssyncset.s32 @!p0 $0xFFFFF086;
	s6 =	sadd.s32 @!p0 s3, s7;
	s7 =	simm.s32 @!p0 $0x108  }
0x21: {  	s3 =	sadd.s32 s3, s9;
	s6 =	sadd.s32 @!p0 $0x88, s6;
	s7 =	simm.s32 @p2 $0x1082  }
0x22: {  	[simem:s7], [sflag:s8] =	dma.local @!p0 [hbm:s6], $0xF7A  }
0x23: {  	s9 =	sor.u32 $0xD0000000, s2;
	s6 =	simm.s32 $0x108;
	_ =	swait.ge @!p0 [sflag:s8], $0x0  }
0x24: {  	s3 =	sadd.s32 $0x88, s3;
	s6 =	simm.s32 @!p1 $0x1082;
	[sflag:s4] =	ssyncset.s32 $0xFFFFF086  }
0x25: {  	[simem:s6], [sflag:s4] =	dma.local [hbm:s3], $0xF7A  }
0x26: {  	[smem:$0x3F8B] =	sst s1;
	(tag) =	ssettag s2;
	_ =	strace s9  }
0x27: {  	s1 =	sld [smem:$0x3F9B]  }
0x28: {  	s2 =	sld [smem:$0x3F9C]  }
0x29: {  	s4 =	sld [smem:$0x3F9E]  }
0x2a: {  	p0 =	seq.s32 s5, $0x0;
	s5 =	sld [smem:$0x3F9F]  }
0x2b: {  	s6 =	sld [smem:$0x3FA0]  }
0x2c: {  	s7 =	sld [smem:$0x3FA1]  }
0x2d: {  	s3 =	simm.s32 $0x108;
	s8 =	sld [smem:$0x3FA2]  }
0x2e: {  	s3 =	simm.s32 @!p0 $0x1082;
	s9 =	sld [smem:$0x3FA3]  }
0x2f: {  	lr =	sadd.s32 s0, s3;
	s0 =	sld [smem:$0x3F9A]  }
0x30: {  	s3 =	sld [smem:$0x3F9D]  }
0x31: {  	[smem:$0x3FA6] =	sst s10  }
0x32: {  	s10 =	sld [smem:$0x3FA4];
	_ =	sdelay $0x3  }
0x33: {  	p0 =	seq.s32 s10, $0x1;
	s10 =	sld [smem:$0x3FA6];
	_ =	sdelay $0x3  }
0x34: {  	[smem:$0x3FA6] =	sst s10  }
0x35: {  	s10 =	sld [smem:$0x3FA5];
	_ =	sdelay $0x3  }
0x36: {  	p1 =	seq.s32 s10, $0x1;
	s10 =	sld [smem:$0x3FA6];
	_ =	sdelay $0x3  }
0x37: {  	[smem:$0x3FA6] =	sst s10  }
0x38: {  	s10 =	sld [smem:$0x3FA7]  }
0x39: {  	_ = 	snop;
	(pc) =	sbr.ind lr, $3  }
0x3a: {  	_ = 	snop  }
0x3b: {  	_ = 	snop  }
0x3c: {  	p2 =	seq.s32 s10, $0x1;
	s10 =	sld [smem:$0x3FA6]  }
0x3d: {  	_ =	shalt  }
0x3e: {  	_ =	shalt  }
0x3f: {  	_ =	shalt  }
0x40: {  	_ =	shalt  }
0x41: {  	_ =	shalt  }
0x42: {  	_ =	shalt  }
0x43: {  	_ =	shalt  }
0x44: {  	_ =	shalt  }
0x45: {  	_ =	shalt  }
0x46: {  	_ =	shalt  }
0x47: {  	_ =	shalt  }
0x48: {  	_ =	shalt  }
0x49: {  	_ =	shalt  }
0x4a: {  	_ =	shalt  }
0x4b: {  	_ =	shalt  }
0x4c: {  	_ =	shalt  }
0x4d: {  	_ =	shalt  }
0x4e: {  	_ =	shalt  }
0x4f: {  	_ =	shalt  }
0x50: {  	_ =	shalt  }
0x51: {  	_ =	shalt  }
0x52: {  	_ =	shalt  }
0x53: {  	_ =	shalt  }
0x54: {  	_ =	shalt  }
0x55: {  	_ =	shalt  }
0x56: {  	_ =	shalt  }
0x57: {  	_ =	shalt  }
0x58: {  	_ =	shalt  }
0x59: {  	_ =	shalt  }
0x5a: {  	_ =	shalt  }
0x5b: {  	_ =	shalt  }
0x5c: {  	_ =	shalt  }
0x5d: {  	_ =	shalt  }
0x5e: {  	_ =	shalt  }
0x5f: {  	_ =	shalt  }
0x60: {  	_ =	shalt  }
0x61: {  	_ =	shalt  }
0x62: {  	_ =	shalt  }
0x63: {  	_ =	shalt  }
0x64: {  	_ =	shalt  }
0x65: {  	_ =	shalt  }
0x66: {  	_ =	shalt  }
0x67: {  	_ =	shalt  }
0x68: {  	_ =	shalt  }
0x69: {  	_ =	shalt  }
0x6a: {  	_ =	shalt  }
0x6b: {  	_ =	shalt  }
0x6c: {  	_ =	shalt  }
0x6d: {  	_ =	shalt  }
0x6e: {  	_ =	shalt  }
0x6f: {  	_ =	shalt  }
0x70: {  	_ =	shalt  }
0x71: {  	_ =	shalt  }
0x72: {  	_ =	shalt  }
0x73: {  	_ =	shalt  }
0x74: {  	_ =	shalt  }
0x75: {  	_ =	shalt  }
0x76: {  	_ =	shalt  }
0x77: {  	_ =	shalt  }
0x78: {  	_ =	shalt  }
0x79: {  	_ =	shalt  }
0x7a: {  	_ =	shalt  }
0x7b: {  	_ =	shalt  }
0x7c: {  	_ =	shalt  }
0x7d: {  	_ =	shalt  }
0x7e: {  	_ =	shalt  }
0x7f: {  	_ =	shalt  }
0x80: {  	_ =	shalt  }
0x81: {  	_ =	shalt  }
0x82: {  	_ =	shalt  }
0x83: {  	_ =	shalt  }
0x84: {  	_ =	shalt  }
0x85: {  	_ =	shalt  }
0x86: {  	_ =	shalt  }
0x87: {  	_ =	shalt  }
.Lfunc_end0:
.L_simem_size_0:
called_computation.3_lowered:
.L_overlay_start_0:
0x88: {  	s2 =	sld [smem:$0x3FD9]  }
0x89: {  	s3 =	sld [smem:$0x3FFE];
	_ =	sdelay $0x1  }
0x8a: {  	s1 =	srdreg.scid  }
0x8b: {  	s0 =	sand.u32 $0x1, s1  }
0x8c: {  	s17 =	sshll.u32 s0, $0xA;
	s2 =	sadd.s32 s3, s2  }
0x8d: {  	s2 =	sadd.s32 s2, s17  }
0x8e: {  	[smem:$0x3FB2] =	sst s2  }
0x8f: {  	_ = 	snop  }
0x90: {  	s18 =	sld [smem:$0x3FC1]  }
0x91: {  	s4 =	sld [smem:$0x3FC0];
	(tm) =	ssettm $0x1  }
0x92: {  	s19 =	sld [smem:$0x3FFB];
	_ =	sdelay $0x3  }
0x93: {  	_ =	strace s19  }
0x94: {  	s2 =	sld [smem:$0x3FFC];
	_ =	sdelay $0x3  }
0x95: {  	_ =	strace s2  }
0x96: {  	s2 =	sld [smem:$0x3FFD];
	_ =	sdelay $0x3  }
0x97: {  	_ =	strace s2  }
0x98: {  	_ =	strace $0x8FFFFFFF  }
0x99: {  	s20 =	sld [smem:$0x3FDB];
	_ =	sdelay $0x1  }
0x9a: {  	s5 =	simm.s32 $_scs_section_size  }
0x9b: {  	s6 =	simm.s32 $_size__tile_overlayer_lowered;
	s7 =	simm.s32 $_tile_overlayer_lowered  }
0x9c: {  	s8 =	simm.s32 $0x1BFF;
	s21 =	sshll.u32 s7, $0x1;
	s5 =	sadd.s32 s5, s20  }
0x9d: {  	s22 =	simm.s32 $0x0;
	s6 =	sshll.u32 s6, $0x1;
	s7 =	sadd.s32 s21, s5  }
0x9e: {  	[timem:s22], [sflag:s8] =	dma.local [hbm:s7], s6  }
0x9f: {  	_ =	swait.ge [sflag:s8], s6  }
0xa0: {  	s6 =	ssub.s32 $0x0, s6;
	[sflag:s8] =	ssyncset.done $0x0  }
0xa1: {  	[sflag:s8] =	ssyncadd.s32 s6;
	_ =	sdelay $0x1  }
0xa2: {  	s23 =	simm.s32 $0x1B8B  }
0xa3: {  	_ =	swait.ge [sflag:s23], $0x1  }
0xa4: {  	[sflag:s23] =	ssyncset.done $0x0  }
0xa5: {  	[sflag:s23] =	ssyncadd.s32 $0xFFFFFFFF  }
0xa6: {  	s6 =	sld [smem:$0x0]  }
0xa7: {  	s7 =	sand.u32 $0xFFFFFFFE, s1  }
0xa8: {  	p0 =	sne.s32 s1, s7  }
0xa9: {  	s7 =	sshll.u32 @p0 s7, $0xE  }
0xaa: {  	s7 =	sadd.s32 @p0 $0x11B8D, s7;
	s8 =	sshll.u32 @p0 s6, $0x11  }
0xab: {  	s7 =	sor.u32 @p0 s8, s7  }
0xac: {  	[sflag:s7] =	ssyncadd.remote.s32 @p0 $0x1;
	_ =	sdelay $0x1  }
0xad: {  	s7 =	simm.s32 @p0 $0x1B8D  }
0xae: {  	_ =	swait.eq @p0 [sflag:s7], $0x1  }
0xaf: {  	[sflag:s7] =	ssyncadd.s32 @p0 $0xFFFFFFFF  }
0xb0: {  	s8 =	sshll.u32 @!p0 s1, $0xE  }
0xb1: {  	s8 =	sor.u32 @!p0 $0x4000, s8;
	s7 =	simm.s32 @!p0 $0x1B8D  }
0xb2: {  	s6 =	sshll.u32 @!p0 s6, $0x11;
	s8 =	sadd.s32 @!p0 $0x11B8D, s8;
	_ =	swait.eq @!p0 [sflag:s7], $0x1  }
0xb3: {  	s6 =	sor.u32 @!p0 s6, s8;
	[sflag:s7] =	ssyncadd.s32 @!p0 $0xFFFFFFFF  }
0xb4: {  	s25 =	simm.s32 $0x1B8E;
	s24 =	sld [smem:$0x3FFE];
	[sflag:s6] =	ssyncadd.remote.s32 @!p0 $0x1  }
0xb5: {  	s26 =	simm.s32 $execute0_lowered;
	[smem:$0x3FD2] =	sst s25  }
0xb6: {  	s7 =	sshll.u32 s26, $0x1;
	_ =	strace $0x8000004C;
	[dreg:$0x1] =	wrdreg $0xFFFFFFFF  }
0xb7: {  	s28 =	simm.s32 $_size_execute0_lowered;
	s5 =	sadd.s32 s5, s7;
	[dreg:$0x0] =	wrdreg $0x0  }
0xb8: {  	s7 =	sshll.u32 s28, $0x1;
	[dreg:$0x2] =	wrdreg s5  }
0xb9: {  	[dreg:$0x3] =	wrdreg s7  }
0xba: {  	[dreg:$0x4] =	wrdreg $0xC0  }
0xbb: {  	_ =	task [dreg:s22], $0x5FFFF  }
0xbc: {  	[dreg:$0x1] =	wrdreg $0xFFFFFFFF  }
0xbd: {  	[dreg:$0x0] =	wrdreg $0x60  }
0xbe: {  	[dreg:$0x2] =	wrdreg s24  }
0xbf: {  	[dreg:$0x3] =	wrdreg s18  }
0xc0: {  	[dreg:$0x4] =	wrdreg s4  }
0xc1: {  	[dreg:$0x5] =	wrdreg $0x0  }
0xc2: {  	[dreg:$0x6] =	wrdreg $0x138800  }
0xc3: {  	[dreg:$0x7] =	wrdreg $0xC  }
0xc4: {  	_ =	task.clear_ibuf [dreg:s22], $0x8FFFF;
	_ =	strace $0x9000004C  }
0xc5: {  	s29 =	simm.s32 $0xC;
	_ =	strace $0x8000004E  }
0xc6: {  	_ =	swait.ge [sflag:s29], $0x1  }
0xc7: {  	[sflag:s29] =	ssyncadd.s32 $0xFFFFFFFF  }
0xc8: {  	_ =	strace $0x9000004E  }
0xc9: {  	_ =	sfence  }
0xca: {  	s30 =	sld [smem:$0x0];
	_ =	sdelay $0x2  }
0xcb: {  	s31 =	sshll.u32 s1, $0xD;
	s1 =	sshrl.u32 s1, $0x2  }
0xcc: {  	s4 =	sand.u32 $0x4000, s31;
	s1 =	sadd.s32 s1, s30  }
0xcd: {  	s0 =	sor.u32 s4, s0;
	s1 =	sshll.u32 s1, $0x11  }
0xce: {  	s0 =	sor.u32 s1, s0  }
0xcf: {  	s0 =	sadd.s32 $0x8F2B, s0  }
0xd0: {  	[sflag:s0] =	ssyncadd.remote.s32 $0x1  }
0xd1: {  	_ =	sfence.sel $0xFFFF  }
0xd2: {  	[dreg:$0x0] =	wrdreg $0xFFFFFFFF;
	(pc) =	sbr.abs _section_cstart, $3  }
0xd3: {  	[dreg:$0x1] =	wrdreg $0xFFFFFFFF  }
0xd4: {  	_ =	task.clear_ibuf [dreg:s22], $0x2FFFF;
	_ =	strace $0x9FFFFFFF  }
0xd5: {  	(tm) =	ssettm $0x7FFFFFFF  }
tec
execute0_lowered:
.L_overlay_start_1:
0x0: {  	(tag) =	ssettag $0x1  }
0x1: {  	s0 =	rddreg [dreg:$0x0]  }
0x2: {  	s1 =	rddreg [dreg:$0x1]  }
0x3: {  	s2 =	rddreg [dreg:$0x2]  }
0x4: {  	s3 =	rddreg [dreg:$0x3]  }
0x5: {  	s5 =	rddreg [dreg:$0x4]  }
0x6: {  	s6 =	simm.s32 $0x0;
	s4 =	srdreg.scid;
	s16 =	stileid.u32  }
0x7: {  	s28 =	simm.s32 $0x1AF80;
	s29 =	simm.s32 $0x1B000;
	s30 =	simm.s32 $0x10  }
0x8: {  	s31 =	simm.s32 $0x1B180;
	[smem:$0x7FF] =	sst s6;
	s4 =	sand.u32 $0x1, s4  }
0x9: {  	s8 =	smul.u32 $0x2800, s16;
	s7 =	sadd.s32 $0x2B800, s0;
	s10 =	sadd.s32 $0x2B200, s0  }
0xa: {  	s20 =	sadd.s32 $0x53000, s0;
	s17 =	sadd.s32 $0x53600, s0;
	s13 =	smul.u32 $0x50000, s16  }
0xb: {  	s21 =	sadd.s32 $0x15CA00, s0;
	s22 =	sshll.u32 s16, $0x1;
	s14 =	smul.u32 $0xA000, s16  }
0xc: {  	s23 =	smul.u32 $0x14000, s16;
	_ =	strace $0x8000004D;
	[dreg:$0x6] =	wrdreg s10  }
0xd: {  	p0 =	seq.s32 s16, $0xF;
	s9 =	smul.u32 $0x28000, s4;
	[dreg:$0x7] =	wrdreg s20  }
0xe: {  	s11 =	ssub.s32 $0x2, s4;
	s20 =	sadd.s32 $0x12C000, s3;
	[dreg:$0x8] =	wrdreg s17  }
0xf: {  	s12 =	sshrl.u32 s11, $0x1;
	s13 =	sshrl.u32 s13, $0x2;
	s15 =	sadd.s32 s17, s8  }
0x10: {  	s14 =	sshrl.u32 s14, $0x2;
	s25 =	sshrl.u32 s8, $0x3;
	s20 =	sshrl.u32 @p0 s20, $0x3  }
0x11: {  	s9 =	sadd.s32 s8, s9;
	s11 =	ssub.s32 s11, s12;
	s12 =	sor.u32 s4, s22  }
0x12: {  	s13 =	sadd.s32 s13, s3;
	[dreg:$0x9] =	wrdreg s15;
	s4 =	smul.u32 $0x138800, s4  }
0x13: {  	s24 =	sadd.s32 s14, s5;
	s8 =	simm.s32 $0x1B100;
	s9 =	sshrl.u32 s9, $0x3  }
0x14: {  	[dreg:$0xb] =	wrdreg s24;
	s15 =	smul.u32 $0x2710, s12;
	s19 =	smax.u32 s11, $0x1  }
0x15: {  	s22 =	sshrl.u32 @!p0 s13, $0x3;
	s24 =	simm.s32 $0x1B980;
	s9 =	sadd.s32 s9, s0  }
0x16: {  	s0 =	sadd.s32 $0x78E00, s0;
	s26 =	sadd.s32 s23, s4;
	s4 =	sshrl.u32 s4, $0x3  }
0x17: {  	s23 =	simm.s32 $0x2;
	[dreg:$0xa] =	wrdreg s0;
	s0 =	sadd.s32 s17, s25  }
0x18: {  	s4 =	sadd.s32 s21, s4;
	s18 =	sadd.s32 $0x152A00, s9;
	s25 =	simm.s32 $0x16080  }
0x19: {  	v0 =	vimm.f32 $0.0e+00;
	v1 =	vlaneseq.u32;
	s9 =	simm.s32 $0x0;
	[dreg:$0xc] =	wrdreg s0;
	s0 =	sshrl.u32 s26, $0x3  }
0x1a: {  	v2 =	vimm.s32 $0x0;
	v3 =	vmul.u32 $0x81, v1;
	v4 =	vor.u32 $0x10, v1;
	s17 =	sadd.s32 $0x25800, s4;
	s26 =	simm.s32 $0x18800;
	s0 =	sadd.s32 s21, s0  }
0x1b: {  	v5 =	vor.u32 $0x20, v1;
	v6 =	vor.u32 $0x30, v1;
	v7 =	vor.u32 $0x40, v1;
	s4 =	simm.s32 $0x1B080;
	[dreg:$0xd] =	wrdreg s0;
	s0 =	sshll.u32 @!p0 s16, $0x6  }
0x1c: {  	v8 =	vor.u32 $0x50, v1;
	v9 =	vor.u32 $0x60, v1;
	v10 =	vor.u32 $0x70, v1;
	s16 =	simm.s32 $0x0;
	s21 =	sor.u32 @!p0 $0x1C02, s0;
	s0 =	simm.s32 $0x1  }
.LBB2_1:
0x1d: {  	s10 =	simm.s32 @p0 $0x1FC2;
	s11 =	rddreg [dreg:$0xa]  }
0x1e: {  	[spmem:s20], [sflag:s10] =	dma.local @p0 [hbm:s11], $0x1900  }
0x1f: {  	s10 =	simm.s32 @p0 $0x2  }
0x20: {  	_ =	swait.ge @p0 [sflag:s10], $0x1900  }
0x21: {  	[sflag:s10] =	ssyncset.done @p0 $0x0  }
0x22: {  	[sflag:s10] =	ssyncadd.s32 @p0 $0xFFFFE700;
	s10 =	rddreg [dreg:$0x9]  }
0x23: {  	[spmem:s22], [sflag:s21] =	dma.local @!p0 [hbm:s10], $0x2800  }
0x24: {  	s14 =	stileid.u32;
	s10 =	simm.s32 @!p0 $0x2  }
0x25: {  	s11 =	sshll.u32 s14, $0x6;
	_ =	swait.ge @!p0 [sflag:s10], $0x2800  }
0x26: {  	s11 =	sor.u32 $0x1C02, s11;
	[sflag:s10] =	ssyncset.done @!p0 $0x0;
	s12 =	rddreg [dreg:$0xb]  }
0x27: {  	s13 =	rddreg [dreg:$0xc];
	[sflag:s10] =	ssyncadd.s32 @!p0 $0xFFFFD800;
	s12 =	sshrl.u32 s12, $0x3  }
0x28: {  	[spmem:s12], [sflag:s11] =	dma.local [hbm:s13], $0x500  }
0x29: {  	_ =	swait.ge [sflag:s23], $0x500  }
0x2a: {  	[sflag:s23] =	ssyncset.done $0x0  }
0x2b: {  	s14 =	rddreg [dreg:$0x8];
	[sflag:s23] =	ssyncadd.s32 $0xFFFFFB00  }
0x2c: {  	[tilespmem:s24], [sflag:$0x2] =	stream.linear.gather [hbm4b:s14+s6], $0x800, $0x38;
	[tilespmem:$0x1C180] =	vst v63  }
0x2d: {  	_ =	swait.ge [sflag:s23], $0x800  }
0x2e: {  	[sflag:s23] =	ssyncset.done $0x0  }
0x2f: {  	s13 =	rddreg [dreg:$0x6];
	[sflag:s23] =	ssyncadd.s32 $0xFFFFF800  }
0x30: {  	[tilespmem:s25], [sflag:$0x2] =	stream.linear.gather [hbm4b:s13+s6], $0x2780, $0x38;
	[tilespmem:$0x1C180] =	vst v63  }
0x31: {  	_ =	swait.ge [sflag:s23], $0x2780  }
0x32: {  	[sflag:s23] =	ssyncset.done $0x0  }
0x33: {  	s14 =	rddreg [dreg:$0x7];
	[sflag:s23] =	ssyncadd.s32 $0xFFFFD880  }
0x34: {  	[tilespmem:s26], [sflag:$0x2] =	stream.linear.gather [hbm4b:s14+s6], $0x2780, $0x38;
	[tilespmem:$0x1C180] =	vst v63  }
0x35: {  	_ =	swait.ge [sflag:s23], $0x2780  }
0x36: {  	[sflag:s23] =	ssyncset.done $0x0  }
0x37: {  	[sflag:s23] =	ssyncadd.s32 $0xFFFFD880  }
0x38: {  	s13 =	simm.s32 $0x0;
	[bflag:$0x0] =	sbarrier.arrive $0xFFFF  }
.LBB2_2:
0x39: {  	s10 =	sshll.u32 s13, $0x4  }
0x3a: {  	s10 =	sadd.s32 s15, s10  }
0x3b: {  	s10 =	sshrl.u32 s10, $0x3  }
0x3c: {  	s14 =	sadd.s32 s1, s10  }
0x3d: {  	[tilespmem:s28], [sflag:$0x2] =	stream.linear.gather [hbm4b:s14+s16], $0x10, $0x38;
	[tilespmem:$0x1C180] =	vst v63  }
0x3e: {  	_ =	swait.ge [sflag:s23], $0x10  }
0x3f: {  	[sflag:s23] =	ssyncset.done $0x0  }
0x40: {  	s10 =	sadd.s32 s2, s10;
	[sflag:s23] =	ssyncadd.s32 $0xFFFFFFF0  }
0x41: {  	[tilespmem:s29], [sflag:$0x2] =	stream.linear.gather [hbm4b:s10+s16], $0x10, $0x38;
	[tilespmem:$0x1C180] =	vst v63  }
0x42: {  	_ =	swait.ge [sflag:s23], $0x10  }
0x43: {  	[sflag:s23] =	ssyncset.done $0x0  }
0x44: {  	[sflag:s23] =	ssyncadd.s32 $0xFFFFFFF0  }
0x45: {  	[tilespmem:s31], [sflag:$0x1] =	stream.indirect.gather [hbm4b:s7+s30], $0x80, s28, s30, $0xb8;
	[tilespmem:$0x1C180] =	vst v63  }
0x46: {  	_ =	swait.ge [sflag:s0], $0x800  }
0x47: {  	[sflag:s0] =	ssyncset.done $0x0  }
0x48: {  	[sflag:s0] =	ssyncadd.s32 $0xFFFFF800  }
0x49: {  	v11 =	vld [tilespmem:$0x1B000]  }
0x4a: {  	v12 =	vld [tilespmem:$0x1AF80];
	_ =	sdelay $0x6  }
0x4b: {  	v13 =	vld.idx.msk [tilespmem:v11+s25+$0x0], $0xffff  }
0x4c: {  	v12 =	vld.idx.msk [tilespmem:v12+s26+$0x0], $0xffff;
	_ =	sdelay $0x4  }
0x4d: {  	v12 =	vadd.f32 v12, v13;
	_ =	sdelay $0x1  }
0x4e: {  	v13 =	vmul.f32 $2.000000030e-01, v12  }
0x4f: {  	vm0 =	vgt.f32 v12, $0.0e+00  }
0x50: {  	v12 =	vsel vm0, v12, v13  }
0x51: {  	v12 =	vmul.f32 $1.442695020e+00, v12  }
0x52: {  	v13 =	vshra.s32 v11, $0x1F  }
0x53: {  	(erf) = vpow2.f32 v12;
	v12 =	vshrl.u32 v13, $0x1D  }
0x54: {  	v12 =	vadd.s32 v12, v11  }
0x55: {  	v12 =	vshra.s32 v12, $0x3  }
0x56: {  	v13 =	vshll.u32 v12, $0x3  }
0x57: {  	v14 =	vsub.s32 v11, v13  }
0x58: {  	v14 =	vshll.u32 v14, $0x4  }
0x59: {  	vm15 =	vlt.s32 v11, $0x1;
	vm1 =	vne.s32 v11, v13;
	v14 =	vand.u32 $0x70, v14  }
0x5a: {  	vm0 =	vmand vm15, vm1;
	v11 =	vor.u32 v3, v14  }
0x5b: {  	v14 =	vsel vm0, $0xFFFFFFFF, v2  }
0x5c: {  	v12 =	vadd.s32 v14, v12  }
0x5d: {  	v13 =	vpop (erf);
	[tilespmem:$0x1B080] =	vst v12  }
0x5e: {  	[tilespmem:$0x1B100] =	vst v13  }
0x5f: {  	[tilespmem:v11+s24+$0x0] =	vst.idx.msk $0xffff, v13  }
0x60: {  	[spmem:s5] =	stream.indirect.scatter.add.f32 [tilespmem:s24], [sflag:$0x2], $0x80, s4, s30, $0xb8;
	[tilespmem:$0x1C180] =	vst v63  }
0x61: {  	_ =	swait.ge [sflag:s23], $0x800  }
0x62: {  	[sflag:s23] =	ssyncset.done $0x0  }
0x63: {  	[sflag:s23] =	ssyncadd.s32 $0xFFFFF800  }
0x64: {  	v11 =	vld [tilespmem:$0x1B000];
	_ =	sdelay $0x4  }
0x65: {  	v11 =	vshll.u32 v11, $0x4  }
0x66: {  	v11 =	vand.u32 $0x70, v11  }
0x67: {  	v12 =	vmov s16;
	v11 =	vor.u32 v3, v11  }
0x68: {  	v13 =	vshll.u32 v12, $0x7  }
0x69: {  	v14 =	vor.u32 v1, v13;
	_ =	sdelay $0x2  }
0x6a: {  	[tilespmem:v11+s24+$0x0] =	vst.idx.msk $0xffff, v0  }
0x6b: {  	v15 =	vld.idx.msk [tilespmem:v12+s8+$0x0], $0xffff  }
0x6c: {  	v11 =	vld.idx.msk [tilespmem:v14+s31+$0x0], $0xffff;
	_ =	sdelay $0x2  }
0x6d: {  	v12 =	vor.u32 v4, v13;
	_ =	sdelay $0x1  }
0x6e: {  	v11 =	vmul.f32 v11, v15;
	_ =	sdelay $0x1  }
0x6f: {  	[tilespmem:v14+s31+$0x0] =	vst.idx.msk $0xffff, v11  }
0x70: {  	v11 =	vld.idx.msk [tilespmem:v12+s31+$0x0], $0xffff;
	_ =	sdelay $0x2  }
0x71: {  	v14 =	vor.u32 v5, v13;
	_ =	sdelay $0x1  }
0x72: {  	v11 =	vmul.f32 v11, v15;
	_ =	sdelay $0x1  }
0x73: {  	[tilespmem:v12+s31+$0x0] =	vst.idx.msk $0xffff, v11  }
0x74: {  	v11 =	vld.idx.msk [tilespmem:v14+s31+$0x0], $0xffff;
	_ =	sdelay $0x2  }
0x75: {  	v12 =	vor.u32 v6, v13;
	_ =	sdelay $0x1  }
0x76: {  	v11 =	vmul.f32 v11, v15;
	_ =	sdelay $0x1  }
0x77: {  	[tilespmem:v14+s31+$0x0] =	vst.idx.msk $0xffff, v11  }
0x78: {  	v11 =	vld.idx.msk [tilespmem:v12+s31+$0x0], $0xffff;
	_ =	sdelay $0x2  }
0x79: {  	v14 =	vor.u32 v7, v13;
	_ =	sdelay $0x1  }
0x7a: {  	v11 =	vmul.f32 v11, v15;
	_ =	sdelay $0x1  }
0x7b: {  	[tilespmem:v12+s31+$0x0] =	vst.idx.msk $0xffff, v11  }
0x7c: {  	v11 =	vld.idx.msk [tilespmem:v14+s31+$0x0], $0xffff;
	_ =	sdelay $0x2  }
0x7d: {  	v12 =	vor.u32 v8, v13;
	_ =	sdelay $0x1  }
0x7e: {  	v11 =	vmul.f32 v11, v15;
	_ =	sdelay $0x1  }
0x7f: {  	[tilespmem:v14+s31+$0x0] =	vst.idx.msk $0xffff, v11  }
0x80: {  	v11 =	vld.idx.msk [tilespmem:v12+s31+$0x0], $0xffff;
	_ =	sdelay $0x2  }
0x81: {  	v14 =	vor.u32 v9, v13;
	_ =	sdelay $0x1  }
0x82: {  	v11 =	vmul.f32 v11, v15;
	_ =	sdelay $0x1  }
0x83: {  	[tilespmem:v12+s31+$0x0] =	vst.idx.msk $0xffff, v11  }
0x84: {  	v11 =	vld.idx.msk [tilespmem:v14+s31+$0x0], $0xffff;
	_ =	sdelay $0x2  }
0x85: {  	v12 =	vor.u32 v10, v13;
	_ =	sdelay $0x1  }
0x86: {  	v11 =	vmul.f32 v11, v15;
	_ =	sdelay $0x1  }
0x87: {  	[tilespmem:v14+s31+$0x0] =	vst.idx.msk $0xffff, v11  }
0x88: {  	v16 =	vld.idx.msk [tilespmem:v12+s31+$0x0], $0xffff  }
0x89: {  	s14 =	simm.s32 $0x1  }
0x8a: {  	v14 =	vmov s14  }
0x8b: {  	v11 =	vshll.u32 v14, $0x7  }
0x8c: {  	v13 =	vor.u32 v1, v11  }
0x8d: {  	s14 =	simm.s32 $0x2;
	v15 =	vmul.f32 v16, v15  }
.LBB2_3:
0x8e: {  	_ = 	snop  }
0x8f: {  	p1 =	sne.s32 s14, $0xF;
	s10 =	smov.u32 s14;
	s14 =	sadd.s32 $0x1, s14;
	[tilespmem:v12+s31+$0x0] =	vst.idx.msk $0xffff, v15  }
0x90: {  	v15 =	vld.idx.msk [tilespmem:v14+s8+$0x0], $0xffff  }
0x91: {  	v12 =	vld.idx.msk [tilespmem:v13+s31+$0x0], $0xffff;
	_ =	sdelay $0x3  }
0x92: {  	v14 =	vor.u32 v4, v11;
	_ =	sdelay $0x1  }
0x93: {  	v12 =	vmul.f32 v12, v15;
	_ =	sdelay $0x1  }
0x94: {  	[tilespmem:v13+s31+$0x0] =	vst.idx.msk $0xffff, v12  }
0x95: {  	v12 =	vld.idx.msk [tilespmem:v14+s31+$0x0], $0xffff;
	_ =	sdelay $0x3  }
0x96: {  	v13 =	vor.u32 v5, v11;
	_ =	sdelay $0x1  }
0x97: {  	v12 =	vmul.f32 v12, v15;
	_ =	sdelay $0x1  }
0x98: {  	[tilespmem:v14+s31+$0x0] =	vst.idx.msk $0xffff, v12  }
0x99: {  	v12 =	vld.idx.msk [tilespmem:v13+s31+$0x0], $0xffff;
	_ =	sdelay $0x3  }
0x9a: {  	v14 =	vor.u32 v6, v11;
	_ =	sdelay $0x1  }
0x9b: {  	v12 =	vmul.f32 v12, v15;
	_ =	sdelay $0x1  }
0x9c: {  	[tilespmem:v13+s31+$0x0] =	vst.idx.msk $0xffff, v12  }
0x9d: {  	v12 =	vld.idx.msk [tilespmem:v14+s31+$0x0], $0xffff;
	_ =	sdelay $0x3  }
0x9e: {  	v13 =	vor.u32 v7, v11;
	_ =	sdelay $0x1  }
0x9f: {  	v12 =	vmul.f32 v12, v15;
	_ =	sdelay $0x1  }
0xa0: {  	[tilespmem:v14+s31+$0x0] =	vst.idx.msk $0xffff, v12  }
0xa1: {  	v12 =	vld.idx.msk [tilespmem:v13+s31+$0x0], $0xffff;
	_ =	sdelay $0x3  }
0xa2: {  	v14 =	vor.u32 v8, v11;
	_ =	sdelay $0x1  }
0xa3: {  	v12 =	vmul.f32 v12, v15;
	_ =	sdelay $0x1  }
0xa4: {  	[tilespmem:v13+s31+$0x0] =	vst.idx.msk $0xffff, v12  }
0xa5: {  	v12 =	vld.idx.msk [tilespmem:v14+s31+$0x0], $0xffff;
	_ =	sdelay $0x3  }
0xa6: {  	v13 =	vor.u32 v9, v11;
	_ =	sdelay $0x1  }
0xa7: {  	v12 =	vmul.f32 v12, v15;
	_ =	sdelay $0x1  }
0xa8: {  	[tilespmem:v14+s31+$0x0] =	vst.idx.msk $0xffff, v12  }
0xa9: {  	v14 =	vld.idx.msk [tilespmem:v13+s31+$0x0], $0xffff;
	_ =	sdelay $0x3  }
0xaa: {  	v12 =	vor.u32 v10, v11;
	_ =	sdelay $0x1  }
0xab: {  	v11 =	vmul.f32 v14, v15;
	_ =	sdelay $0x1  }
0xac: {  	[tilespmem:v13+s31+$0x0] =	vst.idx.msk $0xffff, v11  }
0xad: {  	v16 =	vld.idx.msk [tilespmem:v12+s31+$0x0], $0xffff;
	_ =	sdelay $0x1  }
.Ltmp0:
0xae: {  	(pc) =	sbr.rel @p1 .LBB2_3-.Ltmp0, $4  }
0xaf: {  	v14 =	vmov s10  }
0xb0: {  	v11 =	vshll.u32 v14, $0x7  }
0xb1: {  	v13 =	vor.u32 v1, v11  }
0xb2: {  	v15 =	vmul.f32 v16, v15  }
0xb3: {  	_ =	sdelay $0x3  }
0xb4: {  	[tilespmem:v12+s31+$0x0] =	vst.idx.msk $0xffff, v15  }
0xb5: {  	v12 =	vld.idx.msk [tilespmem:v14+s8+$0x0], $0xffff  }
0xb6: {  	v57 =	vld.idx.msk [tilespmem:v13+s31+$0x0], $0xffff;
	_ =	sdelay $0x2  }
0xb7: {  	v58 =	vor.u32 v4, v11;
	_ =	sdelay $0x1  }
0xb8: {  	v14 =	vmul.f32 v57, v12;
	_ =	sdelay $0x1  }
0xb9: {  	[tilespmem:v13+s31+$0x0] =	vst.idx.msk $0xffff, v14  }
0xba: {  	v13 =	vld.idx.msk [tilespmem:v58+s31+$0x0], $0xffff;
	_ =	sdelay $0x2  }
0xbb: {  	v59 =	vor.u32 v5, v11;
	_ =	sdelay $0x1  }
0xbc: {  	v13 =	vmul.f32 v13, v12;
	_ =	sdelay $0x1  }
0xbd: {  	[tilespmem:v58+s31+$0x0] =	vst.idx.msk $0xffff, v13  }
0xbe: {  	v13 =	vld.idx.msk [tilespmem:v59+s31+$0x0], $0xffff;
	_ =	sdelay $0x2  }
0xbf: {  	v60 =	vor.u32 v6, v11;
	_ =	sdelay $0x1  }
0xc0: {  	v13 =	vmul.f32 v13, v12;
	_ =	sdelay $0x1  }
0xc1: {  	[tilespmem:v59+s31+$0x0] =	vst.idx.msk $0xffff, v13  }
0xc2: {  	v13 =	vld.idx.msk [tilespmem:v60+s31+$0x0], $0xffff;
	_ =	sdelay $0x2  }
0xc3: {  	v61 =	vor.u32 v7, v11;
	_ =	sdelay $0x1  }
0xc4: {  	v13 =	vmul.f32 v13, v12;
	_ =	sdelay $0x1  }
0xc5: {  	[tilespmem:v60+s31+$0x0] =	vst.idx.msk $0xffff, v13  }
0xc6: {  	v13 =	vld.idx.msk [tilespmem:v61+s31+$0x0], $0xffff;
	_ =	sdelay $0x2  }
0xc7: {  	v62 =	vor.u32 v8, v11;
	_ =	sdelay $0x1  }
0xc8: {  	v13 =	vmul.f32 v13, v12;
	_ =	sdelay $0x1  }
0xc9: {  	[tilespmem:v61+s31+$0x0] =	vst.idx.msk $0xffff, v13  }
0xca: {  	v13 =	vld.idx.msk [tilespmem:v62+s31+$0x0], $0xffff;
	_ =	sdelay $0x2  }
0xcb: {  	v63 =	vor.u32 v9, v11;
	_ =	sdelay $0x1  }
0xcc: {  	v13 =	vmul.f32 v13, v12;
	_ =	sdelay $0x1  }
0xcd: {  	[tilespmem:v62+s31+$0x0] =	vst.idx.msk $0xffff, v13  }
0xce: {  	v13 =	vld.idx.msk [tilespmem:v63+s31+$0x0], $0xffff;
	_ =	sdelay $0x2  }
0xcf: {  	v11 =	vor.u32 v10, v11;
	_ =	sdelay $0x1  }
0xd0: {  	v13 =	vmul.f32 v13, v12;
	_ =	sdelay $0x1  }
0xd1: {  	[tilespmem:v63+s31+$0x0] =	vst.idx.msk $0xffff, v13  }
0xd2: {  	v13 =	vld.idx.msk [tilespmem:v11+s31+$0x0], $0xffff;
	_ =	sdelay $0x4  }
0xd3: {  	s13 =	sadd.s32 $0x1, s13;
	v12 =	vmul.f32 v13, v12  }
0xd4: {  	p1 =	sne.s32 s13, $0x271  }
.Ltmp1:
0xd5: {  	[tilespmem:v11+s31+$0x0] =	vst.idx.msk $0xffff, v12;
	(pc) =	sbr.rel @p1 .LBB2_2-.Ltmp1, $4  }
0xd6: {  	[spmem:s3] =	stream.indirect.scatter.add.f32 [tilespmem:s31], [sflag:$0x2], $0x80, s29, s30, $0xb8;
	[tilespmem:$0x1C180] =	vst v63  }
0xd7: {  	_ =	swait.ge [sflag:s23], $0x800  }
0xd8: {  	[sflag:s23] =	ssyncset.done $0x0  }
0xd9: {  	[sflag:s23] =	ssyncadd.s32 $0xFFFFF800  }
0xda: {  	[bflag:$0x0] =	sbarrier.arrive $0xFFFF;
	s10 =	simm.s32 @p0 $0x2  }
0xdb: {  	[hbm:s17], [sflag:s11] =	dma.local @p0 [spmem:s20], $0x1900  }
0xdc: {  	_ =	swait.ge @p0 [sflag:s10], $0x1900  }
0xdd: {  	[sflag:s10] =	ssyncset.done @p0 $0x0  }
0xde: {  	[sflag:s10] =	ssyncadd.s32 @p0 $0xFFFFE700;
	s10 =	rddreg [dreg:$0xd]  }
0xdf: {  	[hbm:s10], [sflag:s11] =	dma.local @!p0 [spmem:s22], $0x2800  }
0xe0: {  	s10 =	simm.s32 @!p0 $0x2  }
0xe1: {  	s9 =	sadd.s32 $0x1, s9;
	_ =	swait.ge @!p0 [sflag:s10], $0x2800  }
0xe2: {  	p1 =	sne.s32 s9, s19;
	[sflag:s10] =	ssyncset.done @!p0 $0x0  }
.Ltmp2:
0xe3: {  	[sflag:s10] =	ssyncadd.s32 @!p0 $0xFFFFD800;
	(pc) =	sbr.rel @p1 .LBB2_1-.Ltmp2, $4  }
0xe4: {  	[hbm:s18], [sflag:s11] =	dma.local [spmem:s12], $0x500  }
0xe5: {  	_ =	swait.ge [sflag:s23], $0x500  }
0xe6: {  	[sflag:s23] =	ssyncset.done $0x0  }
0xe7: {  	[sflag:s23] =	ssyncadd.s32 $0xFFFFFB00  }
0xe8: {  	_ =	sfence.sel $0x180000  }
0xe9: {  	[bflag:$0x0] =	sbarrier.arrive $0xFFFF  }
0xea: {  	_ =	strace $0x9000004D  }
0xeb: {  	s0 =	stileid.u32;
	[bflag:$0x2] =	sbarrier.arrive $0xFFFF  }
0xec: {  	p0 =	sne.s32 s0, $0x0;
	s0 =	rddreg [dreg:$0x5]  }
0xed: {  	s0 =	sadd.s32 @!p0 $0x100000, s0  }
0xee: {  	[sflag:s0] =	ssyncadd.tile.s32 @!p0 $0x1;
	_ =	shalt  }
.Lfunc_end2:
_tile_overlayer_lowered:
.L_overlay_start_2:
0xef: {  	(tag) =	ssettag $0x2  }
0xf0: {  	s0 =	rddreg [dreg:$0x0];
	s2 =	stileid.u32  }
0xf1: {  	s1 =	rddreg [dreg:$0x1];
	p0 =	sne.s32 s2, $0x0  }
0xf2: {  	s3 =	rddreg [dreg:$0x2];
	[bflag:$0x3] =	sbarrier.arrive $0xFFFF;
	s2 =	simm.s32 @!p0 $0x1C02  }
0xf3: {  	[timem:s3], [sflag:s2] =	dma.local @!p0 [hbm:s0], s1  }
0xf4: {  	s0 =	simm.s32 @!p0 $0x2  }
0xf5: {  	_ =	swait.ge @!p0 [sflag:s0], s1  }
0xf6: {  	s1 =	ssub.s32 @!p0 $0x0, s1;
	[sflag:s0] =	ssyncset.done @!p0 $0x0  }
0xf7: {  	[sflag:s0] =	ssyncadd.s32 @!p0 s1  }
0xf8: {  	[bflag:$0x3] =	sbarrier.arrive $0xFFFF  }
0xf9: {  	_ =	shalt  }

</sc_bundles>
